<compile_context>
chip_gen: v7x
topology: tpu7x:2x2x1
jax: 0.10.2.dev20260603
libtpu: 0.0.44.dev20260713+nightly
codegen_flags: <defaults>
</compile_context>

<pallas_src>
import functools

import jax
import jax.numpy as jnp
from jax import lax
from jax.experimental import pallas as pl
from jax.experimental.pallas import tpu as pltpu
from jax.experimental.pallas import tpu_sc as plsc

N = 10000
E = 320000
NC = 2
NS = 16
NW = NC * NS
CHUNK = 128
CPW = 80
TOT_CHUNKS = NW * CPW
E_PAD = TOT_CHUNKS * CHUNK
ROWS_PER_TILE = 632
ACC_ROWS = N + 8
NBUF = 6
LEAD = 4


def _make_sc_scatter(D, spmem_tbl):
  mesh = plsc.VectorSubcoreMesh(
      core_axis_name="c", subcore_axis_name="s", num_cores=NC, num_subcores=NS)

  @functools.partial(
      pl.kernel,
      out_type=jax.ShapeDtypeStruct((NC, N, D), jnp.float32),
      mesh=mesh,
      compiler_params=pltpu.CompilerParams(use_tc_tiling_on_sc=False),
      scratch_types=[
          pltpu.VMEM((CPW, CHUNK), jnp.int32),
          pltpu.VMEM((CPW, CHUNK), jnp.int32),
          pltpu.VMEM((NBUF, CHUNK, D), jnp.float32),
          pltpu.VMEM_SHARED((ACC_ROWS, D), jnp.float32),
          pltpu.VMEM_SHARED((N, D), jnp.float32) if spmem_tbl else
          pltpu.VMEM((8, D), jnp.float32),
          pltpu.SemaphoreType.DMA((NBUF,)),
          pltpu.SemaphoreType.DMA((NBUF,)),
      ],
  )
  def k(table, srcp, dstp, zeros, out, src_all, dst_all, rows, acc, tbl, gsem,
        ssem):
    cid = lax.axis_index("c")
    sid = lax.axis_index("s")
    w = cid * NS + sid
    pltpu.sync_copy(srcp.at[pl.ds(w * CPW, CPW)], src_all)
    pltpu.sync_copy(dstp.at[pl.ds(w * CPW, CPW)], dst_all)
    row0 = jnp.minimum(sid * ROWS_PER_TILE, N - ROWS_PER_TILE)

    if True:
      if spmem_tbl:
        pltpu.sync_copy(table.at[pl.ds(row0, ROWS_PER_TILE)],
                        tbl.at[pl.ds(row0, ROWS_PER_TILE)])
        gsrc = tbl
      else:
        gsrc = table
      pltpu.sync_copy(zeros, acc.at[pl.ds(row0, ROWS_PER_TILE)])

      @pl.when(sid == 0)
      def _():
        pltpu.sync_copy(zeros.at[pl.ds(0, ACC_ROWS - N)],
                        acc.at[pl.ds(N, ACC_ROWS - N)])

      plsc.subcore_barrier()

      for b in range(LEAD):
        pltpu.async_copy(gsrc.at[src_all.at[b]], rows.at[b], gsem.at[b])

      def body(i, carry):
        b = lax.rem(i, NBUF)
        pltpu.make_async_copy(gsrc.at[src_all.at[i]], rows.at[b],
                              gsem.at[b]).wait()
        pltpu.async_copy(rows.at[b], acc.at[dst_all.at[i]], ssem.at[b],
                         add=True)
        j = i + LEAD

        @pl.when(j < CPW)
        def _():
          bj = lax.rem(j, NBUF)

          @pl.when(j >= NBUF)
          def _():
            pltpu.make_async_copy(rows.at[bj], acc.at[dst_all.at[j]],
                                  ssem.at[bj]).wait()

          pltpu.async_copy(gsrc.at[src_all.at[j]], rows.at[bj], gsem.at[bj])

        return carry

      lax.fori_loop(0, CPW, body, 0)
      for b in range(NBUF):
        pltpu.make_async_copy(rows.at[b], acc.at[dst_all.at[0]],
                              ssem.at[b]).wait()
      plsc.subcore_barrier()
      pltpu.sync_copy(
          acc.at[pl.ds(row0, ROWS_PER_TILE)],
          out.at[cid].at[pl.ds(row0, ROWS_PER_TILE)],
      )

  return k


def _make_sc_scatter_bf16(D):
  DW = D // 2
  mesh = plsc.VectorSubcoreMesh(
      core_axis_name="c", subcore_axis_name="s", num_cores=NC, num_subcores=NS)

  @functools.partial(
      pl.kernel,
      out_type=jax.ShapeDtypeStruct((NC, N, D), jnp.float32),
      mesh=mesh,
      compiler_params=pltpu.CompilerParams(use_tc_tiling_on_sc=False,
                                           needs_layout_passes=False),
      scratch_types=[
          pltpu.VMEM((CPW, CHUNK), jnp.int32),
          pltpu.VMEM((CPW, CHUNK), jnp.int32),
          pltpu.VMEM((NBUF, CHUNK, DW), jnp.int32),
          pltpu.VMEM((NBUF, CHUNK, D), jnp.float32),
          pltpu.VMEM_SHARED((ACC_ROWS, D), jnp.float32),
          pltpu.SemaphoreType.DMA((NBUF,)),
          pltpu.SemaphoreType.DMA((NBUF,)),
      ],
  )
  def k(table, srcp, dstp, zeros, out, src_all, dst_all, rows16, rowsf, acc,
        gsem, ssem):
    cid = lax.axis_index("c")
    sid = lax.axis_index("s")
    w = cid * NS + sid
    pltpu.sync_copy(srcp.at[pl.ds(w * CPW, CPW)], src_all)
    pltpu.sync_copy(dstp.at[pl.ds(w * CPW, CPW)], dst_all)
    row0 = jnp.minimum(sid * ROWS_PER_TILE, N - ROWS_PER_TILE)
    pltpu.sync_copy(zeros, acc.at[pl.ds(row0, ROWS_PER_TILE)])

    @pl.when(sid == 0)
    def _():
      pltpu.sync_copy(zeros.at[pl.ds(0, ACC_ROWS - N)],
                      acc.at[pl.ds(N, ACC_ROWS - N)])

    plsc.subcore_barrier()

    for b in range(LEAD):
      pltpu.async_copy(table.at[src_all.at[b]], rows16.at[b], gsem.at[b])

    def body(i, carry):
      b = lax.rem(i, NBUF)
      pltpu.make_async_copy(table.at[src_all.at[i]], rows16.at[b],
                            gsem.at[b]).wait()

      @pl.when(i >= NBUF)
      def _():
        pltpu.make_async_copy(rowsf.at[b], acc.at[dst_all.at[i]],
                              ssem.at[b]).wait()

      def conv(r, c):
        v = plsc.bitcast(rows16[b, r], jnp.bfloat16)
        lo, hi = plsc.unpack(v, format=plsc.PackFormat.INTERLEAVED)
        rowsf[b, r, pl.ds(0, DW)] = lo
        rowsf[b, r, pl.ds(DW, DW)] = hi
        return c

      lax.fori_loop(0, CHUNK, conv, 0, unroll=8)
      pltpu.async_copy(rowsf.at[b], acc.at[dst_all.at[i]], ssem.at[b],
                       add=True)
      j = i + LEAD

      @pl.when(j < CPW)
      def _():
        bj = lax.rem(j, NBUF)
        pltpu.async_copy(table.at[src_all.at[j]], rows16.at[bj], gsem.at[bj])

      return carry

    lax.fori_loop(0, CPW, body, 0)
    for b in range(NBUF):
      pltpu.make_async_copy(rowsf.at[b], acc.at[dst_all.at[0]],
                            ssem.at[b]).wait()
    plsc.subcore_barrier()
    pltpu.sync_copy(
        acc.at[pl.ds(row0, ROWS_PER_TILE)],
        out.at[cid].at[pl.ds(row0, ROWS_PER_TILE)],
    )

  return k


def _make_sc_scatter_split(D):
  DH = D // 2
  mesh = plsc.VectorSubcoreMesh(
      core_axis_name="c", subcore_axis_name="s", num_cores=NC, num_subcores=NS)

  @functools.partial(
      pl.kernel,
      out_type=[jax.ShapeDtypeStruct((NC, N, DH), jnp.float32),
                jax.ShapeDtypeStruct((NC, N, DH), jnp.float32)],
      mesh=mesh,
      compiler_params=pltpu.CompilerParams(use_tc_tiling_on_sc=False),
      scratch_types=[
          pltpu.VMEM((CPW, CHUNK), jnp.int32),
          pltpu.VMEM((CPW, CHUNK), jnp.int32),
          pltpu.VMEM((NBUF, CHUNK, DH), jnp.float32),
          pltpu.VMEM((NBUF, CHUNK, DH), jnp.float32),
          pltpu.VMEM_SHARED((ACC_ROWS, DH), jnp.float32),
          pltpu.VMEM_SHARED((ACC_ROWS, DH), jnp.float32),
          pltpu.VMEM_SHARED((N, DH), jnp.float32),
          pltpu.SemaphoreType.DMA((NBUF,)),
          pltpu.SemaphoreType.DMA((NBUF,)),
          pltpu.SemaphoreType.DMA((NBUF,)),
          pltpu.SemaphoreType.DMA((NBUF,)),
      ],
  )
  def k(tableA, tableB, srcp, dstp, zeros, outA, outB, src_all, dst_all,
        rowsA, rowsB, accA, accB, tblA, gsemA, gsemB, ssemA, ssemB):
    cid = lax.axis_index("c")
    sid = lax.axis_index("s")
    w = cid * NS + sid
    pltpu.sync_copy(srcp.at[pl.ds(w * CPW, CPW)], src_all)
    pltpu.sync_copy(dstp.at[pl.ds(w * CPW, CPW)], dst_all)
    row0 = jnp.minimum(sid * ROWS_PER_TILE, N - ROWS_PER_TILE)

    pltpu.sync_copy(tableA.at[pl.ds(row0, ROWS_PER_TILE)],
                    tblA.at[pl.ds(row0, ROWS_PER_TILE)])
    pltpu.sync_copy(zeros, accA.at[pl.ds(row0, ROWS_PER_TILE)])
    pltpu.sync_copy(zeros, accB.at[pl.ds(row0, ROWS_PER_TILE)])

    @pl.when(sid == 0)
    def _():
      pltpu.sync_copy(zeros.at[pl.ds(0, ACC_ROWS - N)],
                      accA.at[pl.ds(N, ACC_ROWS - N)])
      pltpu.sync_copy(zeros.at[pl.ds(0, ACC_ROWS - N)],
                      accB.at[pl.ds(N, ACC_ROWS - N)])

    plsc.subcore_barrier()

    for b in range(LEAD):
      pltpu.async_copy(tblA.at[src_all.at[b]], rowsA.at[b], gsemA.at[b])
      pltpu.async_copy(tableB.at[src_all.at[b]], rowsB.at[b], gsemB.at[b])

    def body(i, carry):
      b = lax.rem(i, NBUF)
      pltpu.make_async_copy(tblA.at[src_all.at[i]], rowsA.at[b],
                            gsemA.at[b]).wait()
      pltpu.async_copy(rowsA.at[b], accA.at[dst_all.at[i]], ssemA.at[b],
                       add=True)
      pltpu.make_async_copy(tableB.at[src_all.at[i]], rowsB.at[b],
                            gsemB.at[b]).wait()
      pltpu.async_copy(rowsB.at[b], accB.at[dst_all.at[i]], ssemB.at[b],
                       add=True)
      j = i + LEAD

      @pl.when(j < CPW)
      def _():
        bj = lax.rem(j, NBUF)

        @pl.when(j >= NBUF)
        def _():
          pltpu.make_async_copy(rowsA.at[bj], accA.at[dst_all.at[j]],
                                ssemA.at[bj]).wait()
          pltpu.make_async_copy(rowsB.at[bj], accB.at[dst_all.at[j]],
                                ssemB.at[bj]).wait()

        pltpu.async_copy(tblA.at[src_all.at[j]], rowsA.at[bj], gsemA.at[bj])
        pltpu.async_copy(tableB.at[src_all.at[j]], rowsB.at[bj], gsemB.at[bj])

      return carry

    lax.fori_loop(0, CPW, body, 0)
    for b in range(NBUF):
      pltpu.make_async_copy(rowsA.at[b], accA.at[dst_all.at[0]],
                            ssemA.at[b]).wait()
      pltpu.make_async_copy(rowsB.at[b], accB.at[dst_all.at[0]],
                            ssemB.at[b]).wait()
    plsc.subcore_barrier()
    pltpu.sync_copy(accA.at[pl.ds(row0, ROWS_PER_TILE)],
                    outA.at[cid].at[pl.ds(row0, ROWS_PER_TILE)])
    pltpu.sync_copy(accB.at[pl.ds(row0, ROWS_PER_TILE)],
                    outB.at[cid].at[pl.ds(row0, ROWS_PER_TILE)])

  return k


def _make_sc_degree():
  D = 8
  mesh = plsc.VectorSubcoreMesh(
      core_axis_name="c", subcore_axis_name="s", num_cores=NC, num_subcores=NS)

  @functools.partial(
      pl.kernel,
      out_type=jax.ShapeDtypeStruct((NC, N, D), jnp.float32),
      mesh=mesh,
      compiler_params=pltpu.CompilerParams(use_tc_tiling_on_sc=False),
      scratch_types=[
          pltpu.VMEM((CPW, CHUNK), jnp.int32),
          pltpu.VMEM((CHUNK, D), jnp.float32),
          pltpu.VMEM_SHARED((ACC_ROWS, D), jnp.float32),
      ],
  )
  def k(dstp, ones, zeros, out, dst_all, ones_v, acc):
    cid = lax.axis_index("c")
    sid = lax.axis_index("s")
    w = cid * NS + sid
    pltpu.sync_copy(dstp.at[pl.ds(w * CPW, CPW)], dst_all)
    pltpu.sync_copy(ones, ones_v)
    row0 = jnp.minimum(sid * ROWS_PER_TILE, N - ROWS_PER_TILE)

    if True:
      pltpu.sync_copy(zeros, acc.at[pl.ds(row0, ROWS_PER_TILE)])

      @pl.when(sid == 0)
      def _():
        pltpu.sync_copy(zeros.at[pl.ds(0, ACC_ROWS - N)],
                        acc.at[pl.ds(N, ACC_ROWS - N)])

      plsc.subcore_barrier()

      def body(i, carry):
        pltpu.sync_copy(ones_v, acc.at[dst_all.at[i]], add=True)
        return carry

      lax.fori_loop(0, CPW, body, 0)
      plsc.subcore_barrier()
      pltpu.sync_copy(
          acc.at[pl.ds(row0, ROWS_PER_TILE)],
          out.at[cid].at[pl.ds(row0, ROWS_PER_TILE)],
      )

  return k


_make_sc_scatter = functools.lru_cache(maxsize=None)(_make_sc_scatter)
_make_sc_scatter_split = functools.lru_cache(maxsize=None)(_make_sc_scatter_split)
_make_sc_scatter_bf16 = functools.lru_cache(maxsize=None)(_make_sc_scatter_bf16)
_make_sc_degree = functools.lru_cache(maxsize=None)(_make_sc_degree)


def _tc_pre_body(x_ref, w1_ref, degp_ref, xw_ref, hs_ref, dinv_ref):
  d = degp_ref[...]
  deg = d[0, :, 0:1] + d[1, :, 0:1] + 1.0
  dinv = lax.rsqrt(deg)
  xw = jnp.dot(x_ref[...], w1_ref[...], preferred_element_type=jnp.float32)
  xw_ref[...] = xw
  hs_ref[...] = dinv * xw
  dinv_ref[...] = dinv


def _tc_mid_body(aggp_ref, selfw_ref, dinv_ref, b_ref, wn_ref, hw_ref, hs_ref):
  dinv = dinv_ref[...]
  a = aggp_ref[...]
  h = jnp.maximum(dinv * (a[0] + a[1]) + dinv * dinv * selfw_ref[...]
                  + b_ref[...], 0.0)
  hw = jnp.dot(h, wn_ref[...], preferred_element_type=jnp.float32)
  hw_ref[...] = hw
  hs_ref[...] = dinv * hw


def _tc_mid_split_body(aggpA_ref, aggpB_ref, selfw_ref, dinv_ref, b_ref,
                       wn_ref, hw_ref, hs_ref):
  dinv = dinv_ref[...]
  aA = aggpA_ref[...]
  aB = aggpB_ref[...]
  agg = jnp.concatenate([aA[0] + aA[1], aB[0] + aB[1]], axis=-1)
  h = jnp.maximum(dinv * agg + dinv * dinv * selfw_ref[...] + b_ref[...], 0.0)
  hw = jnp.dot(h, wn_ref[...], preferred_element_type=jnp.float32)
  hw_ref[...] = hw
  hs_ref[...] = dinv * hw


def _tc_fin_body(aggp_ref, selfw_ref, dinv_ref, b_ref, out_ref):
  dinv = dinv_ref[...]
  a = aggp_ref[...]
  z = dinv * (a[0] + a[1]) + dinv * dinv * selfw_ref[...] + b_ref[...]
  out_ref[...] = 1.0 / (1.0 + jnp.exp(-z))


def kernel(x, edge_index, W1, b1, W2, b2, W3, b3):
  ei = edge_index.astype(jnp.int32)
  pad = E_PAD - E
  srcp = jnp.concatenate([ei[0], jnp.zeros((pad,), jnp.int32)])
  dstp = jnp.concatenate([ei[1], jnp.full((pad,), N, jnp.int32)])
  srcp = srcp.reshape(TOT_CHUNKS, CHUNK)
  dstp = dstp.reshape(TOT_CHUNKS, CHUNK)

  ones8 = jnp.ones((CHUNK, 8), jnp.float32)
  z8 = jnp.zeros((ROWS_PER_TILE, 8), jnp.float32)
  z32 = jnp.zeros((ROWS_PER_TILE, 32), jnp.float32)
  z16 = jnp.zeros((ROWS_PER_TILE, 16), jnp.float32)

  degp = _make_sc_degree()(dstp, ones8, z8)

  xw1, h1s, dinv = pl.pallas_call(
      _tc_pre_body,
      out_shape=[
          jax.ShapeDtypeStruct((N, 64), jnp.float32),
          jax.ShapeDtypeStruct((N, 64), jnp.float32),
          jax.ShapeDtypeStruct((N, 1), jnp.float32),
      ],
  )(x, W1, degp)

  agg1a, agg1b = _make_sc_scatter_split(64)(
      h1s[:, :32], h1s[:, 32:], srcp, dstp, z32)

  h1w2, h2s = pl.pallas_call(
      _tc_mid_split_body,
      out_shape=[
          jax.ShapeDtypeStruct((N, 32), jnp.float32),
          jax.ShapeDtypeStruct((N, 32), jnp.float32),
      ],
  )(agg1a, agg1b, xw1, dinv, b1.reshape(1, -1), W2)

  def _pack_bf16_interleaved(t):
    tb = t.astype(jnp.bfloat16)
    pairs = jnp.stack([tb[:, :16], tb[:, 16:]], axis=-1)
    return lax.bitcast_convert_type(pairs, jnp.int32)

  agg2 = _make_sc_scatter_bf16(32)(_pack_bf16_interleaved(h2s), srcp, dstp,
                                   z32)

  h2w3, h3s = pl.pallas_call(
      _tc_mid_body,
      out_shape=[
          jax.ShapeDtypeStruct((N, 16), jnp.float32),
          jax.ShapeDtypeStruct((N, 16), jnp.float32),
      ],
  )(agg2, h1w2, dinv, b2.reshape(1, -1), W3)

  agg3 = _make_sc_scatter(16, False)(h3s, srcp, dstp, z16)

  out = pl.pallas_call(
      _tc_fin_body,
      out_shape=jax.ShapeDtypeStruct((N, 16), jnp.float32),
  )(agg3, h2w3, dinv, b3.reshape(1, -1))

  return out

# --- scband reference (transcript-rebuilt; emitter-appended) ---
"""Pipeline reference for scband-gcn-7576322310410 (READ-ONLY COPY).

The authoritative reference and input builder live on the scoring server;
editing this copy changes nothing except your own understanding.
"""

import jax, jax.numpy as jnp
import numpy as np

N_NODES = 10000
N_EDGES = 320000
D_FEAT = 128
H1 = 64
H2 = 32
N_CLASSES = 16


def setup_inputs(seed: int = 0) -> dict:
    key = jax.random.key(seed)
    ks = jax.random.split(key, 8)
    x = jax.random.normal(ks[0], (N_NODES, D_FEAT), dtype=jnp.float32)
    edge_index = jax.random.randint(ks[1], (2, N_EDGES), 0, N_NODES, dtype=jnp.int64)
    def glorot(k, fan_in, fan_out):
        lim = jnp.sqrt(6.0 / (fan_in + fan_out))
        return jax.random.uniform(k, (fan_in, fan_out), dtype=jnp.float32, minval=-lim, maxval=lim)
    W1 = glorot(ks[2], D_FEAT, H1)
    b1 = jnp.zeros((H1,), dtype=jnp.float32)
    W2 = glorot(ks[3], H1, H2)
    b2 = jnp.zeros((H2,), dtype=jnp.float32)
    W3 = glorot(ks[4], H2, N_CLASSES)
    b3 = jnp.zeros((N_CLASSES,), dtype=jnp.float32)
    return {"x": x, "edge_index": edge_index, "W1": W1, "b1": b1, "W2": W2, "b2": b2, "W3": W3, "b3": b3}


def _gcn_conv(x, src, dst, W, b, num_nodes):
    # GCNConv: add self-loops, symmetric normalization, message passing, linear transform
    loop = jnp.arange(num_nodes, dtype=src.dtype)
    src2 = jnp.concatenate([src, loop])
    dst2 = jnp.concatenate([dst, loop])
    deg = jax.ops.segment_sum(jnp.ones_like(dst2, dtype=x.dtype), dst2, num_segments=num_nodes)
    dinv = jnp.where(deg > 0, 1.0 / jnp.sqrt(deg), 0.0)
    norm = dinv[src2] * dinv[dst2]
    h = x @ W
    msgs = norm[:, None] * jnp.take(h, src2, axis=0)
    out = jax.ops.segment_sum(msgs, dst2, num_segments=num_nodes)
    return out + b


def reference(x, edge_index, W1, b1, W2, b2, W3, b3):
    x = x.astype(jnp.float32)
    src = edge_index[0]
    dst = edge_index[1]
    h = _gcn_conv(x, src, dst, W1, b1, N_NODES)
    h = jax.nn.relu(h)
    # dropout is identity in eval mode
    h = _gcn_conv(h, src, dst, W2, b2, N_NODES)
    h = jax.nn.relu(h)
    h = _gcn_conv(h, src, dst, W3, b3, N_NODES)
    return jax.nn.sigmoid(h)

if __name__ == "__main__":
    import jax
    _d = setup_inputs()
    print(jax.jit(kernel)(*tuple(_d.values())))

</pallas_src>

<mosaic_0001>
#map = affine_map<(d0, d1) -> (0, 0)>
#map1 = affine_map<(d0, d1) -> (0, 0, 0)>
module attributes {stable_mosaic.version = 14 : i64} {
  func.func @k(%arg0: i32, %arg1: i32, %arg2: memref<2560x128xi32, #tpu.memory_space<hbm>>, %arg3: memref<128x8xf32, #tpu.memory_space<hbm>>, %arg4: memref<632x8xf32, #tpu.memory_space<hbm>>, %arg5: memref<2x10000x8xf32, #tpu.memory_space<hbm>>, %arg6: memref<80x128xi32, #tpu.memory_space<vmem>>, %arg7: memref<128x8xf32, #tpu.memory_space<vmem>>, %arg8: memref<10008x8xf32, #tpu.memory_space<vmem_shared>>) attributes {dimension_semantics = [#tpu.dimension_semantics<core_parallel>, #tpu.dimension_semantics<subcore_parallel>], iteration_bounds = array<i64: 2, 16>, scalar_prefetch = 0 : i64, scratch_operands = 3 : i64, tpu.core_type = #tpu.core_type<sc_vector_subcore>, window_params = [{transform_indices = #map}, {transform_indices = #map}, {transform_indices = #map}, {transform_indices = #map1}]} {
    %mul3A = arith.constant 16 : i32
    %mul3A_0 = arith.muli %arg0, %mul3A : i32
    %add3A = arith.addi %mul3A_0, %arg1 : i32
    %mul3A_1 = arith.constant 80 : i32
    %mul3A_2 = arith.muli %add3A, %mul3A_1 : i32
    "tpu.region"() ({
      %run_scoped3A = tpu.sem_alloc : memref<!tpu.dma_semaphore, #tpu.memory_space<semaphore_mem>>
      %dma_start3A = arith.constant 0 : i32
      %dma_start3A_14 = tpu.memref_slice %arg2[%mul3A_2, %dma_start3A] : memref<2560x128xi32, #tpu.memory_space<hbm>> -> memref<80x128xi32, #tpu.memory_space<hbm>>
      %dma_start3A_15 = arith.constant 0 : i32
      %dma_start3A_16 = tpu.memref_slice %arg2[%mul3A_2, %dma_start3A_15] : memref<2560x128xi32, #tpu.memory_space<hbm>> -> memref<80x128xi32, #tpu.memory_space<hbm>>
      tpu.enqueue_dma source(%dma_start3A_16 : memref<80x128xi32, #tpu.memory_space<hbm>>) target(%arg6 : memref<80x128xi32, #tpu.memory_space<vmem>>) target_semaphore(%run_scoped3A : memref<!tpu.dma_semaphore, #tpu.memory_space<semaphore_mem>>)
      %dma_wait3A = arith.constant 0 : i32
      %dma_wait3A_17 = tpu.memref_slice %arg2[%mul3A_2, %dma_wait3A] : memref<2560x128xi32, #tpu.memory_space<hbm>> -> memref<80x128xi32, #tpu.memory_space<hbm>>
      %dma_wait3A_18 = arith.constant 0 : i32
      %dma_wait3A_19 = tpu.memref_slice %arg2[%mul3A_2, %dma_wait3A_18] : memref<2560x128xi32, #tpu.memory_space<hbm>> -> memref<80x128xi32, #tpu.memory_space<hbm>>
      tpu.wait_dma2 semaphore(%run_scoped3A : memref<!tpu.dma_semaphore, #tpu.memory_space<semaphore_mem>>) src(%dma_wait3A_19 : memref<80x128xi32, #tpu.memory_space<hbm>>) dst(%arg6 : memref<80x128xi32, #tpu.memory_space<vmem>>)
      tpu.yield
    }) : () -> ()
    "tpu.region"() ({
      %run_scoped3A = tpu.sem_alloc : memref<!tpu.dma_semaphore, #tpu.memory_space<semaphore_mem>>
      tpu.enqueue_dma source(%arg3 : memref<128x8xf32, #tpu.memory_space<hbm>>) target(%arg7 : memref<128x8xf32, #tpu.memory_space<vmem>>) target_semaphore(%run_scoped3A : memref<!tpu.dma_semaphore, #tpu.memory_space<semaphore_mem>>)
      tpu.wait_dma2 semaphore(%run_scoped3A : memref<!tpu.dma_semaphore, #tpu.memory_space<semaphore_mem>>) src(%arg3 : memref<128x8xf32, #tpu.memory_space<hbm>>) dst(%arg7 : memref<128x8xf32, #tpu.memory_space<vmem>>)
      tpu.yield
    }) : () -> ()
    %mul3A_3 = arith.constant 632 : i32
    %mul3A_4 = arith.muli %arg1, %mul3A_3 : i32
    %min3A = arith.constant 9368 : i32
    %min3A_5 = arith.minsi %mul3A_4, %min3A : i32
    "tpu.region"() ({
      %run_scoped3A = tpu.sem_alloc : memref<!tpu.dma_semaphore, #tpu.memory_space<semaphore_mem>>
      %dma_start3A = arith.constant 0 : i32
      %dma_start3A_14 = tpu.memref_slice %arg8[%min3A_5, %dma_start3A] : memref<10008x8xf32, #tpu.memory_space<vmem_shared>> -> memref<632x8xf32, #tpu.memory_space<vmem_shared>>
      tpu.enqueue_dma source(%arg4 : memref<632x8xf32, #tpu.memory_space<hbm>>) target(%dma_start3A_14 : memref<632x8xf32, #tpu.memory_space<vmem_shared>>) target_semaphore(%run_scoped3A : memref<!tpu.dma_semaphore, #tpu.memory_space<semaphore_mem>>)
      %dma_wait3A = arith.constant 0 : i32
      %dma_wait3A_15 = tpu.memref_slice %arg8[%min3A_5, %dma_wait3A] : memref<10008x8xf32, #tpu.memory_space<vmem_shared>> -> memref<632x8xf32, #tpu.memory_space<vmem_shared>>
      tpu.wait_dma2 semaphore(%run_scoped3A : memref<!tpu.dma_semaphore, #tpu.memory_space<semaphore_mem>>) src(%arg4 : memref<632x8xf32, #tpu.memory_space<hbm>>) dst(%dma_wait3A_15 : memref<632x8xf32, #tpu.memory_space<vmem_shared>>)
      tpu.yield
    }) : () -> ()
    %eq3A = arith.constant 0 : i32
    %eq3A_6 = arith.cmpi eq, %arg1, %eq3A : i32
    %convert_element_type3A = arith.extui %eq3A_6 : i1 to i32
    %cond3A = arith.constant 0 : i32
    %cond3A_7 = arith.cmpi ne, %convert_element_type3A, %cond3A : i32
    scf.if %cond3A_7 {
      "tpu.region"() ({
        %run_scoped3A = tpu.sem_alloc : memref<!tpu.dma_semaphore, #tpu.memory_space<semaphore_mem>>
        %dma_start3A = arith.constant 10000 : i32
        %dma_start3A_14 = arith.constant 0 : i32
        %dma_start3A_15 = tpu.memref_slice %arg8[%dma_start3A, %dma_start3A_14] : memref<10008x8xf32, #tpu.memory_space<vmem_shared>> -> memref<8x8xf32, #tpu.memory_space<vmem_shared>>
        %dma_start3A_16 = arith.constant 0 : i32
        %dma_start3A_17 = arith.constant 0 : i32
        %dma_start3A_18 = tpu.memref_slice %arg4[%dma_start3A_16, %dma_start3A_17] : memref<632x8xf32, #tpu.memory_space<hbm>> -> memref<8x8xf32, #tpu.memory_space<hbm>>
        tpu.enqueue_dma source(%dma_start3A_18 : memref<8x8xf32, #tpu.memory_space<hbm>>) target(%dma_start3A_15 : memref<8x8xf32, #tpu.memory_space<vmem_shared>>) target_semaphore(%run_scoped3A : memref<!tpu.dma_semaphore, #tpu.memory_space<semaphore_mem>>)
        %dma_wait3A = arith.constant 10000 : i32
        %dma_wait3A_19 = arith.constant 0 : i32
        %dma_wait3A_20 = tpu.memref_slice %arg8[%dma_wait3A, %dma_wait3A_19] : memref<10008x8xf32, #tpu.memory_space<vmem_shared>> -> memref<8x8xf32, #tpu.memory_space<vmem_shared>>
        %dma_wait3A_21 = arith.constant 0 : i32
        %dma_wait3A_22 = arith.constant 0 : i32
        %dma_wait3A_23 = tpu.memref_slice %arg4[%dma_wait3A_21, %dma_wait3A_22] : memref<632x8xf32, #tpu.memory_space<hbm>> -> memref<8x8xf32, #tpu.memory_space<hbm>>
        tpu.wait_dma2 semaphore(%run_scoped3A : memref<!tpu.dma_semaphore, #tpu.memory_space<semaphore_mem>>) src(%dma_wait3A_23 : memref<8x8xf32, #tpu.memory_space<hbm>>) dst(%dma_wait3A_20 : memref<8x8xf32, #tpu.memory_space<vmem_shared>>)
        tpu.yield
      }) : () -> ()
    } else {
    }
    %barrier3A = arith.constant 0 : index
    tpu.barrier barrier_id(%barrier3A)
    %scan3A = arith.constant 0 : i32
    %scan3A_8 = arith.constant 0 : i32
    %scan3A_9 = arith.constant 80 : i32
    %scan3A_10 = arith.addi %scan3A_8, %scan3A_9 : i32
    %scan3A_11 = arith.constant 1 : i32
    scf.for %scan3A_14 = %scan3A_8 to %scan3A_10 step %scan3A_11  : i32 {
      "tpu.region"() ({
        %run_scoped3A = tpu.sem_alloc : memref<!tpu.dma_semaphore, #tpu.memory_space<semaphore_mem>>
        %dma_start3A = arith.constant 0 : i32
        %dma_start3A_15 = tpu.memref_slice %arg6[%scan3A_14, %dma_start3A] : memref<80x128xi32, #tpu.memory_space<vmem>> -> memref<1x128xi32, #tpu.memory_space<vmem>>
        %dma_start3A_16 = tpu.memref_squeeze %dma_start3A_15 : memref<1x128xi32, #tpu.memory_space<vmem>> -> memref<128xi32, #tpu.memory_space<vmem>>
        %dma_start3A_17 = arith.constant 0 : i32
        %dma_start3A_18 = arith.constant 0 : i32
        %dma_start3A_19 = tpu.memref_slice %arg8[%dma_start3A_17, %dma_start3A_18] : memref<10008x8xf32, #tpu.memory_space<vmem_shared>> -> memref<10008x8xf32, #tpu.memory_space<vmem_shared>>
        tpu.enqueue_indirect_dma source(%arg7 : memref<128x8xf32, #tpu.memory_space<vmem>>) target(%dma_start3A_19 : memref<10008x8xf32, #tpu.memory_space<vmem_shared>>) offsets(%dma_start3A_16 : memref<128xi32, #tpu.memory_space<vmem>>) semaphore(%run_scoped3A : memref<!tpu.dma_semaphore, #tpu.memory_space<semaphore_mem>>) {add = true}
        %dma_wait3A = arith.constant 0 : i32
        %dma_wait3A_20 = tpu.memref_slice %arg6[%scan3A_14, %dma_wait3A] : memref<80x128xi32, #tpu.memory_space<vmem>> -> memref<1x128xi32, #tpu.memory_space<vmem>>
        %dma_wait3A_21 = tpu.memref_squeeze %dma_wait3A_20 : memref<1x128xi32, #tpu.memory_space<vmem>> -> memref<128xi32, #tpu.memory_space<vmem>>
        %dma_wait3A_22 = arith.constant 0 : i32
        %dma_wait3A_23 = arith.constant 0 : i32
        %dma_wait3A_24 = tpu.memref_slice %arg8[%dma_wait3A_22, %dma_wait3A_23] : memref<10008x8xf32, #tpu.memory_space<vmem_shared>> -> memref<10008x8xf32, #tpu.memory_space<vmem_shared>>
        tpu.wait_indirect_dma semaphore(%run_scoped3A : memref<!tpu.dma_semaphore, #tpu.memory_space<semaphore_mem>>) src(%arg7 : memref<128x8xf32, #tpu.memory_space<vmem>>) dst(%dma_wait3A_24 : memref<10008x8xf32, #tpu.memory_space<vmem_shared>>)
        tpu.yield
      }) : () -> ()
    }
    %scan3A_12 = arith.constant 80 : i32
    %barrier3A_13 = arith.constant 0 : index
    tpu.barrier barrier_id(%barrier3A_13)
    "tpu.region"() ({
      %run_scoped3A = tpu.sem_alloc : memref<!tpu.dma_semaphore, #tpu.memory_space<semaphore_mem>>
      %dma_start3A = arith.constant 0 : i32
      %dma_start3A_14 = arith.constant 0 : i32
      %dma_start3A_15 = tpu.memref_slice %arg5[%arg0, %dma_start3A, %dma_start3A_14] : memref<2x10000x8xf32, #tpu.memory_space<hbm>> -> memref<1x10000x8xf32, #tpu.memory_space<hbm>>
      %dma_start3A_16 = tpu.memref_squeeze %dma_start3A_15 : memref<1x10000x8xf32, #tpu.memory_space<hbm>> -> memref<10000x8xf32, #tpu.memory_space<hbm>>
      %dma_start3A_17 = arith.constant 0 : i32
      %dma_start3A_18 = tpu.memref_slice %dma_start3A_16[%min3A_5, %dma_start3A_17] : memref<10000x8xf32, #tpu.memory_space<hbm>> -> memref<632x8xf32, #tpu.memory_space<hbm>>
      %dma_start3A_19 = arith.constant 0 : i32
      %dma_start3A_20 = tpu.memref_slice %arg8[%min3A_5, %dma_start3A_19] : memref<10008x8xf32, #tpu.memory_space<vmem_shared>> -> memref<632x8xf32, #tpu.memory_space<vmem_shared>>
      tpu.enqueue_dma source(%dma_start3A_20 : memref<632x8xf32, #tpu.memory_space<vmem_shared>>) target(%dma_start3A_18 : memref<632x8xf32, #tpu.memory_space<hbm>>) target_semaphore(%run_scoped3A : memref<!tpu.dma_semaphore, #tpu.memory_space<semaphore_mem>>)
      %dma_wait3A = arith.constant 0 : i32
      %dma_wait3A_21 = arith.constant 0 : i32
      %dma_wait3A_22 = tpu.memref_slice %arg5[%arg0, %dma_wait3A, %dma_wait3A_21] : memref<2x10000x8xf32, #tpu.memory_space<hbm>> -> memref<1x10000x8xf32, #tpu.memory_space<hbm>>
      %dma_wait3A_23 = tpu.memref_squeeze %dma_wait3A_22 : memref<1x10000x8xf32, #tpu.memory_space<hbm>> -> memref<10000x8xf32, #tpu.memory_space<hbm>>
      %dma_wait3A_24 = arith.constant 0 : i32
      %dma_wait3A_25 = tpu.memref_slice %dma_wait3A_23[%min3A_5, %dma_wait3A_24] : memref<10000x8xf32, #tpu.memory_space<hbm>> -> memref<632x8xf32, #tpu.memory_space<hbm>>
      %dma_wait3A_26 = arith.constant 0 : i32
      %dma_wait3A_27 = tpu.memref_slice %arg8[%min3A_5, %dma_wait3A_26] : memref<10008x8xf32, #tpu.memory_space<vmem_shared>> -> memref<632x8xf32, #tpu.memory_space<vmem_shared>>
      tpu.wait_dma2 semaphore(%run_scoped3A : memref<!tpu.dma_semaphore, #tpu.memory_space<semaphore_mem>>) src(%dma_wait3A_27 : memref<632x8xf32, #tpu.memory_space<vmem_shared>>) dst(%dma_wait3A_25 : memref<632x8xf32, #tpu.memory_space<hbm>>)
      tpu.yield
    }) : () -> ()
    return
  }
}

#map = affine_map<(d0, d1) -> (0, 0)>
#map1 = affine_map<(d0, d1) -> (0, 0, 0)>
module attributes {stable_mosaic.version = 14 : i64} {
  func.func @k(%arg0: i32, %arg1: i32, %arg2: memref<10000x16xi32, #tpu.memory_space<hbm>>, %arg3: memref<2560x128xi32, #tpu.memory_space<hbm>>, %arg4: memref<2560x128xi32, #tpu.memory_space<hbm>>, %arg5: memref<632x32xf32, #tpu.memory_space<hbm>>, %arg6: memref<2x10000x32xf32, #tpu.memory_space<hbm>>, %arg7: memref<80x128xi32, #tpu.memory_space<vmem>>, %arg8: memref<80x128xi32, #tpu.memory_space<vmem>>, %arg9: memref<6x128x16xi32, #tpu.memory_space<vmem>>, %arg10: memref<6x128x32xf32, #tpu.memory_space<vmem>>, %arg11: memref<10008x32xf32, #tpu.memory_space<vmem_shared>>, %arg12: memref<6x!tpu.dma_semaphore, #tpu.memory_space<semaphore_mem>>, %arg13: memref<6x!tpu.dma_semaphore, #tpu.memory_space<semaphore_mem>>) attributes {dimension_semantics = [#tpu.dimension_semantics<core_parallel>, #tpu.dimension_semantics<subcore_parallel>], iteration_bounds = array<i64: 2, 16>, scalar_prefetch = 0 : i64, scratch_operands = 7 : i64, tpu.core_type = #tpu.core_type<sc_vector_subcore>, window_params = [{transform_indices = #map}, {transform_indices = #map}, {transform_indices = #map}, {transform_indices = #map}, {transform_indices = #map1}]} {
    %mul3A = arith.constant 16 : i32
    %mul3A_0 = arith.muli %arg0, %mul3A : i32
    %add3A = arith.addi %mul3A_0, %arg1 : i32
    %mul3A_1 = arith.constant 80 : i32
    %mul3A_2 = arith.muli %add3A, %mul3A_1 : i32
    "tpu.region"() ({
      %run_scoped3A = tpu.sem_alloc : memref<!tpu.dma_semaphore, #tpu.memory_space<semaphore_mem>>
      %dma_start3A_164 = arith.constant 0 : i32
      %dma_start3A_165 = tpu.memref_slice %arg3[%mul3A_2, %dma_start3A_164] : memref<2560x128xi32, #tpu.memory_space<hbm>> -> memref<80x128xi32, #tpu.memory_space<hbm>>
      %dma_start3A_166 = arith.constant 0 : i32
      %dma_start3A_167 = tpu.memref_slice %arg3[%mul3A_2, %dma_start3A_166] : memref<2560x128xi32, #tpu.memory_space<hbm>> -> memref<80x128xi32, #tpu.memory_space<hbm>>
      tpu.enqueue_dma source(%dma_start3A_167 : memref<80x128xi32, #tpu.memory_space<hbm>>) target(%arg7 : memref<80x128xi32, #tpu.memory_space<vmem>>) target_semaphore(%run_scoped3A : memref<!tpu.dma_semaphore, #tpu.memory_space<semaphore_mem>>)
      %dma_wait3A_168 = arith.constant 0 : i32
      %dma_wait3A_169 = tpu.memref_slice %arg3[%mul3A_2, %dma_wait3A_168] : memref<2560x128xi32, #tpu.memory_space<hbm>> -> memref<80x128xi32, #tpu.memory_space<hbm>>
      %dma_wait3A_170 = arith.constant 0 : i32
      %dma_wait3A_171 = tpu.memref_slice %arg3[%mul3A_2, %dma_wait3A_170] : memref<2560x128xi32, #tpu.memory_space<hbm>> -> memref<80x128xi32, #tpu.memory_space<hbm>>
      tpu.wait_dma2 semaphore(%run_scoped3A : memref<!tpu.dma_semaphore, #tpu.memory_space<semaphore_mem>>) src(%dma_wait3A_171 : memref<80x128xi32, #tpu.memory_space<hbm>>) dst(%arg7 : memref<80x128xi32, #tpu.memory_space<vmem>>)
      tpu.yield
    }) : () -> ()
    %mul3A_3 = arith.constant 80 : i32
    %mul3A_4 = arith.muli %add3A, %mul3A_3 : i32
    "tpu.region"() ({
      %run_scoped3A = tpu.sem_alloc : memref<!tpu.dma_semaphore, #tpu.memory_space<semaphore_mem>>
      %dma_start3A_164 = arith.constant 0 : i32
      %dma_start3A_165 = tpu.memref_slice %arg4[%mul3A_4, %dma_start3A_164] : memref<2560x128xi32, #tpu.memory_space<hbm>> -> memref<80x128xi32, #tpu.memory_space<hbm>>
      %dma_start3A_166 = arith.constant 0 : i32
      %dma_start3A_167 = tpu.memref_slice %arg4[%mul3A_4, %dma_start3A_166] : memref<2560x128xi32, #tpu.memory_space<hbm>> -> memref<80x128xi32, #tpu.memory_space<hbm>>
      tpu.enqueue_dma source(%dma_start3A_167 : memref<80x128xi32, #tpu.memory_space<hbm>>) target(%arg8 : memref<80x128xi32, #tpu.memory_space<vmem>>) target_semaphore(%run_scoped3A : memref<!tpu.dma_semaphore, #tpu.memory_space<semaphore_mem>>)
      %dma_wait3A_168 = arith.constant 0 : i32
      %dma_wait3A_169 = tpu.memref_slice %arg4[%mul3A_4, %dma_wait3A_168] : memref<2560x128xi32, #tpu.memory_space<hbm>> -> memref<80x128xi32, #tpu.memory_space<hbm>>
      %dma_wait3A_170 = arith.constant 0 : i32
      %dma_wait3A_171 = tpu.memref_slice %arg4[%mul3A_4, %dma_wait3A_170] : memref<2560x128xi32, #tpu.memory_space<hbm>> -> memref<80x128xi32, #tpu.memory_space<hbm>>
      tpu.wait_dma2 semaphore(%run_scoped3A : memref<!tpu.dma_semaphore, #tpu.memory_space<semaphore_mem>>) src(%dma_wait3A_171 : memref<80x128xi32, #tpu.memory_space<hbm>>) dst(%arg8 : memref<80x128xi32, #tpu.memory_space<vmem>>)
      tpu.yield
    }) : () -> ()
    %mul3A_5 = arith.constant 632 : i32
    %mul3A_6 = arith.muli %arg1, %mul3A_5 : i32
    %min3A = arith.constant 9368 : i32
    %min3A_7 = arith.minsi %mul3A_6, %min3A : i32
    "tpu.region"() ({
      %run_scoped3A = tpu.sem_alloc : memref<!tpu.dma_semaphore, #tpu.memory_space<semaphore_mem>>
      %dma_start3A_164 = arith.constant 0 : i32
      %dma_start3A_165 = tpu.memref_slice %arg11[%min3A_7, %dma_start3A_164] : memref<10008x32xf32, #tpu.memory_space<vmem_shared>> -> memref<632x32xf32, #tpu.memory_space<vmem_shared>>
      tpu.enqueue_dma source(%arg5 : memref<632x32xf32, #tpu.memory_space<hbm>>) target(%dma_start3A_165 : memref<632x32xf32, #tpu.memory_space<vmem_shared>>) target_semaphore(%run_scoped3A : memref<!tpu.dma_semaphore, #tpu.memory_space<semaphore_mem>>)
      %dma_wait3A_166 = arith.constant 0 : i32
      %dma_wait3A_167 = tpu.memref_slice %arg11[%min3A_7, %dma_wait3A_166] : memref<10008x32xf32, #tpu.memory_space<vmem_shared>> -> memref<632x32xf32, #tpu.memory_space<vmem_shared>>
      tpu.wait_dma2 semaphore(%run_scoped3A : memref<!tpu.dma_semaphore, #tpu.memory_space<semaphore_mem>>) src(%arg5 : memref<632x32xf32, #tpu.memory_space<hbm>>) dst(%dma_wait3A_167 : memref<632x32xf32, #tpu.memory_space<vmem_shared>>)
      tpu.yield
    }) : () -> ()
    %eq3A = arith.constant 0 : i32
    %eq3A_8 = arith.cmpi eq, %arg1, %eq3A : i32
    %convert_element_type3A = arith.extui %eq3A_8 : i1 to i32
    %cond3A = arith.constant 0 : i32
    %cond3A_9 = arith.cmpi ne, %convert_element_type3A, %cond3A : i32
    scf.if %cond3A_9 {
      "tpu.region"() ({
        %run_scoped3A = tpu.sem_alloc : memref<!tpu.dma_semaphore, #tpu.memory_space<semaphore_mem>>
        %dma_start3A_164 = arith.constant 10000 : i32
        %dma_start3A_165 = arith.constant 0 : i32
        %dma_start3A_166 = tpu.memref_slice %arg11[%dma_start3A_164, %dma_start3A_165] : memref<10008x32xf32, #tpu.memory_space<vmem_shared>> -> memref<8x32xf32, #tpu.memory_space<vmem_shared>>
        %dma_start3A_167 = arith.constant 0 : i32
        %dma_start3A_168 = arith.constant 0 : i32
        %dma_start3A_169 = tpu.memref_slice %arg5[%dma_start3A_167, %dma_start3A_168] : memref<632x32xf32, #tpu.memory_space<hbm>> -> memref<8x32xf32, #tpu.memory_space<hbm>>
        tpu.enqueue_dma source(%dma_start3A_169 : memref<8x32xf32, #tpu.memory_space<hbm>>) target(%dma_start3A_166 : memref<8x32xf32, #tpu.memory_space<vmem_shared>>) target_semaphore(%run_scoped3A : memref<!tpu.dma_semaphore, #tpu.memory_space<semaphore_mem>>)
        %dma_wait3A_170 = arith.constant 10000 : i32
        %dma_wait3A_171 = arith.constant 0 : i32
        %dma_wait3A_172 = tpu.memref_slice %arg11[%dma_wait3A_170, %dma_wait3A_171] : memref<10008x32xf32, #tpu.memory_space<vmem_shared>> -> memref<8x32xf32, #tpu.memory_space<vmem_shared>>
        %dma_wait3A_173 = arith.constant 0 : i32
        %dma_wait3A_174 = arith.constant 0 : i32
        %dma_wait3A_175 = tpu.memref_slice %arg5[%dma_wait3A_173, %dma_wait3A_174] : memref<632x32xf32, #tpu.memory_space<hbm>> -> memref<8x32xf32, #tpu.memory_space<hbm>>
        tpu.wait_dma2 semaphore(%run_scoped3A : memref<!tpu.dma_semaphore, #tpu.memory_space<semaphore_mem>>) src(%dma_wait3A_175 : memref<8x32xf32, #tpu.memory_space<hbm>>) dst(%dma_wait3A_172 : memref<8x32xf32, #tpu.memory_space<vmem_shared>>)
        tpu.yield
      }) : () -> ()
    } else {
    }
    %barrier3A = arith.constant 0 : index
    tpu.barrier barrier_id(%barrier3A)
    %dma_start3A = arith.constant 0 : i32
    %dma_start3A_10 = arith.constant 0 : i32
    %dma_start3A_11 = arith.constant 0 : i32
    %dma_start3A_12 = arith.constant 0 : i32
    %dma_start3A_13 = arith.constant 0 : i32
    %dma_start3A_14 = tpu.memref_slice %arg9[%dma_start3A_10, %dma_start3A_12, %dma_start3A_13] : memref<6x128x16xi32, #tpu.memory_space<vmem>> -> memref<1x128x16xi32, #tpu.memory_space<vmem>>
    %dma_start3A_15 = tpu.memref_squeeze %dma_start3A_14 : memref<1x128x16xi32, #tpu.memory_space<vmem>> -> memref<128x16xi32, #tpu.memory_space<vmem>>
    %dma_start3A_16 = arith.constant 0 : i32
    %dma_start3A_17 = tpu.memref_slice %arg7[%dma_start3A, %dma_start3A_16] : memref<80x128xi32, #tpu.memory_space<vmem>> -> memref<1x128xi32, #tpu.memory_space<vmem>>
    %dma_start3A_18 = tpu.memref_squeeze %dma_start3A_17 : memref<1x128xi32, #tpu.memory_space<vmem>> -> memref<128xi32, #tpu.memory_space<vmem>>
    %dma_start3A_19 = arith.constant 0 : i32
    %dma_start3A_20 = arith.constant 0 : i32
    %dma_start3A_21 = tpu.memref_slice %arg2[%dma_start3A_19, %dma_start3A_20] : memref<10000x16xi32, #tpu.memory_space<hbm>> -> memref<10000x16xi32, #tpu.memory_space<hbm>>
    %dma_start3A_22 = tpu.memref_slice %arg12[%dma_start3A_11] : memref<6x!tpu.dma_semaphore, #tpu.memory_space<semaphore_mem>> -> memref<1x!tpu.dma_semaphore, #tpu.memory_space<semaphore_mem>>
    %dma_start3A_23 = tpu.memref_squeeze %dma_start3A_22 : memref<1x!tpu.dma_semaphore, #tpu.memory_space<semaphore_mem>> -> memref<!tpu.dma_semaphore, #tpu.memory_space<semaphore_mem>>
    tpu.enqueue_indirect_dma source(%dma_start3A_21 : memref<10000x16xi32, #tpu.memory_space<hbm>>) target(%dma_start3A_15 : memref<128x16xi32, #tpu.memory_space<vmem>>) offsets(%dma_start3A_18 : memref<128xi32, #tpu.memory_space<vmem>>) semaphore(%dma_start3A_23 : memref<!tpu.dma_semaphore, #tpu.memory_space<semaphore_mem>>)
    %dma_start3A_24 = arith.constant 1 : i32
    %dma_start3A_25 = arith.constant 1 : i32
    %dma_start3A_26 = arith.constant 1 : i32
    %dma_start3A_27 = arith.constant 0 : i32
    %dma_start3A_28 = arith.constant 0 : i32
    %dma_start3A_29 = tpu.memref_slice %arg9[%dma_start3A_25, %dma_start3A_27, %dma_start3A_28] : memref<6x128x16xi32, #tpu.memory_space<vmem>> -> memref<1x128x16xi32, #tpu.memory_space<vmem>>
    %dma_start3A_30 = tpu.memref_squeeze %dma_start3A_29 : memref<1x128x16xi32, #tpu.memory_space<vmem>> -> memref<128x16xi32, #tpu.memory_space<vmem>>
    %dma_start3A_31 = arith.constant 0 : i32
    %dma_start3A_32 = tpu.memref_slice %arg7[%dma_start3A_24, %dma_start3A_31] : memref<80x128xi32, #tpu.memory_space<vmem>> -> memref<1x128xi32, #tpu.memory_space<vmem>>
    %dma_start3A_33 = tpu.memref_squeeze %dma_start3A_32 : memref<1x128xi32, #tpu.memory_space<vmem>> -> memref<128xi32, #tpu.memory_space<vmem>>
    %dma_start3A_34 = arith.constant 0 : i32
    %dma_start3A_35 = arith.constant 0 : i32
    %dma_start3A_36 = tpu.memref_slice %arg2[%dma_start3A_34, %dma_start3A_35] : memref<10000x16xi32, #tpu.memory_space<hbm>> -> memref<10000x16xi32, #tpu.memory_space<hbm>>
    %dma_start3A_37 = tpu.memref_slice %arg12[%dma_start3A_26] : memref<6x!tpu.dma_semaphore, #tpu.memory_space<semaphore_mem>> -> memref<1x!tpu.dma_semaphore, #tpu.memory_space<semaphore_mem>>
    %dma_start3A_38 = tpu.memref_squeeze %dma_start3A_37 : memref<1x!tpu.dma_semaphore, #tpu.memory_space<semaphore_mem>> -> memref<!tpu.dma_semaphore, #tpu.memory_space<semaphore_mem>>
    tpu.enqueue_indirect_dma source(%dma_start3A_36 : memref<10000x16xi32, #tpu.memory_space<hbm>>) target(%dma_start3A_30 : memref<128x16xi32, #tpu.memory_space<vmem>>) offsets(%dma_start3A_33 : memref<128xi32, #tpu.memory_space<vmem>>) semaphore(%dma_start3A_38 : memref<!tpu.dma_semaphore, #tpu.memory_space<semaphore_mem>>)
    %dma_start3A_39 = arith.constant 2 : i32
    %dma_start3A_40 = arith.constant 2 : i32
    %dma_start3A_41 = arith.constant 2 : i32
    %dma_start3A_42 = arith.constant 0 : i32
    %dma_start3A_43 = arith.constant 0 : i32
    %dma_start3A_44 = tpu.memref_slice %arg9[%dma_start3A_40, %dma_start3A_42, %dma_start3A_43] : memref<6x128x16xi32, #tpu.memory_space<vmem>> -> memref<1x128x16xi32, #tpu.memory_space<vmem>>
    %dma_start3A_45 = tpu.memref_squeeze %dma_start3A_44 : memref<1x128x16xi32, #tpu.memory_space<vmem>> -> memref<128x16xi32, #tpu.memory_space<vmem>>
    %dma_start3A_46 = arith.constant 0 : i32
    %dma_start3A_47 = tpu.memref_slice %arg7[%dma_start3A_39, %dma_start3A_46] : memref<80x128xi32, #tpu.memory_space<vmem>> -> memref<1x128xi32, #tpu.memory_space<vmem>>
    %dma_start3A_48 = tpu.memref_squeeze %dma_start3A_47 : memref<1x128xi32, #tpu.memory_space<vmem>> -> memref<128xi32, #tpu.memory_space<vmem>>
    %dma_start3A_49 = arith.constant 0 : i32
    %dma_start3A_50 = arith.constant 0 : i32
    %dma_start3A_51 = tpu.memref_slice %arg2[%dma_start3A_49, %dma_start3A_50] : memref<10000x16xi32, #tpu.memory_space<hbm>> -> memref<10000x16xi32, #tpu.memory_space<hbm>>
    %dma_start3A_52 = tpu.memref_slice %arg12[%dma_start3A_41] : memref<6x!tpu.dma_semaphore, #tpu.memory_space<semaphore_mem>> -> memref<1x!tpu.dma_semaphore, #tpu.memory_space<semaphore_mem>>
    %dma_start3A_53 = tpu.memref_squeeze %dma_start3A_52 : memref<1x!tpu.dma_semaphore, #tpu.memory_space<semaphore_mem>> -> memref<!tpu.dma_semaphore, #tpu.memory_space<semaphore_mem>>
    tpu.enqueue_indirect_dma source(%dma_start3A_51 : memref<10000x16xi32, #tpu.memory_space<hbm>>) target(%dma_start3A_45 : memref<128x16xi32, #tpu.memory_space<vmem>>) offsets(%dma_start3A_48 : memref<128xi32, #tpu.memory_space<vmem>>) semaphore(%dma_start3A_53 : memref<!tpu.dma_semaphore, #tpu.memory_space<semaphore_mem>>)
    %dma_start3A_54 = arith.constant 3 : i32
    %dma_start3A_55 = arith.constant 3 : i32
    %dma_start3A_56 = arith.constant 3 : i32
    %dma_start3A_57 = arith.constant 0 : i32
    %dma_start3A_58 = arith.constant 0 : i32
    %dma_start3A_59 = tpu.memref_slice %arg9[%dma_start3A_55, %dma_start3A_57, %dma_start3A_58] : memref<6x128x16xi32, #tpu.memory_space<vmem>> -> memref<1x128x16xi32, #tpu.memory_space<vmem>>
    %dma_start3A_60 = tpu.memref_squeeze %dma_start3A_59 : memref<1x128x16xi32, #tpu.memory_space<vmem>> -> memref<128x16xi32, #tpu.memory_space<vmem>>
    %dma_start3A_61 = arith.constant 0 : i32
    %dma_start3A_62 = tpu.memref_slice %arg7[%dma_start3A_54, %dma_start3A_61] : memref<80x128xi32, #tpu.memory_space<vmem>> -> memref<1x128xi32, #tpu.memory_space<vmem>>
    %dma_start3A_63 = tpu.memref_squeeze %dma_start3A_62 : memref<1x128xi32, #tpu.memory_space<vmem>> -> memref<128xi32, #tpu.memory_space<vmem>>
    %dma_start3A_64 = arith.constant 0 : i32
    %dma_start3A_65 = arith.constant 0 : i32
    %dma_start3A_66 = tpu.memref_slice %arg2[%dma_start3A_64, %dma_start3A_65] : memref<10000x16xi32, #tpu.memory_space<hbm>> -> memref<10000x16xi32, #tpu.memory_space<hbm>>
    %dma_start3A_67 = tpu.memref_slice %arg12[%dma_start3A_56] : memref<6x!tpu.dma_semaphore, #tpu.memory_space<semaphore_mem>> -> memref<1x!tpu.dma_semaphore, #tpu.memory_space<semaphore_mem>>
    %dma_start3A_68 = tpu.memref_squeeze %dma_start3A_67 : memref<1x!tpu.dma_semaphore, #tpu.memory_space<semaphore_mem>> -> memref<!tpu.dma_semaphore, #tpu.memory_space<semaphore_mem>>
    tpu.enqueue_indirect_dma source(%dma_start3A_66 : memref<10000x16xi32, #tpu.memory_space<hbm>>) target(%dma_start3A_60 : memref<128x16xi32, #tpu.memory_space<vmem>>) offsets(%dma_start3A_63 : memref<128xi32, #tpu.memory_space<vmem>>) semaphore(%dma_start3A_68 : memref<!tpu.dma_semaphore, #tpu.memory_space<semaphore_mem>>)
    %scan3A = arith.constant 0 : i32
    %scan3A_69 = arith.constant 0 : i32
    %scan3A_70 = arith.constant 80 : i32
    %scan3A_71 = arith.addi %scan3A_69, %scan3A_70 : i32
    %scan3A_72 = arith.constant 1 : i32
    scf.for %scan3A_164 = %scan3A_69 to %scan3A_71 step %scan3A_72  : i32 {
      %rem3A = arith.constant 6 : i32
      %rem3A_165 = arith.remsi %scan3A_164, %rem3A : i32
      %dma_wait3A_166 = arith.constant 0 : i32
      %dma_wait3A_167 = arith.constant 0 : i32
      %dma_wait3A_168 = tpu.memref_slice %arg9[%rem3A_165, %dma_wait3A_166, %dma_wait3A_167] : memref<6x128x16xi32, #tpu.memory_space<vmem>> -> memref<1x128x16xi32, #tpu.memory_space<vmem>>
      %dma_wait3A_169 = tpu.memref_squeeze %dma_wait3A_168 : memref<1x128x16xi32, #tpu.memory_space<vmem>> -> memref<128x16xi32, #tpu.memory_space<vmem>>
      %dma_wait3A_170 = arith.constant 0 : i32
      %dma_wait3A_171 = tpu.memref_slice %arg7[%scan3A_164, %dma_wait3A_170] : memref<80x128xi32, #tpu.memory_space<vmem>> -> memref<1x128xi32, #tpu.memory_space<vmem>>
      %dma_wait3A_172 = tpu.memref_squeeze %dma_wait3A_171 : memref<1x128xi32, #tpu.memory_space<vmem>> -> memref<128xi32, #tpu.memory_space<vmem>>
      %dma_wait3A_173 = arith.constant 0 : i32
      %dma_wait3A_174 = arith.constant 0 : i32
      %dma_wait3A_175 = tpu.memref_slice %arg2[%dma_wait3A_173, %dma_wait3A_174] : memref<10000x16xi32, #tpu.memory_space<hbm>> -> memref<10000x16xi32, #tpu.memory_space<hbm>>
      %dma_wait3A_176 = tpu.memref_slice %arg12[%rem3A_165] : memref<6x!tpu.dma_semaphore, #tpu.memory_space<semaphore_mem>> -> memref<1x!tpu.dma_semaphore, #tpu.memory_space<semaphore_mem>>
      %dma_wait3A_177 = tpu.memref_squeeze %dma_wait3A_176 : memref<1x!tpu.dma_semaphore, #tpu.memory_space<semaphore_mem>> -> memref<!tpu.dma_semaphore, #tpu.memory_space<semaphore_mem>>
      tpu.wait_indirect_dma semaphore(%dma_wait3A_177 : memref<!tpu.dma_semaphore, #tpu.memory_space<semaphore_mem>>) src(%dma_wait3A_175 : memref<10000x16xi32, #tpu.memory_space<hbm>>) dst(%dma_wait3A_169 : memref<128x16xi32, #tpu.memory_space<vmem>>)
      %ge3A = arith.constant 6 : i32
      %ge3A_178 = arith.cmpi sge, %scan3A_164, %ge3A : i32
      %convert_element_type3A_179 = arith.extui %ge3A_178 : i1 to i32
      %cond3A_180 = arith.constant 0 : i32
      %cond3A_181 = arith.cmpi ne, %convert_element_type3A_179, %cond3A_180 : i32
      scf.if %cond3A_181 {
        %dma_wait3A_206 = arith.constant 0 : i32
        %dma_wait3A_207 = arith.constant 0 : i32
        %dma_wait3A_208 = tpu.memref_slice %arg10[%rem3A_165, %dma_wait3A_206, %dma_wait3A_207] : memref<6x128x32xf32, #tpu.memory_space<vmem>> -> memref<1x128x32xf32, #tpu.memory_space<vmem>>
        %dma_wait3A_209 = tpu.memref_squeeze %dma_wait3A_208 : memref<1x128x32xf32, #tpu.memory_space<vmem>> -> memref<128x32xf32, #tpu.memory_space<vmem>>
        %dma_wait3A_210 = arith.constant 0 : i32
        %dma_wait3A_211 = tpu.memref_slice %arg8[%scan3A_164, %dma_wait3A_210] : memref<80x128xi32, #tpu.memory_space<vmem>> -> memref<1x128xi32, #tpu.memory_space<vmem>>
        %dma_wait3A_212 = tpu.memref_squeeze %dma_wait3A_211 : memref<1x128xi32, #tpu.memory_space<vmem>> -> memref<128xi32, #tpu.memory_space<vmem>>
        %dma_wait3A_213 = arith.constant 0 : i32
        %dma_wait3A_214 = arith.constant 0 : i32
        %dma_wait3A_215 = tpu.memref_slice %arg11[%dma_wait3A_213, %dma_wait3A_214] : memref<10008x32xf32, #tpu.memory_space<vmem_shared>> -> memref<10008x32xf32, #tpu.memory_space<vmem_shared>>
        %dma_wait3A_216 = tpu.memref_slice %arg13[%rem3A_165] : memref<6x!tpu.dma_semaphore, #tpu.memory_space<semaphore_mem>> -> memref<1x!tpu.dma_semaphore, #tpu.memory_space<semaphore_mem>>
        %dma_wait3A_217 = tpu.memref_squeeze %dma_wait3A_216 : memref<1x!tpu.dma_semaphore, #tpu.memory_space<semaphore_mem>> -> memref<!tpu.dma_semaphore, #tpu.memory_space<semaphore_mem>>
        tpu.wait_indirect_dma semaphore(%dma_wait3A_217 : memref<!tpu.dma_semaphore, #tpu.memory_space<semaphore_mem>>) src(%dma_wait3A_209 : memref<128x32xf32, #tpu.memory_space<vmem>>) dst(%dma_wait3A_215 : memref<10008x32xf32, #tpu.memory_space<vmem_shared>>)
      } else {
      }
      %scan3A_182 = arith.constant 0 : i32
      %scan3A_183 = arith.constant 0 : i32
      %scan3A_184 = arith.constant 128 : i32
      %scan3A_185 = arith.addi %scan3A_183, %scan3A_184 : i32
      %scan3A_186 = arith.constant 8 : i32
      scf.for %scan3A_206 = %scan3A_183 to %scan3A_185 step %scan3A_186  : i32 {
        %get3A = arith.index_cast %rem3A_165 : i32 to index
        %get3A_207 = arith.index_cast %scan3A_206 : i32 to index
        %get3A_208 = arith.constant 0 : index
        %get3A_209 = tpu.vector_load %arg9[%get3A, %get3A_207, %get3A_208] {strides = array<i32>} : memref<6x128x16xi32, #tpu.memory_space<vmem>>, vector<16xi32>,
        %bitcast3A = vector.bitcast %get3A_209 : vector<16xi32> to vector<32xbf16>
        %unpack3A = tpu.unpack_subelements %bitcast3A, 0 {pack_format = #tpu.pack_format<interleaved>} : vector<32xbf16> -> vector<16xf32>
        %unpack3A_210 = tpu.unpack_subelements %bitcast3A, 1 {pack_format = #tpu.pack_format<interleaved>} : vector<32xbf16> -> vector<16xf32>
        %swap3A = arith.index_cast %rem3A_165 : i32 to index
        %swap3A_211 = arith.index_cast %scan3A_206 : i32 to index
        %swap3A_212 = arith.constant 0 : index
        %swap3A_213 = tpu.vector_load %arg10[%swap3A, %swap3A_211, %swap3A_212] {strides = array<i32>} : memref<6x128x32xf32, #tpu.memory_space<vmem>>, vector<16xf32>,
        tpu.vector_store %arg10[%swap3A, %swap3A_211, %swap3A_212], %unpack3A {strides = array<i32>} : memref<6x128x32xf32, #tpu.memory_space<vmem>>, vector<16xf32>,
        %swap3A_214 = arith.index_cast %rem3A_165 : i32 to index
        %swap3A_215 = arith.index_cast %scan3A_206 : i32 to index
        %swap3A_216 = arith.constant 16 : index
        %swap3A_217 = tpu.vector_load %arg10[%swap3A_214, %swap3A_215, %swap3A_216] {strides = array<i32>} : memref<6x128x32xf32, #tpu.memory_space<vmem>>, vector<16xf32>,
        tpu.vector_store %arg10[%swap3A_214, %swap3A_215, %swap3A_216], %unpack3A_210 {strides = array<i32>} : memref<6x128x32xf32, #tpu.memory_space<vmem>>, vector<16xf32>,
        %scan3A_218 = arith.constant 1 : i32
        %scan3A_219 = arith.addi %scan3A_206, %scan3A_218 : i32
        %get3A_220 = arith.index_cast %rem3A_165 : i32 to index
        %get3A_221 = arith.index_cast %scan3A_219 : i32 to index
        %get3A_222 = arith.constant 0 : index
        %get3A_223 = tpu.vector_load %arg9[%get3A_220, %get3A_221, %get3A_222] {strides = array<i32>} : memref<6x128x16xi32, #tpu.memory_space<vmem>>, vector<16xi32>,
        %bitcast3A_224 = vector.bitcast %get3A_223 : vector<16xi32> to vector<32xbf16>
        %unpack3A_225 = tpu.unpack_subelements %bitcast3A_224, 0 {pack_format = #tpu.pack_format<interleaved>} : vector<32xbf16> -> vector<16xf32>
        %unpack3A_226 = tpu.unpack_subelements %bitcast3A_224, 1 {pack_format = #tpu.pack_format<interleaved>} : vector<32xbf16> -> vector<16xf32>
        %swap3A_227 = arith.index_cast %rem3A_165 : i32 to index
        %swap3A_228 = arith.index_cast %scan3A_219 : i32 to index
        %swap3A_229 = arith.constant 0 : index
        %swap3A_230 = tpu.vector_load %arg10[%swap3A_227, %swap3A_228, %swap3A_229] {strides = array<i32>} : memref<6x128x32xf32, #tpu.memory_space<vmem>>, vector<16xf32>,
        tpu.vector_store %arg10[%swap3A_227, %swap3A_228, %swap3A_229], %unpack3A_225 {strides = array<i32>} : memref<6x128x32xf32, #tpu.memory_space<vmem>>, vector<16xf32>,
        %swap3A_231 = arith.index_cast %rem3A_165 : i32 to index
        %swap3A_232 = arith.index_cast %scan3A_219 : i32 to index
        %swap3A_233 = arith.constant 16 : index
        %swap3A_234 = tpu.vector_load %arg10[%swap3A_231, %swap3A_232, %swap3A_233] {strides = array<i32>} : memref<6x128x32xf32, #tpu.memory_space<vmem>>, vector<16xf32>,
        tpu.vector_store %arg10[%swap3A_231, %swap3A_232, %swap3A_233], %unpack3A_226 {strides = array<i32>} : memref<6x128x32xf32, #tpu.memory_space<vmem>>, vector<16xf32>,
        %scan3A_235 = arith.constant 2 : i32
        %scan3A_236 = arith.addi %scan3A_206, %scan3A_235 : i32
        %get3A_237 = arith.index_cast %rem3A_165 : i32 to index
        %get3A_238 = arith.index_cast %scan3A_236 : i32 to index
        %get3A_239 = arith.constant 0 : index
        %get3A_240 = tpu.vector_load %arg9[%get3A_237, %get3A_238, %get3A_239] {strides = array<i32>} : memref<6x128x16xi32, #tpu.memory_space<vmem>>, vector<16xi32>,
        %bitcast3A_241 = vector.bitcast %get3A_240 : vector<16xi32> to vector<32xbf16>
        %unpack3A_242 = tpu.unpack_subelements %bitcast3A_241, 0 {pack_format = #tpu.pack_format<interleaved>} : vector<32xbf16> -> vector<16xf32>
        %unpack3A_243 = tpu.unpack_subelements %bitcast3A_241, 1 {pack_format = #tpu.pack_format<interleaved>} : vector<32xbf16> -> vector<16xf32>
        %swap3A_244 = arith.index_cast %rem3A_165 : i32 to index
        %swap3A_245 = arith.index_cast %scan3A_236 : i32 to index
        %swap3A_246 = arith.constant 0 : index
        %swap3A_247 = tpu.vector_load %arg10[%swap3A_244, %swap3A_245, %swap3A_246] {strides = array<i32>} : memref<6x128x32xf32, #tpu.memory_space<vmem>>, vector<16xf32>,
        tpu.vector_store %arg10[%swap3A_244, %swap3A_245, %swap3A_246], %unpack3A_242 {strides = array<i32>} : memref<6x128x32xf32, #tpu.memory_space<vmem>>, vector<16xf32>,
        %swap3A_248 = arith.index_cast %rem3A_165 : i32 to index
        %swap3A_249 = arith.index_cast %scan3A_236 : i32 to index
        %swap3A_250 = arith.constant 16 : index
        %swap3A_251 = tpu.vector_load %arg10[%swap3A_248, %swap3A_249, %swap3A_250] {strides = array<i32>} : memref<6x128x32xf32, #tpu.memory_space<vmem>>, vector<16xf32>,
        tpu.vector_store %arg10[%swap3A_248, %swap3A_249, %swap3A_250], %unpack3A_243 {strides = array<i32>} : memref<6x128x32xf32, #tpu.memory_space<vmem>>, vector<16xf32>,
        %scan3A_252 = arith.constant 3 : i32
        %scan3A_253 = arith.addi %scan3A_206, %scan3A_252 : i32
        %get3A_254 = arith.index_cast %rem3A_165 : i32 to index
        %get3A_255 = arith.index_cast %scan3A_253 : i32 to index
        %get3A_256 = arith.constant 0 : index
        %get3A_257 = tpu.vector_load %arg9[%get3A_254, %get3A_255, %get3A_256] {strides = array<i32>} : memref<6x128x16xi32, #tpu.memory_space<vmem>>, vector<16xi32>,
        %bitcast3A_258 = vector.bitcast %get3A_257 : vector<16xi32> to vector<32xbf16>
        %unpack3A_259 = tpu.unpack_subelements %bitcast3A_258, 0 {pack_format = #tpu.pack_format<interleaved>} : vector<32xbf16> -> vector<16xf32>
        %unpack3A_260 = tpu.unpack_subelements %bitcast3A_258, 1 {pack_format = #tpu.pack_format<interleaved>} : vector<32xbf16> -> vector<16xf32>
        %swap3A_261 = arith.index_cast %rem3A_165 : i32 to index
        %swap3A_262 = arith.index_cast %scan3A_253 : i32 to index
        %swap3A_263 = arith.constant 0 : index
        %swap3A_264 = tpu.vector_load %arg10[%swap3A_261, %swap3A_262, %swap3A_263] {strides = array<i32>} : memref<6x128x32xf32, #tpu.memory_space<vmem>>, vector<16xf32>,
        tpu.vector_store %arg10[%swap3A_261, %swap3A_262, %swap3A_263], %unpack3A_259 {strides = array<i32>} : memref<6x128x32xf32, #tpu.memory_space<vmem>>, vector<16xf32>,
        %swap3A_265 = arith.index_cast %rem3A_165 : i32 to index
        %swap3A_266 = arith.index_cast %scan3A_253 : i32 to index
        %swap3A_267 = arith.constant 16 : index
        %swap3A_268 = tpu.vector_load %arg10[%swap3A_265, %swap3A_266, %swap3A_267] {strides = array<i32>} : memref<6x128x32xf32, #tpu.memory_space<vmem>>, vector<16xf32>,
        tpu.vector_store %arg10[%swap3A_265, %swap3A_266, %swap3A_267], %unpack3A_260 {strides = array<i32>} : memref<6x128x32xf32, #tpu.memory_space<vmem>>, vector<16xf32>,
        %scan3A_269 = arith.constant 4 : i32
        %scan3A_270 = arith.addi %scan3A_206, %scan3A_269 : i32
        %get3A_271 = arith.index_cast %rem3A_165 : i32 to index
        %get3A_272 = arith.index_cast %scan3A_270 : i32 to index
        %get3A_273 = arith.constant 0 : index
        %get3A_274 = tpu.vector_load %arg9[%get3A_271, %get3A_272, %get3A_273] {strides = array<i32>} : memref<6x128x16xi32, #tpu.memory_space<vmem>>, vector<16xi32>,
        %bitcast3A_275 = vector.bitcast %get3A_274 : vector<16xi32> to vector<32xbf16>
        %unpack3A_276 = tpu.unpack_subelements %bitcast3A_275, 0 {pack_format = #tpu.pack_format<interleaved>} : vector<32xbf16> -> vector<16xf32>
        %unpack3A_277 = tpu.unpack_subelements %bitcast3A_275, 1 {pack_format = #tpu.pack_format<interleaved>} : vector<32xbf16> -> vector<16xf32>
        %swap3A_278 = arith.index_cast %rem3A_165 : i32 to index
        %swap3A_279 = arith.index_cast %scan3A_270 : i32 to index
        %swap3A_280 = arith.constant 0 : index
        %swap3A_281 = tpu.vector_load %arg10[%swap3A_278, %swap3A_279, %swap3A_280] {strides = array<i32>} : memref<6x128x32xf32, #tpu.memory_space<vmem>>, vector<16xf32>,
        tpu.vector_store %arg10[%swap3A_278, %swap3A_279, %swap3A_280], %unpack3A_276 {strides = array<i32>} : memref<6x128x32xf32, #tpu.memory_space<vmem>>, vector<16xf32>,
        %swap3A_282 = arith.index_cast %rem3A_165 : i32 to index
        %swap3A_283 = arith.index_cast %scan3A_270 : i32 to index
        %swap3A_284 = arith.constant 16 : index
        %swap3A_285 = tpu.vector_load %arg10[%swap3A_282, %swap3A_283, %swap3A_284] {strides = array<i32>} : memref<6x128x32xf32, #tpu.memory_space<vmem>>, vector<16xf32>,
        tpu.vector_store %arg10[%swap3A_282, %swap3A_283, %swap3A_284], %unpack3A_277 {strides = array<i32>} : memref<6x128x32xf32, #tpu.memory_space<vmem>>, vector<16xf32>,
        %scan3A_286 = arith.constant 5 : i32
        %scan3A_287 = arith.addi %scan3A_206, %scan3A_286 : i32
        %get3A_288 = arith.index_cast %rem3A_165 : i32 to index
        %get3A_289 = arith.index_cast %scan3A_287 : i32 to index
        %get3A_290 = arith.constant 0 : index
        %get3A_291 = tpu.vector_load %arg9[%get3A_288, %get3A_289, %get3A_290] {strides = array<i32>} : memref<6x128x16xi32, #tpu.memory_space<vmem>>, vector<16xi32>,
        %bitcast3A_292 = vector.bitcast %get3A_291 : vector<16xi32> to vector<32xbf16>
        %unpack3A_293 = tpu.unpack_subelements %bitcast3A_292, 0 {pack_format = #tpu.pack_format<interleaved>} : vector<32xbf16> -> vector<16xf32>
        %unpack3A_294 = tpu.unpack_subelements %bitcast3A_292, 1 {pack_format = #tpu.pack_format<interleaved>} : vector<32xbf16> -> vector<16xf32>
        %swap3A_295 = arith.index_cast %rem3A_165 : i32 to index
        %swap3A_296 = arith.index_cast %scan3A_287 : i32 to index
        %swap3A_297 = arith.constant 0 : index
        %swap3A_298 = tpu.vector_load %arg10[%swap3A_295, %swap3A_296, %swap3A_297] {strides = array<i32>} : memref<6x128x32xf32, #tpu.memory_space<vmem>>, vector<16xf32>,
        tpu.vector_store %arg10[%swap3A_295, %swap3A_296, %swap3A_297], %unpack3A_293 {strides = array<i32>} : memref<6x128x32xf32, #tpu.memory_space<vmem>>, vector<16xf32>,
        %swap3A_299 = arith.index_cast %rem3A_165 : i32 to index
        %swap3A_300 = arith.index_cast %scan3A_287 : i32 to index
        %swap3A_301 = arith.constant 16 : index
        %swap3A_302 = tpu.vector_load %arg10[%swap3A_299, %swap3A_300, %swap3A_301] {strides = array<i32>} : memref<6x128x32xf32, #tpu.memory_space<vmem>>, vector<16xf32>,
        tpu.vector_store %arg10[%swap3A_299, %swap3A_300, %swap3A_301], %unpack3A_294 {strides = array<i32>} : memref<6x128x32xf32, #tpu.memory_space<vmem>>, vector<16xf32>,
        %scan3A_303 = arith.constant 6 : i32
        %scan3A_304 = arith.addi %scan3A_206, %scan3A_303 : i32
        %get3A_305 = arith.index_cast %rem3A_165 : i32 to index
        %get3A_306 = arith.index_cast %scan3A_304 : i32 to index
        %get3A_307 = arith.constant 0 : index
        %get3A_308 = tpu.vector_load %arg9[%get3A_305, %get3A_306, %get3A_307] {strides = array<i32>} : memref<6x128x16xi32, #tpu.memory_space<vmem>>, vector<16xi32>,
        %bitcast3A_309 = vector.bitcast %get3A_308 : vector<16xi32> to vector<32xbf16>
        %unpack3A_310 = tpu.unpack_subelements %bitcast3A_309, 0 {pack_format = #tpu.pack_format<interleaved>} : vector<32xbf16> -> vector<16xf32>
        %unpack3A_311 = tpu.unpack_subelements %bitcast3A_309, 1 {pack_format = #tpu.pack_format<interleaved>} : vector<32xbf16> -> vector<16xf32>
        %swap3A_312 = arith.index_cast %rem3A_165 : i32 to index
        %swap3A_313 = arith.index_cast %scan3A_304 : i32 to index
        %swap3A_314 = arith.constant 0 : index
        %swap3A_315 = tpu.vector_load %arg10[%swap3A_312, %swap3A_313, %swap3A_314] {strides = array<i32>} : memref<6x128x32xf32, #tpu.memory_space<vmem>>, vector<16xf32>,
        tpu.vector_store %arg10[%swap3A_312, %swap3A_313, %swap3A_314], %unpack3A_310 {strides = array<i32>} : memref<6x128x32xf32, #tpu.memory_space<vmem>>, vector<16xf32>,
        %swap3A_316 = arith.index_cast %rem3A_165 : i32 to index
        %swap3A_317 = arith.index_cast %scan3A_304 : i32 to index
        %swap3A_318 = arith.constant 16 : index
        %swap3A_319 = tpu.vector_load %arg10[%swap3A_316, %swap3A_317, %swap3A_318] {strides = array<i32>} : memref<6x128x32xf32, #tpu.memory_space<vmem>>, vector<16xf32>,
        tpu.vector_store %arg10[%swap3A_316, %swap3A_317, %swap3A_318], %unpack3A_311 {strides = array<i32>} : memref<6x128x32xf32, #tpu.memory_space<vmem>>, vector<16xf32>,
        %scan3A_320 = arith.constant 7 : i32
        %scan3A_321 = arith.addi %scan3A_206, %scan3A_320 : i32
        %get3A_322 = arith.index_cast %rem3A_165 : i32 to index
        %get3A_323 = arith.index_cast %scan3A_321 : i32 to index
        %get3A_324 = arith.constant 0 : index
        %get3A_325 = tpu.vector_load %arg9[%get3A_322, %get3A_323, %get3A_324] {strides = array<i32>} : memref<6x128x16xi32, #tpu.memory_space<vmem>>, vector<16xi32>,
        %bitcast3A_326 = vector.bitcast %get3A_325 : vector<16xi32> to vector<32xbf16>
        %unpack3A_327 = tpu.unpack_subelements %bitcast3A_326, 0 {pack_format = #tpu.pack_format<interleaved>} : vector<32xbf16> -> vector<16xf32>
        %unpack3A_328 = tpu.unpack_subelements %bitcast3A_326, 1 {pack_format = #tpu.pack_format<interleaved>} : vector<32xbf16> -> vector<16xf32>
        %swap3A_329 = arith.index_cast %rem3A_165 : i32 to index
        %swap3A_330 = arith.index_cast %scan3A_321 : i32 to index
        %swap3A_331 = arith.constant 0 : index
        %swap3A_332 = tpu.vector_load %arg10[%swap3A_329, %swap3A_330, %swap3A_331] {strides = array<i32>} : memref<6x128x32xf32, #tpu.memory_space<vmem>>, vector<16xf32>,
        tpu.vector_store %arg10[%swap3A_329, %swap3A_330, %swap3A_331], %unpack3A_327 {strides = array<i32>} : memref<6x128x32xf32, #tpu.memory_space<vmem>>, vector<16xf32>,
        %swap3A_333 = arith.index_cast %rem3A_165 : i32 to index
        %swap3A_334 = arith.index_cast %scan3A_321 : i32 to index
        %swap3A_335 = arith.constant 16 : index
        %swap3A_336 = tpu.vector_load %arg10[%swap3A_333, %swap3A_334, %swap3A_335] {strides = array<i32>} : memref<6x128x32xf32, #tpu.memory_space<vmem>>, vector<16xf32>,
        tpu.vector_store %arg10[%swap3A_333, %swap3A_334, %swap3A_335], %unpack3A_328 {strides = array<i32>} : memref<6x128x32xf32, #tpu.memory_space<vmem>>, vector<16xf32>,
      }
      %scan3A_187 = arith.constant 128 : i32
      %dma_start3A_188 = arith.constant 0 : i32
      %dma_start3A_189 = arith.constant 0 : i32
      %dma_start3A_190 = tpu.memref_slice %arg10[%rem3A_165, %dma_start3A_188, %dma_start3A_189] : memref<6x128x32xf32, #tpu.memory_space<vmem>> -> memref<1x128x32xf32, #tpu.memory_space<vmem>>
      %dma_start3A_191 = tpu.memref_squeeze %dma_start3A_190 : memref<1x128x32xf32, #tpu.memory_space<vmem>> -> memref<128x32xf32, #tpu.memory_space<vmem>>
      %dma_start3A_192 = arith.constant 0 : i32
      %dma_start3A_193 = tpu.memref_slice %arg8[%scan3A_164, %dma_start3A_192] : memref<80x128xi32, #tpu.memory_space<vmem>> -> memref<1x128xi32, #tpu.memory_space<vmem>>
      %dma_start3A_194 = tpu.memref_squeeze %dma_start3A_193 : memref<1x128xi32, #tpu.memory_space<vmem>> -> memref<128xi32, #tpu.memory_space<vmem>>
      %dma_start3A_195 = arith.constant 0 : i32
      %dma_start3A_196 = arith.constant 0 : i32
      %dma_start3A_197 = tpu.memref_slice %arg11[%dma_start3A_195, %dma_start3A_196] : memref<10008x32xf32, #tpu.memory_space<vmem_shared>> -> memref<10008x32xf32, #tpu.memory_space<vmem_shared>>
      %dma_start3A_198 = tpu.memref_slice %arg13[%rem3A_165] : memref<6x!tpu.dma_semaphore, #tpu.memory_space<semaphore_mem>> -> memref<1x!tpu.dma_semaphore, #tpu.memory_space<semaphore_mem>>
      %dma_start3A_199 = tpu.memref_squeeze %dma_start3A_198 : memref<1x!tpu.dma_semaphore, #tpu.memory_space<semaphore_mem>> -> memref<!tpu.dma_semaphore, #tpu.memory_space<semaphore_mem>>
      tpu.enqueue_indirect_dma source(%dma_start3A_191 : memref<128x32xf32, #tpu.memory_space<vmem>>) target(%dma_start3A_197 : memref<10008x32xf32, #tpu.memory_space<vmem_shared>>) offsets(%dma_start3A_194 : memref<128xi32, #tpu.memory_space<vmem>>) semaphore(%dma_start3A_199 : memref<!tpu.dma_semaphore, #tpu.memory_space<semaphore_mem>>) {add = true}
      %add3A_200 = arith.constant 4 : i32
      %add3A_201 = arith.addi %scan3A_164, %add3A_200 : i32
      %lt3A = arith.constant 80 : i32
      %lt3A_202 = arith.cmpi slt, %add3A_201, %lt3A : i32
      %convert_element_type3A_203 = arith.extui %lt3A_202 : i1 to i32
      %cond3A_204 = arith.constant 0 : i32
      %cond3A_205 = arith.cmpi ne, %convert_element_type3A_203, %cond3A_204 : i32
      scf.if %cond3A_205 {
        %rem3A_206 = arith.constant 6 : i32
        %rem3A_207 = arith.remsi %add3A_201, %rem3A_206 : i32
        %dma_start3A_208 = arith.constant 0 : i32
        %dma_start3A_209 = arith.constant 0 : i32
        %dma_start3A_210 = tpu.memref_slice %arg9[%rem3A_207, %dma_start3A_208, %dma_start3A_209] : memref<6x128x16xi32, #tpu.memory_space<vmem>> -> memref<1x128x16xi32, #tpu.memory_space<vmem>>
        %dma_start3A_211 = tpu.memref_squeeze %dma_start3A_210 : memref<1x128x16xi32, #tpu.memory_space<vmem>> -> memref<128x16xi32, #tpu.memory_space<vmem>>
        %dma_start3A_212 = arith.constant 0 : i32
        %dma_start3A_213 = tpu.memref_slice %arg7[%add3A_201, %dma_start3A_212] : memref<80x128xi32, #tpu.memory_space<vmem>> -> memref<1x128xi32, #tpu.memory_space<vmem>>
        %dma_start3A_214 = tpu.memref_squeeze %dma_start3A_213 : memref<1x128xi32, #tpu.memory_space<vmem>> -> memref<128xi32, #tpu.memory_space<vmem>>
        %dma_start3A_215 = arith.constant 0 : i32
        %dma_start3A_216 = arith.constant 0 : i32
        %dma_start3A_217 = tpu.memref_slice %arg2[%dma_start3A_215, %dma_start3A_216] : memref<10000x16xi32, #tpu.memory_space<hbm>> -> memref<10000x16xi32, #tpu.memory_space<hbm>>
        %dma_start3A_218 = tpu.memref_slice %arg12[%rem3A_207] : memref<6x!tpu.dma_semaphore, #tpu.memory_space<semaphore_mem>> -> memref<1x!tpu.dma_semaphore, #tpu.memory_space<semaphore_mem>>
        %dma_start3A_219 = tpu.memref_squeeze %dma_start3A_218 : memref<1x!tpu.dma_semaphore, #tpu.memory_space<semaphore_mem>> -> memref<!tpu.dma_semaphore, #tpu.memory_space<semaphore_mem>>
        tpu.enqueue_indirect_dma source(%dma_start3A_217 : memref<10000x16xi32, #tpu.memory_space<hbm>>) target(%dma_start3A_211 : memref<128x16xi32, #tpu.memory_space<vmem>>) offsets(%dma_start3A_214 : memref<128xi32, #tpu.memory_space<vmem>>) semaphore(%dma_start3A_219 : memref<!tpu.dma_semaphore, #tpu.memory_space<semaphore_mem>>)
      } else {
      }
    }
    %scan3A_73 = arith.constant 80 : i32
    %dma_wait3A = arith.constant 0 : i32
    %dma_wait3A_74 = arith.constant 0 : i32
    %dma_wait3A_75 = arith.constant 0 : i32
    %dma_wait3A_76 = arith.constant 0 : i32
    %dma_wait3A_77 = arith.constant 0 : i32
    %dma_wait3A_78 = tpu.memref_slice %arg10[%dma_wait3A, %dma_wait3A_76, %dma_wait3A_77] : memref<6x128x32xf32, #tpu.memory_space<vmem>> -> memref<1x128x32xf32, #tpu.memory_space<vmem>>
    %dma_wait3A_79 = tpu.memref_squeeze %dma_wait3A_78 : memref<1x128x32xf32, #tpu.memory_space<vmem>> -> memref<128x32xf32, #tpu.memory_space<vmem>>
    %dma_wait3A_80 = arith.constant 0 : i32
    %dma_wait3A_81 = tpu.memref_slice %arg8[%dma_wait3A_74, %dma_wait3A_80] : memref<80x128xi32, #tpu.memory_space<vmem>> -> memref<1x128xi32, #tpu.memory_space<vmem>>
    %dma_wait3A_82 = tpu.memref_squeeze %dma_wait3A_81 : memref<1x128xi32, #tpu.memory_space<vmem>> -> memref<128xi32, #tpu.memory_space<vmem>>
    %dma_wait3A_83 = arith.constant 0 : i32
    %dma_wait3A_84 = arith.constant 0 : i32
    %dma_wait3A_85 = tpu.memref_slice %arg11[%dma_wait3A_83, %dma_wait3A_84] : memref<10008x32xf32, #tpu.memory_space<vmem_shared>> -> memref<10008x32xf32, #tpu.memory_space<vmem_shared>>
    %dma_wait3A_86 = tpu.memref_slice %arg13[%dma_wait3A_75] : memref<6x!tpu.dma_semaphore, #tpu.memory_space<semaphore_mem>> -> memref<1x!tpu.dma_semaphore, #tpu.memory_space<semaphore_mem>>
    %dma_wait3A_87 = tpu.memref_squeeze %dma_wait3A_86 : memref<1x!tpu.dma_semaphore, #tpu.memory_space<semaphore_mem>> -> memref<!tpu.dma_semaphore, #tpu.memory_space<semaphore_mem>>
    tpu.wait_indirect_dma semaphore(%dma_wait3A_87 : memref<!tpu.dma_semaphore, #tpu.memory_space<semaphore_mem>>) src(%dma_wait3A_79 : memref<128x32xf32, #tpu.memory_space<vmem>>) dst(%dma_wait3A_85 : memref<10008x32xf32, #tpu.memory_space<vmem_shared>>)
    %dma_wait3A_88 = arith.constant 1 : i32
    %dma_wait3A_89 = arith.constant 0 : i32
    %dma_wait3A_90 = arith.constant 1 : i32
    %dma_wait3A_91 = arith.constant 0 : i32
    %dma_wait3A_92 = arith.constant 0 : i32
    %dma_wait3A_93 = tpu.memref_slice %arg10[%dma_wait3A_88, %dma_wait3A_91, %dma_wait3A_92] : memref<6x128x32xf32, #tpu.memory_space<vmem>> -> memref<1x128x32xf32, #tpu.memory_space<vmem>>
    %dma_wait3A_94 = tpu.memref_squeeze %dma_wait3A_93 : memref<1x128x32xf32, #tpu.memory_space<vmem>> -> memref<128x32xf32, #tpu.memory_space<vmem>>
    %dma_wait3A_95 = arith.constant 0 : i32
    %dma_wait3A_96 = tpu.memref_slice %arg8[%dma_wait3A_89, %dma_wait3A_95] : memref<80x128xi32, #tpu.memory_space<vmem>> -> memref<1x128xi32, #tpu.memory_space<vmem>>
    %dma_wait3A_97 = tpu.memref_squeeze %dma_wait3A_96 : memref<1x128xi32, #tpu.memory_space<vmem>> -> memref<128xi32, #tpu.memory_space<vmem>>
    %dma_wait3A_98 = arith.constant 0 : i32
    %dma_wait3A_99 = arith.constant 0 : i32
    %dma_wait3A_100 = tpu.memref_slice %arg11[%dma_wait3A_98, %dma_wait3A_99] : memref<10008x32xf32, #tpu.memory_space<vmem_shared>> -> memref<10008x32xf32, #tpu.memory_space<vmem_shared>>
    %dma_wait3A_101 = tpu.memref_slice %arg13[%dma_wait3A_90] : memref<6x!tpu.dma_semaphore, #tpu.memory_space<semaphore_mem>> -> memref<1x!tpu.dma_semaphore, #tpu.memory_space<semaphore_mem>>
    %dma_wait3A_102 = tpu.memref_squeeze %dma_wait3A_101 : memref<1x!tpu.dma_semaphore, #tpu.memory_space<semaphore_mem>> -> memref<!tpu.dma_semaphore, #tpu.memory_space<semaphore_mem>>
    tpu.wait_indirect_dma semaphore(%dma_wait3A_102 : memref<!tpu.dma_semaphore, #tpu.memory_space<semaphore_mem>>) src(%dma_wait3A_94 : memref<128x32xf32, #tpu.memory_space<vmem>>) dst(%dma_wait3A_100 : memref<10008x32xf32, #tpu.memory_space<vmem_shared>>)
    %dma_wait3A_103 = arith.constant 2 : i32
    %dma_wait3A_104 = arith.constant 0 : i32
    %dma_wait3A_105 = arith.constant 2 : i32
    %dma_wait3A_106 = arith.constant 0 : i32
    %dma_wait3A_107 = arith.constant 0 : i32
    %dma_wait3A_108 = tpu.memref_slice %arg10[%dma_wait3A_103, %dma_wait3A_106, %dma_wait3A_107] : memref<6x128x32xf32, #tpu.memory_space<vmem>> -> memref<1x128x32xf32, #tpu.memory_space<vmem>>
    %dma_wait3A_109 = tpu.memref_squeeze %dma_wait3A_108 : memref<1x128x32xf32, #tpu.memory_space<vmem>> -> memref<128x32xf32, #tpu.memory_space<vmem>>
    %dma_wait3A_110 = arith.constant 0 : i32
    %dma_wait3A_111 = tpu.memref_slice %arg8[%dma_wait3A_104, %dma_wait3A_110] : memref<80x128xi32, #tpu.memory_space<vmem>> -> memref<1x128xi32, #tpu.memory_space<vmem>>
    %dma_wait3A_112 = tpu.memref_squeeze %dma_wait3A_111 : memref<1x128xi32, #tpu.memory_space<vmem>> -> memref<128xi32, #tpu.memory_space<vmem>>
    %dma_wait3A_113 = arith.constant 0 : i32
    %dma_wait3A_114 = arith.constant 0 : i32
    %dma_wait3A_115 = tpu.memref_slice %arg11[%dma_wait3A_113, %dma_wait3A_114] : memref<10008x32xf32, #tpu.memory_space<vmem_shared>> -> memref<10008x32xf32, #tpu.memory_space<vmem_shared>>
    %dma_wait3A_116 = tpu.memref_slice %arg13[%dma_wait3A_105] : memref<6x!tpu.dma_semaphore, #tpu.memory_space<semaphore_mem>> -> memref<1x!tpu.dma_semaphore, #tpu.memory_space<semaphore_mem>>
    %dma_wait3A_117 = tpu.memref_squeeze %dma_wait3A_116 : memref<1x!tpu.dma_semaphore, #tpu.memory_space<semaphore_mem>> -> memref<!tpu.dma_semaphore, #tpu.memory_space<semaphore_mem>>
    tpu.wait_indirect_dma semaphore(%dma_wait3A_117 : memref<!tpu.dma_semaphore, #tpu.memory_space<semaphore_mem>>) src(%dma_wait3A_109 : memref<128x32xf32, #tpu.memory_space<vmem>>) dst(%dma_wait3A_115 : memref<10008x32xf32, #tpu.memory_space<vmem_shared>>)
    %dma_wait3A_118 = arith.constant 3 : i32
    %dma_wait3A_119 = arith.constant 0 : i32
    %dma_wait3A_120 = arith.constant 3 : i32
    %dma_wait3A_121 = arith.constant 0 : i32
    %dma_wait3A_122 = arith.constant 0 : i32
    %dma_wait3A_123 = tpu.memref_slice %arg10[%dma_wait3A_118, %dma_wait3A_121, %dma_wait3A_122] : memref<6x128x32xf32, #tpu.memory_space<vmem>> -> memref<1x128x32xf32, #tpu.memory_space<vmem>>
    %dma_wait3A_124 = tpu.memref_squeeze %dma_wait3A_123 : memref<1x128x32xf32, #tpu.memory_space<vmem>> -> memref<128x32xf32, #tpu.memory_space<vmem>>
    %dma_wait3A_125 = arith.constant 0 : i32
    %dma_wait3A_126 = tpu.memref_slice %arg8[%dma_wait3A_119, %dma_wait3A_125] : memref<80x128xi32, #tpu.memory_space<vmem>> -> memref<1x128xi32, #tpu.memory_space<vmem>>
    %dma_wait3A_127 = tpu.memref_squeeze %dma_wait3A_126 : memref<1x128xi32, #tpu.memory_space<vmem>> -> memref<128xi32, #tpu.memory_space<vmem>>
    %dma_wait3A_128 = arith.constant 0 : i32
    %dma_wait3A_129 = arith.constant 0 : i32
    %dma_wait3A_130 = tpu.memref_slice %arg11[%dma_wait3A_128, %dma_wait3A_129] : memref<10008x32xf32, #tpu.memory_space<vmem_shared>> -> memref<10008x32xf32, #tpu.memory_space<vmem_shared>>
    %dma_wait3A_131 = tpu.memref_slice %arg13[%dma_wait3A_120] : memref<6x!tpu.dma_semaphore, #tpu.memory_space<semaphore_mem>> -> memref<1x!tpu.dma_semaphore, #tpu.memory_space<semaphore_mem>>
    %dma_wait3A_132 = tpu.memref_squeeze %dma_wait3A_131 : memref<1x!tpu.dma_semaphore, #tpu.memory_space<semaphore_mem>> -> memref<!tpu.dma_semaphore, #tpu.memory_space<semaphore_mem>>
    tpu.wait_indirect_dma semaphore(%dma_wait3A_132 : memref<!tpu.dma_semaphore, #tpu.memory_space<semaphore_mem>>) src(%dma_wait3A_124 : memref<128x32xf32, #tpu.memory_space<vmem>>) dst(%dma_wait3A_130 : memref<10008x32xf32, #tpu.memory_space<vmem_shared>>)
    %dma_wait3A_133 = arith.constant 4 : i32
    %dma_wait3A_134 = arith.constant 0 : i32
    %dma_wait3A_135 = arith.constant 4 : i32
    %dma_wait3A_136 = arith.constant 0 : i32
    %dma_wait3A_137 = arith.constant 0 : i32
    %dma_wait3A_138 = tpu.memref_slice %arg10[%dma_wait3A_133, %dma_wait3A_136, %dma_wait3A_137] : memref<6x128x32xf32, #tpu.memory_space<vmem>> -> memref<1x128x32xf32, #tpu.memory_space<vmem>>
    %dma_wait3A_139 = tpu.memref_squeeze %dma_wait3A_138 : memref<1x128x32xf32, #tpu.memory_space<vmem>> -> memref<128x32xf32, #tpu.memory_space<vmem>>
    %dma_wait3A_140 = arith.constant 0 : i32
    %dma_wait3A_141 = tpu.memref_slice %arg8[%dma_wait3A_134, %dma_wait3A_140] : memref<80x128xi32, #tpu.memory_space<vmem>> -> memref<1x128xi32, #tpu.memory_space<vmem>>
    %dma_wait3A_142 = tpu.memref_squeeze %dma_wait3A_141 : memref<1x128xi32, #tpu.memory_space<vmem>> -> memref<128xi32, #tpu.memory_space<vmem>>
    %dma_wait3A_143 = arith.constant 0 : i32
    %dma_wait3A_144 = arith.constant 0 : i32
    %dma_wait3A_145 = tpu.memref_slice %arg11[%dma_wait3A_143, %dma_wait3A_144] : memref<10008x32xf32, #tpu.memory_space<vmem_shared>> -> memref<10008x32xf32, #tpu.memory_space<vmem_shared>>
    %dma_wait3A_146 = tpu.memref_slice %arg13[%dma_wait3A_135] : memref<6x!tpu.dma_semaphore, #tpu.memory_space<semaphore_mem>> -> memref<1x!tpu.dma_semaphore, #tpu.memory_space<semaphore_mem>>
    %dma_wait3A_147 = tpu.memref_squeeze %dma_wait3A_146 : memref<1x!tpu.dma_semaphore, #tpu.memory_space<semaphore_mem>> -> memref<!tpu.dma_semaphore, #tpu.memory_space<semaphore_mem>>
    tpu.wait_indirect_dma semaphore(%dma_wait3A_147 : memref<!tpu.dma_semaphore, #tpu.memory_space<semaphore_mem>>) src(%dma_wait3A_139 : memref<128x32xf32, #tpu.memory_space<vmem>>) dst(%dma_wait3A_145 : memref<10008x32xf32, #tpu.memory_space<vmem_shared>>)
    %dma_wait3A_148 = arith.constant 5 : i32
    %dma_wait3A_149 = arith.constant 0 : i32
    %dma_wait3A_150 = arith.constant 5 : i32
    %dma_wait3A_151 = arith.constant 0 : i32
    %dma_wait3A_152 = arith.constant 0 : i32
    %dma_wait3A_153 = tpu.memref_slice %arg10[%dma_wait3A_148, %dma_wait3A_151, %dma_wait3A_152] : memref<6x128x32xf32, #tpu.memory_space<vmem>> -> memref<1x128x32xf32, #tpu.memory_space<vmem>>
    %dma_wait3A_154 = tpu.memref_squeeze %dma_wait3A_153 : memref<1x128x32xf32, #tpu.memory_space<vmem>> -> memref<128x32xf32, #tpu.memory_space<vmem>>
    %dma_wait3A_155 = arith.constant 0 : i32
    %dma_wait3A_156 = tpu.memref_slice %arg8[%dma_wait3A_149, %dma_wait3A_155] : memref<80x128xi32, #tpu.memory_space<vmem>> -> memref<1x128xi32, #tpu.memory_space<vmem>>
    %dma_wait3A_157 = tpu.memref_squeeze %dma_wait3A_156 : memref<1x128xi32, #tpu.memory_space<vmem>> -> memref<128xi32, #tpu.memory_space<vmem>>
    %dma_wait3A_158 = arith.constant 0 : i32
    %dma_wait3A_159 = arith.constant 0 : i32
    %dma_wait3A_160 = tpu.memref_slice %arg11[%dma_wait3A_158, %dma_wait3A_159] : memref<10008x32xf32, #tpu.memory_space<vmem_shared>> -> memref<10008x32xf32, #tpu.memory_space<vmem_shared>>
    %dma_wait3A_161 = tpu.memref_slice %arg13[%dma_wait3A_150] : memref<6x!tpu.dma_semaphore, #tpu.memory_space<semaphore_mem>> -> memref<1x!tpu.dma_semaphore, #tpu.memory_space<semaphore_mem>>
    %dma_wait3A_162 = tpu.memref_squeeze %dma_wait3A_161 : memref<1x!tpu.dma_semaphore, #tpu.memory_space<semaphore_mem>> -> memref<!tpu.dma_semaphore, #tpu.memory_space<semaphore_mem>>
    tpu.wait_indirect_dma semaphore(%dma_wait3A_162 : memref<!tpu.dma_semaphore, #tpu.memory_space<semaphore_mem>>) src(%dma_wait3A_154 : memref<128x32xf32, #tpu.memory_space<vmem>>) dst(%dma_wait3A_160 : memref<10008x32xf32, #tpu.memory_space<vmem_shared>>)
    %barrier3A_163 = arith.constant 0 : index
    tpu.barrier barrier_id(%barrier3A_163)
    "tpu.region"() ({
      %run_scoped3A = tpu.sem_alloc : memref<!tpu.dma_semaphore, #tpu.memory_space<semaphore_mem>>
      %dma_start3A_164 = arith.constant 0 : i32
      %dma_start3A_165 = arith.constant 0 : i32
      %dma_start3A_166 = tpu.memref_slice %arg6[%arg0, %dma_start3A_164, %dma_start3A_165] : memref<2x10000x32xf32, #tpu.memory_space<hbm>> -> memref<1x10000x32xf32, #tpu.memory_space<hbm>>
      %dma_start3A_167 = tpu.memref_squeeze %dma_start3A_166 : memref<1x10000x32xf32, #tpu.memory_space<hbm>> -> memref<10000x32xf32, #tpu.memory_space<hbm>>
      %dma_start3A_168 = arith.constant 0 : i32
      %dma_start3A_169 = tpu.memref_slice %dma_start3A_167[%min3A_7, %dma_start3A_168] : memref<10000x32xf32, #tpu.memory_space<hbm>> -> memref<632x32xf32, #tpu.memory_space<hbm>>
      %dma_start3A_170 = arith.constant 0 : i32
      %dma_start3A_171 = tpu.memref_slice %arg11[%min3A_7, %dma_start3A_170] : memref<10008x32xf32, #tpu.memory_space<vmem_shared>> -> memref<632x32xf32, #tpu.memory_space<vmem_shared>>
      tpu.enqueue_dma source(%dma_start3A_171 : memref<632x32xf32, #tpu.memory_space<vmem_shared>>) target(%dma_start3A_169 : memref<632x32xf32, #tpu.memory_space<hbm>>) target_semaphore(%run_scoped3A : memref<!tpu.dma_semaphore, #tpu.memory_space<semaphore_mem>>)
      %dma_wait3A_172 = arith.constant 0 : i32
      %dma_wait3A_173 = arith.constant 0 : i32
      %dma_wait3A_174 = tpu.memref_slice %arg6[%arg0, %dma_wait3A_172, %dma_wait3A_173] : memref<2x10000x32xf32, #tpu.memory_space<hbm>> -> memref<1x10000x32xf32, #tpu.memory_space<hbm>>
      %dma_wait3A_175 = tpu.memref_squeeze %dma_wait3A_174 : memref<1x10000x32xf32, #tpu.memory_space<hbm>> -> memref<10000x32xf32, #tpu.memory_space<hbm>>
      %dma_wait3A_176 = arith.constant 0 : i32
      %dma_wait3A_177 = tpu.memref_slice %dma_wait3A_175[%min3A_7, %dma_wait3A_176] : memref<10000x32xf32, #tpu.memory_space<hbm>> -> memref<632x32xf32, #tpu.memory_space<hbm>>
      %dma_wait3A_178 = arith.constant 0 : i32
      %dma_wait3A_179 = tpu.memref_slice %arg11[%min3A_7, %dma_wait3A_178] : memref<10008x32xf32, #tpu.memory_space<vmem_shared>> -> memref<632x32xf32, #tpu.memory_space<vmem_shared>>
      tpu.wait_dma2 semaphore(%run_scoped3A : memref<!tpu.dma_semaphore, #tpu.memory_space<semaphore_mem>>) src(%dma_wait3A_179 : memref<632x32xf32, #tpu.memory_space<vmem_shared>>) dst(%dma_wait3A_177 : memref<632x32xf32, #tpu.memory_space<hbm>>)
      tpu.yield
    }) : () -> ()
    return
  }
}

#map = affine_map<(d0, d1) -> (0, 0)>
#map1 = affine_map<(d0, d1) -> (0, 0, 0)>
module attributes {stable_mosaic.version = 14 : i64} {
  func.func @k(%arg0: i32, %arg1: i32, %arg2: memref<10000x16xf32, #tpu.memory_space<hbm>>, %arg3: memref<2560x128xi32, #tpu.memory_space<hbm>>, %arg4: memref<2560x128xi32, #tpu.memory_space<hbm>>, %arg5: memref<632x16xf32, #tpu.memory_space<hbm>>, %arg6: memref<2x10000x16xf32, #tpu.memory_space<hbm>>, %arg7: memref<80x128xi32, #tpu.memory_space<vmem>>, %arg8: memref<80x128xi32, #tpu.memory_space<vmem>>, %arg9: memref<6x128x16xf32, #tpu.memory_space<vmem>>, %arg10: memref<10008x16xf32, #tpu.memory_space<vmem_shared>>, %arg11: memref<8x16xf32, #tpu.memory_space<vmem>>, %arg12: memref<6x!tpu.dma_semaphore, #tpu.memory_space<semaphore_mem>>, %arg13: memref<6x!tpu.dma_semaphore, #tpu.memory_space<semaphore_mem>>) attributes {dimension_semantics = [#tpu.dimension_semantics<core_parallel>, #tpu.dimension_semantics<subcore_parallel>], iteration_bounds = array<i64: 2, 16>, scalar_prefetch = 0 : i64, scratch_operands = 7 : i64, tpu.core_type = #tpu.core_type<sc_vector_subcore>, window_params = [{transform_indices = #map}, {transform_indices = #map}, {transform_indices = #map}, {transform_indices = #map}, {transform_indices = #map1}]} {
    %mul3A = arith.constant 16 : i32
    %mul3A_0 = arith.muli %arg0, %mul3A : i32
    %add3A = arith.addi %mul3A_0, %arg1 : i32
    %mul3A_1 = arith.constant 80 : i32
    %mul3A_2 = arith.muli %add3A, %mul3A_1 : i32
    "tpu.region"() ({
      %run_scoped3A = tpu.sem_alloc : memref<!tpu.dma_semaphore, #tpu.memory_space<semaphore_mem>>
      %dma_start3A_164 = arith.constant 0 : i32
      %dma_start3A_165 = tpu.memref_slice %arg3[%mul3A_2, %dma_start3A_164] : memref<2560x128xi32, #tpu.memory_space<hbm>> -> memref<80x128xi32, #tpu.memory_space<hbm>>
      %dma_start3A_166 = arith.constant 0 : i32
      %dma_start3A_167 = tpu.memref_slice %arg3[%mul3A_2, %dma_start3A_166] : memref<2560x128xi32, #tpu.memory_space<hbm>> -> memref<80x128xi32, #tpu.memory_space<hbm>>
      tpu.enqueue_dma source(%dma_start3A_167 : memref<80x128xi32, #tpu.memory_space<hbm>>) target(%arg7 : memref<80x128xi32, #tpu.memory_space<vmem>>) target_semaphore(%run_scoped3A : memref<!tpu.dma_semaphore, #tpu.memory_space<semaphore_mem>>)
      %dma_wait3A_168 = arith.constant 0 : i32
      %dma_wait3A_169 = tpu.memref_slice %arg3[%mul3A_2, %dma_wait3A_168] : memref<2560x128xi32, #tpu.memory_space<hbm>> -> memref<80x128xi32, #tpu.memory_space<hbm>>
      %dma_wait3A_170 = arith.constant 0 : i32
      %dma_wait3A_171 = tpu.memref_slice %arg3[%mul3A_2, %dma_wait3A_170] : memref<2560x128xi32, #tpu.memory_space<hbm>> -> memref<80x128xi32, #tpu.memory_space<hbm>>
      tpu.wait_dma2 semaphore(%run_scoped3A : memref<!tpu.dma_semaphore, #tpu.memory_space<semaphore_mem>>) src(%dma_wait3A_171 : memref<80x128xi32, #tpu.memory_space<hbm>>) dst(%arg7 : memref<80x128xi32, #tpu.memory_space<vmem>>)
      tpu.yield
    }) : () -> ()
    %mul3A_3 = arith.constant 80 : i32
    %mul3A_4 = arith.muli %add3A, %mul3A_3 : i32
    "tpu.region"() ({
      %run_scoped3A = tpu.sem_alloc : memref<!tpu.dma_semaphore, #tpu.memory_space<semaphore_mem>>
      %dma_start3A_164 = arith.constant 0 : i32
      %dma_start3A_165 = tpu.memref_slice %arg4[%mul3A_4, %dma_start3A_164] : memref<2560x128xi32, #tpu.memory_space<hbm>> -> memref<80x128xi32, #tpu.memory_space<hbm>>
      %dma_start3A_166 = arith.constant 0 : i32
      %dma_start3A_167 = tpu.memref_slice %arg4[%mul3A_4, %dma_start3A_166] : memref<2560x128xi32, #tpu.memory_space<hbm>> -> memref<80x128xi32, #tpu.memory_space<hbm>>
      tpu.enqueue_dma source(%dma_start3A_167 : memref<80x128xi32, #tpu.memory_space<hbm>>) target(%arg8 : memref<80x128xi32, #tpu.memory_space<vmem>>) target_semaphore(%run_scoped3A : memref<!tpu.dma_semaphore, #tpu.memory_space<semaphore_mem>>)
      %dma_wait3A_168 = arith.constant 0 : i32
      %dma_wait3A_169 = tpu.memref_slice %arg4[%mul3A_4, %dma_wait3A_168] : memref<2560x128xi32, #tpu.memory_space<hbm>> -> memref<80x128xi32, #tpu.memory_space<hbm>>
      %dma_wait3A_170 = arith.constant 0 : i32
      %dma_wait3A_171 = tpu.memref_slice %arg4[%mul3A_4, %dma_wait3A_170] : memref<2560x128xi32, #tpu.memory_space<hbm>> -> memref<80x128xi32, #tpu.memory_space<hbm>>
      tpu.wait_dma2 semaphore(%run_scoped3A : memref<!tpu.dma_semaphore, #tpu.memory_space<semaphore_mem>>) src(%dma_wait3A_171 : memref<80x128xi32, #tpu.memory_space<hbm>>) dst(%arg8 : memref<80x128xi32, #tpu.memory_space<vmem>>)
      tpu.yield
    }) : () -> ()
    %mul3A_5 = arith.constant 632 : i32
    %mul3A_6 = arith.muli %arg1, %mul3A_5 : i32
    %min3A = arith.constant 9368 : i32
    %min3A_7 = arith.minsi %mul3A_6, %min3A : i32
    "tpu.region"() ({
      %run_scoped3A = tpu.sem_alloc : memref<!tpu.dma_semaphore, #tpu.memory_space<semaphore_mem>>
      %dma_start3A_164 = arith.constant 0 : i32
      %dma_start3A_165 = tpu.memref_slice %arg10[%min3A_7, %dma_start3A_164] : memref<10008x16xf32, #tpu.memory_space<vmem_shared>> -> memref<632x16xf32, #tpu.memory_space<vmem_shared>>
      tpu.enqueue_dma source(%arg5 : memref<632x16xf32, #tpu.memory_space<hbm>>) target(%dma_start3A_165 : memref<632x16xf32, #tpu.memory_space<vmem_shared>>) target_semaphore(%run_scoped3A : memref<!tpu.dma_semaphore, #tpu.memory_space<semaphore_mem>>)
      %dma_wait3A_166 = arith.constant 0 : i32
      %dma_wait3A_167 = tpu.memref_slice %arg10[%min3A_7, %dma_wait3A_166] : memref<10008x16xf32, #tpu.memory_space<vmem_shared>> -> memref<632x16xf32, #tpu.memory_space<vmem_shared>>
      tpu.wait_dma2 semaphore(%run_scoped3A : memref<!tpu.dma_semaphore, #tpu.memory_space<semaphore_mem>>) src(%arg5 : memref<632x16xf32, #tpu.memory_space<hbm>>) dst(%dma_wait3A_167 : memref<632x16xf32, #tpu.memory_space<vmem_shared>>)
      tpu.yield
    }) : () -> ()
    %eq3A = arith.constant 0 : i32
    %eq3A_8 = arith.cmpi eq, %arg1, %eq3A : i32
    %convert_element_type3A = arith.extui %eq3A_8 : i1 to i32
    %cond3A = arith.constant 0 : i32
    %cond3A_9 = arith.cmpi ne, %convert_element_type3A, %cond3A : i32
    scf.if %cond3A_9 {
      "tpu.region"() ({
        %run_scoped3A = tpu.sem_alloc : memref<!tpu.dma_semaphore, #tpu.memory_space<semaphore_mem>>
        %dma_start3A_164 = arith.constant 10000 : i32
        %dma_start3A_165 = arith.constant 0 : i32
        %dma_start3A_166 = tpu.memref_slice %arg10[%dma_start3A_164, %dma_start3A_165] : memref<10008x16xf32, #tpu.memory_space<vmem_shared>> -> memref<8x16xf32, #tpu.memory_space<vmem_shared>>
        %dma_start3A_167 = arith.constant 0 : i32
        %dma_start3A_168 = arith.constant 0 : i32
        %dma_start3A_169 = tpu.memref_slice %arg5[%dma_start3A_167, %dma_start3A_168] : memref<632x16xf32, #tpu.memory_space<hbm>> -> memref<8x16xf32, #tpu.memory_space<hbm>>
        tpu.enqueue_dma source(%dma_start3A_169 : memref<8x16xf32, #tpu.memory_space<hbm>>) target(%dma_start3A_166 : memref<8x16xf32, #tpu.memory_space<vmem_shared>>) target_semaphore(%run_scoped3A : memref<!tpu.dma_semaphore, #tpu.memory_space<semaphore_mem>>)
        %dma_wait3A_170 = arith.constant 10000 : i32
        %dma_wait3A_171 = arith.constant 0 : i32
        %dma_wait3A_172 = tpu.memref_slice %arg10[%dma_wait3A_170, %dma_wait3A_171] : memref<10008x16xf32, #tpu.memory_space<vmem_shared>> -> memref<8x16xf32, #tpu.memory_space<vmem_shared>>
        %dma_wait3A_173 = arith.constant 0 : i32
        %dma_wait3A_174 = arith.constant 0 : i32
        %dma_wait3A_175 = tpu.memref_slice %arg5[%dma_wait3A_173, %dma_wait3A_174] : memref<632x16xf32, #tpu.memory_space<hbm>> -> memref<8x16xf32, #tpu.memory_space<hbm>>
        tpu.wait_dma2 semaphore(%run_scoped3A : memref<!tpu.dma_semaphore, #tpu.memory_space<semaphore_mem>>) src(%dma_wait3A_175 : memref<8x16xf32, #tpu.memory_space<hbm>>) dst(%dma_wait3A_172 : memref<8x16xf32, #tpu.memory_space<vmem_shared>>)
        tpu.yield
      }) : () -> ()
    } else {
    }
    %barrier3A = arith.constant 0 : index
    tpu.barrier barrier_id(%barrier3A)
    %dma_start3A = arith.constant 0 : i32
    %dma_start3A_10 = arith.constant 0 : i32
    %dma_start3A_11 = arith.constant 0 : i32
    %dma_start3A_12 = arith.constant 0 : i32
    %dma_start3A_13 = arith.constant 0 : i32
    %dma_start3A_14 = tpu.memref_slice %arg9[%dma_start3A_10, %dma_start3A_12, %dma_start3A_13] : memref<6x128x16xf32, #tpu.memory_space<vmem>> -> memref<1x128x16xf32, #tpu.memory_space<vmem>>
    %dma_start3A_15 = tpu.memref_squeeze %dma_start3A_14 : memref<1x128x16xf32, #tpu.memory_space<vmem>> -> memref<128x16xf32, #tpu.memory_space<vmem>>
    %dma_start3A_16 = arith.constant 0 : i32
    %dma_start3A_17 = tpu.memref_slice %arg7[%dma_start3A, %dma_start3A_16] : memref<80x128xi32, #tpu.memory_space<vmem>> -> memref<1x128xi32, #tpu.memory_space<vmem>>
    %dma_start3A_18 = tpu.memref_squeeze %dma_start3A_17 : memref<1x128xi32, #tpu.memory_space<vmem>> -> memref<128xi32, #tpu.memory_space<vmem>>
    %dma_start3A_19 = arith.constant 0 : i32
    %dma_start3A_20 = arith.constant 0 : i32
    %dma_start3A_21 = tpu.memref_slice %arg2[%dma_start3A_19, %dma_start3A_20] : memref<10000x16xf32, #tpu.memory_space<hbm>> -> memref<10000x16xf32, #tpu.memory_space<hbm>>
    %dma_start3A_22 = tpu.memref_slice %arg12[%dma_start3A_11] : memref<6x!tpu.dma_semaphore, #tpu.memory_space<semaphore_mem>> -> memref<1x!tpu.dma_semaphore, #tpu.memory_space<semaphore_mem>>
    %dma_start3A_23 = tpu.memref_squeeze %dma_start3A_22 : memref<1x!tpu.dma_semaphore, #tpu.memory_space<semaphore_mem>> -> memref<!tpu.dma_semaphore, #tpu.memory_space<semaphore_mem>>
    tpu.enqueue_indirect_dma source(%dma_start3A_21 : memref<10000x16xf32, #tpu.memory_space<hbm>>) target(%dma_start3A_15 : memref<128x16xf32, #tpu.memory_space<vmem>>) offsets(%dma_start3A_18 : memref<128xi32, #tpu.memory_space<vmem>>) semaphore(%dma_start3A_23 : memref<!tpu.dma_semaphore, #tpu.memory_space<semaphore_mem>>)
    %dma_start3A_24 = arith.constant 1 : i32
    %dma_start3A_25 = arith.constant 1 : i32
    %dma_start3A_26 = arith.constant 1 : i32
    %dma_start3A_27 = arith.constant 0 : i32
    %dma_start3A_28 = arith.constant 0 : i32
    %dma_start3A_29 = tpu.memref_slice %arg9[%dma_start3A_25, %dma_start3A_27, %dma_start3A_28] : memref<6x128x16xf32, #tpu.memory_space<vmem>> -> memref<1x128x16xf32, #tpu.memory_space<vmem>>
    %dma_start3A_30 = tpu.memref_squeeze %dma_start3A_29 : memref<1x128x16xf32, #tpu.memory_space<vmem>> -> memref<128x16xf32, #tpu.memory_space<vmem>>
    %dma_start3A_31 = arith.constant 0 : i32
    %dma_start3A_32 = tpu.memref_slice %arg7[%dma_start3A_24, %dma_start3A_31] : memref<80x128xi32, #tpu.memory_space<vmem>> -> memref<1x128xi32, #tpu.memory_space<vmem>>
    %dma_start3A_33 = tpu.memref_squeeze %dma_start3A_32 : memref<1x128xi32, #tpu.memory_space<vmem>> -> memref<128xi32, #tpu.memory_space<vmem>>
    %dma_start3A_34 = arith.constant 0 : i32
    %dma_start3A_35 = arith.constant 0 : i32
    %dma_start3A_36 = tpu.memref_slice %arg2[%dma_start3A_34, %dma_start3A_35] : memref<10000x16xf32, #tpu.memory_space<hbm>> -> memref<10000x16xf32, #tpu.memory_space<hbm>>
    %dma_start3A_37 = tpu.memref_slice %arg12[%dma_start3A_26] : memref<6x!tpu.dma_semaphore, #tpu.memory_space<semaphore_mem>> -> memref<1x!tpu.dma_semaphore, #tpu.memory_space<semaphore_mem>>
    %dma_start3A_38 = tpu.memref_squeeze %dma_start3A_37 : memref<1x!tpu.dma_semaphore, #tpu.memory_space<semaphore_mem>> -> memref<!tpu.dma_semaphore, #tpu.memory_space<semaphore_mem>>
    tpu.enqueue_indirect_dma source(%dma_start3A_36 : memref<10000x16xf32, #tpu.memory_space<hbm>>) target(%dma_start3A_30 : memref<128x16xf32, #tpu.memory_space<vmem>>) offsets(%dma_start3A_33 : memref<128xi32, #tpu.memory_space<vmem>>) semaphore(%dma_start3A_38 : memref<!tpu.dma_semaphore, #tpu.memory_space<semaphore_mem>>)
    %dma_start3A_39 = arith.constant 2 : i32
    %dma_start3A_40 = arith.constant 2 : i32
    %dma_start3A_41 = arith.constant 2 : i32
    %dma_start3A_42 = arith.constant 0 : i32
    %dma_start3A_43 = arith.constant 0 : i32
    %dma_start3A_44 = tpu.memref_slice %arg9[%dma_start3A_40, %dma_start3A_42, %dma_start3A_43] : memref<6x128x16xf32, #tpu.memory_space<vmem>> -> memref<1x128x16xf32, #tpu.memory_space<vmem>>
    %dma_start3A_45 = tpu.memref_squeeze %dma_start3A_44 : memref<1x128x16xf32, #tpu.memory_space<vmem>> -> memref<128x16xf32, #tpu.memory_space<vmem>>
    %dma_start3A_46 = arith.constant 0 : i32
    %dma_start3A_47 = tpu.memref_slice %arg7[%dma_start3A_39, %dma_start3A_46] : memref<80x128xi32, #tpu.memory_space<vmem>> -> memref<1x128xi32, #tpu.memory_space<vmem>>
    %dma_start3A_48 = tpu.memref_squeeze %dma_start3A_47 : memref<1x128xi32, #tpu.memory_space<vmem>> -> memref<128xi32, #tpu.memory_space<vmem>>
    %dma_start3A_49 = arith.constant 0 : i32
    %dma_start3A_50 = arith.constant 0 : i32
    %dma_start3A_51 = tpu.memref_slice %arg2[%dma_start3A_49, %dma_start3A_50] : memref<10000x16xf32, #tpu.memory_space<hbm>> -> memref<10000x16xf32, #tpu.memory_space<hbm>>
    %dma_start3A_52 = tpu.memref_slice %arg12[%dma_start3A_41] : memref<6x!tpu.dma_semaphore, #tpu.memory_space<semaphore_mem>> -> memref<1x!tpu.dma_semaphore, #tpu.memory_space<semaphore_mem>>
    %dma_start3A_53 = tpu.memref_squeeze %dma_start3A_52 : memref<1x!tpu.dma_semaphore, #tpu.memory_space<semaphore_mem>> -> memref<!tpu.dma_semaphore, #tpu.memory_space<semaphore_mem>>
    tpu.enqueue_indirect_dma source(%dma_start3A_51 : memref<10000x16xf32, #tpu.memory_space<hbm>>) target(%dma_start3A_45 : memref<128x16xf32, #tpu.memory_space<vmem>>) offsets(%dma_start3A_48 : memref<128xi32, #tpu.memory_space<vmem>>) semaphore(%dma_start3A_53 : memref<!tpu.dma_semaphore, #tpu.memory_space<semaphore_mem>>)
    %dma_start3A_54 = arith.constant 3 : i32
    %dma_start3A_55 = arith.constant 3 : i32
    %dma_start3A_56 = arith.constant 3 : i32
    %dma_start3A_57 = arith.constant 0 : i32
    %dma_start3A_58 = arith.constant 0 : i32
    %dma_start3A_59 = tpu.memref_slice %arg9[%dma_start3A_55, %dma_start3A_57, %dma_start3A_58] : memref<6x128x16xf32, #tpu.memory_space<vmem>> -> memref<1x128x16xf32, #tpu.memory_space<vmem>>
    %dma_start3A_60 = tpu.memref_squeeze %dma_start3A_59 : memref<1x128x16xf32, #tpu.memory_space<vmem>> -> memref<128x16xf32, #tpu.memory_space<vmem>>
    %dma_start3A_61 = arith.constant 0 : i32
    %dma_start3A_62 = tpu.memref_slice %arg7[%dma_start3A_54, %dma_start3A_61] : memref<80x128xi32, #tpu.memory_space<vmem>> -> memref<1x128xi32, #tpu.memory_space<vmem>>
    %dma_start3A_63 = tpu.memref_squeeze %dma_start3A_62 : memref<1x128xi32, #tpu.memory_space<vmem>> -> memref<128xi32, #tpu.memory_space<vmem>>
    %dma_start3A_64 = arith.constant 0 : i32
    %dma_start3A_65 = arith.constant 0 : i32
    %dma_start3A_66 = tpu.memref_slice %arg2[%dma_start3A_64, %dma_start3A_65] : memref<10000x16xf32, #tpu.memory_space<hbm>> -> memref<10000x16xf32, #tpu.memory_space<hbm>>
    %dma_start3A_67 = tpu.memref_slice %arg12[%dma_start3A_56] : memref<6x!tpu.dma_semaphore, #tpu.memory_space<semaphore_mem>> -> memref<1x!tpu.dma_semaphore, #tpu.memory_space<semaphore_mem>>
    %dma_start3A_68 = tpu.memref_squeeze %dma_start3A_67 : memref<1x!tpu.dma_semaphore, #tpu.memory_space<semaphore_mem>> -> memref<!tpu.dma_semaphore, #tpu.memory_space<semaphore_mem>>
    tpu.enqueue_indirect_dma source(%dma_start3A_66 : memref<10000x16xf32, #tpu.memory_space<hbm>>) target(%dma_start3A_60 : memref<128x16xf32, #tpu.memory_space<vmem>>) offsets(%dma_start3A_63 : memref<128xi32, #tpu.memory_space<vmem>>) semaphore(%dma_start3A_68 : memref<!tpu.dma_semaphore, #tpu.memory_space<semaphore_mem>>)
    %scan3A = arith.constant 0 : i32
    %scan3A_69 = arith.constant 0 : i32
    %scan3A_70 = arith.constant 80 : i32
    %scan3A_71 = arith.addi %scan3A_69, %scan3A_70 : i32
    %scan3A_72 = arith.constant 1 : i32
    scf.for %scan3A_164 = %scan3A_69 to %scan3A_71 step %scan3A_72  : i32 {
      %rem3A = arith.constant 6 : i32
      %rem3A_165 = arith.remsi %scan3A_164, %rem3A : i32
      %dma_wait3A_166 = arith.constant 0 : i32
      %dma_wait3A_167 = arith.constant 0 : i32
      %dma_wait3A_168 = tpu.memref_slice %arg9[%rem3A_165, %dma_wait3A_166, %dma_wait3A_167] : memref<6x128x16xf32, #tpu.memory_space<vmem>> -> memref<1x128x16xf32, #tpu.memory_space<vmem>>
      %dma_wait3A_169 = tpu.memref_squeeze %dma_wait3A_168 : memref<1x128x16xf32, #tpu.memory_space<vmem>> -> memref<128x16xf32, #tpu.memory_space<vmem>>
      %dma_wait3A_170 = arith.constant 0 : i32
      %dma_wait3A_171 = tpu.memref_slice %arg7[%scan3A_164, %dma_wait3A_170] : memref<80x128xi32, #tpu.memory_space<vmem>> -> memref<1x128xi32, #tpu.memory_space<vmem>>
      %dma_wait3A_172 = tpu.memref_squeeze %dma_wait3A_171 : memref<1x128xi32, #tpu.memory_space<vmem>> -> memref<128xi32, #tpu.memory_space<vmem>>
      %dma_wait3A_173 = arith.constant 0 : i32
      %dma_wait3A_174 = arith.constant 0 : i32
      %dma_wait3A_175 = tpu.memref_slice %arg2[%dma_wait3A_173, %dma_wait3A_174] : memref<10000x16xf32, #tpu.memory_space<hbm>> -> memref<10000x16xf32, #tpu.memory_space<hbm>>
      %dma_wait3A_176 = tpu.memref_slice %arg12[%rem3A_165] : memref<6x!tpu.dma_semaphore, #tpu.memory_space<semaphore_mem>> -> memref<1x!tpu.dma_semaphore, #tpu.memory_space<semaphore_mem>>
      %dma_wait3A_177 = tpu.memref_squeeze %dma_wait3A_176 : memref<1x!tpu.dma_semaphore, #tpu.memory_space<semaphore_mem>> -> memref<!tpu.dma_semaphore, #tpu.memory_space<semaphore_mem>>
      tpu.wait_indirect_dma semaphore(%dma_wait3A_177 : memref<!tpu.dma_semaphore, #tpu.memory_space<semaphore_mem>>) src(%dma_wait3A_175 : memref<10000x16xf32, #tpu.memory_space<hbm>>) dst(%dma_wait3A_169 : memref<128x16xf32, #tpu.memory_space<vmem>>)
      %dma_start3A_178 = arith.constant 0 : i32
      %dma_start3A_179 = arith.constant 0 : i32
      %dma_start3A_180 = tpu.memref_slice %arg9[%rem3A_165, %dma_start3A_178, %dma_start3A_179] : memref<6x128x16xf32, #tpu.memory_space<vmem>> -> memref<1x128x16xf32, #tpu.memory_space<vmem>>
      %dma_start3A_181 = tpu.memref_squeeze %dma_start3A_180 : memref<1x128x16xf32, #tpu.memory_space<vmem>> -> memref<128x16xf32, #tpu.memory_space<vmem>>
      %dma_start3A_182 = arith.constant 0 : i32
      %dma_start3A_183 = tpu.memref_slice %arg8[%scan3A_164, %dma_start3A_182] : memref<80x128xi32, #tpu.memory_space<vmem>> -> memref<1x128xi32, #tpu.memory_space<vmem>>
      %dma_start3A_184 = tpu.memref_squeeze %dma_start3A_183 : memref<1x128xi32, #tpu.memory_space<vmem>> -> memref<128xi32, #tpu.memory_space<vmem>>
      %dma_start3A_185 = arith.constant 0 : i32
      %dma_start3A_186 = arith.constant 0 : i32
      %dma_start3A_187 = tpu.memref_slice %arg10[%dma_start3A_185, %dma_start3A_186] : memref<10008x16xf32, #tpu.memory_space<vmem_shared>> -> memref<10008x16xf32, #tpu.memory_space<vmem_shared>>
      %dma_start3A_188 = tpu.memref_slice %arg13[%rem3A_165] : memref<6x!tpu.dma_semaphore, #tpu.memory_space<semaphore_mem>> -> memref<1x!tpu.dma_semaphore, #tpu.memory_space<semaphore_mem>>
      %dma_start3A_189 = tpu.memref_squeeze %dma_start3A_188 : memref<1x!tpu.dma_semaphore, #tpu.memory_space<semaphore_mem>> -> memref<!tpu.dma_semaphore, #tpu.memory_space<semaphore_mem>>
      tpu.enqueue_indirect_dma source(%dma_start3A_181 : memref<128x16xf32, #tpu.memory_space<vmem>>) target(%dma_start3A_187 : memref<10008x16xf32, #tpu.memory_space<vmem_shared>>) offsets(%dma_start3A_184 : memref<128xi32, #tpu.memory_space<vmem>>) semaphore(%dma_start3A_189 : memref<!tpu.dma_semaphore, #tpu.memory_space<semaphore_mem>>) {add = true}
      %add3A_190 = arith.constant 4 : i32
      %add3A_191 = arith.addi %scan3A_164, %add3A_190 : i32
      %lt3A = arith.constant 80 : i32
      %lt3A_192 = arith.cmpi slt, %add3A_191, %lt3A : i32
      %convert_element_type3A_193 = arith.extui %lt3A_192 : i1 to i32
      %cond3A_194 = arith.constant 0 : i32
      %cond3A_195 = arith.cmpi ne, %convert_element_type3A_193, %cond3A_194 : i32
      scf.if %cond3A_195 {
        %rem3A_196 = arith.constant 6 : i32
        %rem3A_197 = arith.remsi %add3A_191, %rem3A_196 : i32
        %ge3A = arith.constant 6 : i32
        %ge3A_198 = arith.cmpi sge, %add3A_191, %ge3A : i32
        %convert_element_type3A_199 = arith.extui %ge3A_198 : i1 to i32
        %cond3A_200 = arith.constant 0 : i32
        %cond3A_201 = arith.cmpi ne, %convert_element_type3A_199, %cond3A_200 : i32
        scf.if %cond3A_201 {
          %dma_wait3A_214 = arith.constant 0 : i32
          %dma_wait3A_215 = arith.constant 0 : i32
          %dma_wait3A_216 = tpu.memref_slice %arg9[%rem3A_197, %dma_wait3A_214, %dma_wait3A_215] : memref<6x128x16xf32, #tpu.memory_space<vmem>> -> memref<1x128x16xf32, #tpu.memory_space<vmem>>
          %dma_wait3A_217 = tpu.memref_squeeze %dma_wait3A_216 : memref<1x128x16xf32, #tpu.memory_space<vmem>> -> memref<128x16xf32, #tpu.memory_space<vmem>>
          %dma_wait3A_218 = arith.constant 0 : i32
          %dma_wait3A_219 = tpu.memref_slice %arg8[%add3A_191, %dma_wait3A_218] : memref<80x128xi32, #tpu.memory_space<vmem>> -> memref<1x128xi32, #tpu.memory_space<vmem>>
          %dma_wait3A_220 = tpu.memref_squeeze %dma_wait3A_219 : memref<1x128xi32, #tpu.memory_space<vmem>> -> memref<128xi32, #tpu.memory_space<vmem>>
          %dma_wait3A_221 = arith.constant 0 : i32
          %dma_wait3A_222 = arith.constant 0 : i32
          %dma_wait3A_223 = tpu.memref_slice %arg10[%dma_wait3A_221, %dma_wait3A_222] : memref<10008x16xf32, #tpu.memory_space<vmem_shared>> -> memref<10008x16xf32, #tpu.memory_space<vmem_shared>>
          %dma_wait3A_224 = tpu.memref_slice %arg13[%rem3A_197] : memref<6x!tpu.dma_semaphore, #tpu.memory_space<semaphore_mem>> -> memref<1x!tpu.dma_semaphore, #tpu.memory_space<semaphore_mem>>
          %dma_wait3A_225 = tpu.memref_squeeze %dma_wait3A_224 : memref<1x!tpu.dma_semaphore, #tpu.memory_space<semaphore_mem>> -> memref<!tpu.dma_semaphore, #tpu.memory_space<semaphore_mem>>
          tpu.wait_indirect_dma semaphore(%dma_wait3A_225 : memref<!tpu.dma_semaphore, #tpu.memory_space<semaphore_mem>>) src(%dma_wait3A_217 : memref<128x16xf32, #tpu.memory_space<vmem>>) dst(%dma_wait3A_223 : memref<10008x16xf32, #tpu.memory_space<vmem_shared>>)
        } else {
        }
        %dma_start3A_202 = arith.constant 0 : i32
        %dma_start3A_203 = arith.constant 0 : i32
        %dma_start3A_204 = tpu.memref_slice %arg9[%rem3A_197, %dma_start3A_202, %dma_start3A_203] : memref<6x128x16xf32, #tpu.memory_space<vmem>> -> memref<1x128x16xf32, #tpu.memory_space<vmem>>
        %dma_start3A_205 = tpu.memref_squeeze %dma_start3A_204 : memref<1x128x16xf32, #tpu.memory_space<vmem>> -> memref<128x16xf32, #tpu.memory_space<vmem>>
        %dma_start3A_206 = arith.constant 0 : i32
        %dma_start3A_207 = tpu.memref_slice %arg7[%add3A_191, %dma_start3A_206] : memref<80x128xi32, #tpu.memory_space<vmem>> -> memref<1x128xi32, #tpu.memory_space<vmem>>
        %dma_start3A_208 = tpu.memref_squeeze %dma_start3A_207 : memref<1x128xi32, #tpu.memory_space<vmem>> -> memref<128xi32, #tpu.memory_space<vmem>>
        %dma_start3A_209 = arith.constant 0 : i32
        %dma_start3A_210 = arith.constant 0 : i32
        %dma_start3A_211 = tpu.memref_slice %arg2[%dma_start3A_209, %dma_start3A_210] : memref<10000x16xf32, #tpu.memory_space<hbm>> -> memref<10000x16xf32, #tpu.memory_space<hbm>>
        %dma_start3A_212 = tpu.memref_slice %arg12[%rem3A_197] : memref<6x!tpu.dma_semaphore, #tpu.memory_space<semaphore_mem>> -> memref<1x!tpu.dma_semaphore, #tpu.memory_space<semaphore_mem>>
        %dma_start3A_213 = tpu.memref_squeeze %dma_start3A_212 : memref<1x!tpu.dma_semaphore, #tpu.memory_space<semaphore_mem>> -> memref<!tpu.dma_semaphore, #tpu.memory_space<semaphore_mem>>
        tpu.enqueue_indirect_dma source(%dma_start3A_211 : memref<10000x16xf32, #tpu.memory_space<hbm>>) target(%dma_start3A_205 : memref<128x16xf32, #tpu.memory_space<vmem>>) offsets(%dma_start3A_208 : memref<128xi32, #tpu.memory_space<vmem>>) semaphore(%dma_start3A_213 : memref<!tpu.dma_semaphore, #tpu.memory_space<semaphore_mem>>)
      } else {
      }
    }
    %scan3A_73 = arith.constant 80 : i32
    %dma_wait3A = arith.constant 0 : i32
    %dma_wait3A_74 = arith.constant 0 : i32
    %dma_wait3A_75 = arith.constant 0 : i32
    %dma_wait3A_76 = arith.constant 0 : i32
    %dma_wait3A_77 = arith.constant 0 : i32
    %dma_wait3A_78 = tpu.memref_slice %arg9[%dma_wait3A, %dma_wait3A_76, %dma_wait3A_77] : memref<6x128x16xf32, #tpu.memory_space<vmem>> -> memref<1x128x16xf32, #tpu.memory_space<vmem>>
    %dma_wait3A_79 = tpu.memref_squeeze %dma_wait3A_78 : memref<1x128x16xf32, #tpu.memory_space<vmem>> -> memref<128x16xf32, #tpu.memory_space<vmem>>
    %dma_wait3A_80 = arith.constant 0 : i32
    %dma_wait3A_81 = tpu.memref_slice %arg8[%dma_wait3A_74, %dma_wait3A_80] : memref<80x128xi32, #tpu.memory_space<vmem>> -> memref<1x128xi32, #tpu.memory_space<vmem>>
    %dma_wait3A_82 = tpu.memref_squeeze %dma_wait3A_81 : memref<1x128xi32, #tpu.memory_space<vmem>> -> memref<128xi32, #tpu.memory_space<vmem>>
    %dma_wait3A_83 = arith.constant 0 : i32
    %dma_wait3A_84 = arith.constant 0 : i32
    %dma_wait3A_85 = tpu.memref_slice %arg10[%dma_wait3A_83, %dma_wait3A_84] : memref<10008x16xf32, #tpu.memory_space<vmem_shared>> -> memref<10008x16xf32, #tpu.memory_space<vmem_shared>>
    %dma_wait3A_86 = tpu.memref_slice %arg13[%dma_wait3A_75] : memref<6x!tpu.dma_semaphore, #tpu.memory_space<semaphore_mem>> -> memref<1x!tpu.dma_semaphore, #tpu.memory_space<semaphore_mem>>
    %dma_wait3A_87 = tpu.memref_squeeze %dma_wait3A_86 : memref<1x!tpu.dma_semaphore, #tpu.memory_space<semaphore_mem>> -> memref<!tpu.dma_semaphore, #tpu.memory_space<semaphore_mem>>
    tpu.wait_indirect_dma semaphore(%dma_wait3A_87 : memref<!tpu.dma_semaphore, #tpu.memory_space<semaphore_mem>>) src(%dma_wait3A_79 : memref<128x16xf32, #tpu.memory_space<vmem>>) dst(%dma_wait3A_85 : memref<10008x16xf32, #tpu.memory_space<vmem_shared>>)
    %dma_wait3A_88 = arith.constant 1 : i32
    %dma_wait3A_89 = arith.constant 0 : i32
    %dma_wait3A_90 = arith.constant 1 : i32
    %dma_wait3A_91 = arith.constant 0 : i32
    %dma_wait3A_92 = arith.constant 0 : i32
    %dma_wait3A_93 = tpu.memref_slice %arg9[%dma_wait3A_88, %dma_wait3A_91, %dma_wait3A_92] : memref<6x128x16xf32, #tpu.memory_space<vmem>> -> memref<1x128x16xf32, #tpu.memory_space<vmem>>
    %dma_wait3A_94 = tpu.memref_squeeze %dma_wait3A_93 : memref<1x128x16xf32, #tpu.memory_space<vmem>> -> memref<128x16xf32, #tpu.memory_space<vmem>>
    %dma_wait3A_95 = arith.constant 0 : i32
    %dma_wait3A_96 = tpu.memref_slice %arg8[%dma_wait3A_89, %dma_wait3A_95] : memref<80x128xi32, #tpu.memory_space<vmem>> -> memref<1x128xi32, #tpu.memory_space<vmem>>
    %dma_wait3A_97 = tpu.memref_squeeze %dma_wait3A_96 : memref<1x128xi32, #tpu.memory_space<vmem>> -> memref<128xi32, #tpu.memory_space<vmem>>
    %dma_wait3A_98 = arith.constant 0 : i32
    %dma_wait3A_99 = arith.constant 0 : i32
    %dma_wait3A_100 = tpu.memref_slice %arg10[%dma_wait3A_98, %dma_wait3A_99] : memref<10008x16xf32, #tpu.memory_space<vmem_shared>> -> memref<10008x16xf32, #tpu.memory_space<vmem_shared>>
    %dma_wait3A_101 = tpu.memref_slice %arg13[%dma_wait3A_90] : memref<6x!tpu.dma_semaphore, #tpu.memory_space<semaphore_mem>> -> memref<1x!tpu.dma_semaphore, #tpu.memory_space<semaphore_mem>>
    %dma_wait3A_102 = tpu.memref_squeeze %dma_wait3A_101 : memref<1x!tpu.dma_semaphore, #tpu.memory_space<semaphore_mem>> -> memref<!tpu.dma_semaphore, #tpu.memory_space<semaphore_mem>>
    tpu.wait_indirect_dma semaphore(%dma_wait3A_102 : memref<!tpu.dma_semaphore, #tpu.memory_space<semaphore_mem>>) src(%dma_wait3A_94 : memref<128x16xf32, #tpu.memory_space<vmem>>) dst(%dma_wait3A_100 : memref<10008x16xf32, #tpu.memory_space<vmem_shared>>)
    %dma_wait3A_103 = arith.constant 2 : i32
    %dma_wait3A_104 = arith.constant 0 : i32
    %dma_wait3A_105 = arith.constant 2 : i32
    %dma_wait3A_106 = arith.constant 0 : i32
    %dma_wait3A_107 = arith.constant 0 : i32
    %dma_wait3A_108 = tpu.memref_slice %arg9[%dma_wait3A_103, %dma_wait3A_106, %dma_wait3A_107] : memref<6x128x16xf32, #tpu.memory_space<vmem>> -> memref<1x128x16xf32, #tpu.memory_space<vmem>>
    %dma_wait3A_109 = tpu.memref_squeeze %dma_wait3A_108 : memref<1x128x16xf32, #tpu.memory_space<vmem>> -> memref<128x16xf32, #tpu.memory_space<vmem>>
    %dma_wait3A_110 = arith.constant 0 : i32
    %dma_wait3A_111 = tpu.memref_slice %arg8[%dma_wait3A_104, %dma_wait3A_110] : memref<80x128xi32, #tpu.memory_space<vmem>> -> memref<1x128xi32, #tpu.memory_space<vmem>>
    %dma_wait3A_112 = tpu.memref_squeeze %dma_wait3A_111 : memref<1x128xi32, #tpu.memory_space<vmem>> -> memref<128xi32, #tpu.memory_space<vmem>>
    %dma_wait3A_113 = arith.constant 0 : i32
    %dma_wait3A_114 = arith.constant 0 : i32
    %dma_wait3A_115 = tpu.memref_slice %arg10[%dma_wait3A_113, %dma_wait3A_114] : memref<10008x16xf32, #tpu.memory_space<vmem_shared>> -> memref<10008x16xf32, #tpu.memory_space<vmem_shared>>
    %dma_wait3A_116 = tpu.memref_slice %arg13[%dma_wait3A_105] : memref<6x!tpu.dma_semaphore, #tpu.memory_space<semaphore_mem>> -> memref<1x!tpu.dma_semaphore, #tpu.memory_space<semaphore_mem>>
    %dma_wait3A_117 = tpu.memref_squeeze %dma_wait3A_116 : memref<1x!tpu.dma_semaphore, #tpu.memory_space<semaphore_mem>> -> memref<!tpu.dma_semaphore, #tpu.memory_space<semaphore_mem>>
    tpu.wait_indirect_dma semaphore(%dma_wait3A_117 : memref<!tpu.dma_semaphore, #tpu.memory_space<semaphore_mem>>) src(%dma_wait3A_109 : memref<128x16xf32, #tpu.memory_space<vmem>>) dst(%dma_wait3A_115 : memref<10008x16xf32, #tpu.memory_space<vmem_shared>>)
    %dma_wait3A_118 = arith.constant 3 : i32
    %dma_wait3A_119 = arith.constant 0 : i32
    %dma_wait3A_120 = arith.constant 3 : i32
    %dma_wait3A_121 = arith.constant 0 : i32
    %dma_wait3A_122 = arith.constant 0 : i32
    %dma_wait3A_123 = tpu.memref_slice %arg9[%dma_wait3A_118, %dma_wait3A_121, %dma_wait3A_122] : memref<6x128x16xf32, #tpu.memory_space<vmem>> -> memref<1x128x16xf32, #tpu.memory_space<vmem>>
    %dma_wait3A_124 = tpu.memref_squeeze %dma_wait3A_123 : memref<1x128x16xf32, #tpu.memory_space<vmem>> -> memref<128x16xf32, #tpu.memory_space<vmem>>
    %dma_wait3A_125 = arith.constant 0 : i32
    %dma_wait3A_126 = tpu.memref_slice %arg8[%dma_wait3A_119, %dma_wait3A_125] : memref<80x128xi32, #tpu.memory_space<vmem>> -> memref<1x128xi32, #tpu.memory_space<vmem>>
    %dma_wait3A_127 = tpu.memref_squeeze %dma_wait3A_126 : memref<1x128xi32, #tpu.memory_space<vmem>> -> memref<128xi32, #tpu.memory_space<vmem>>
    %dma_wait3A_128 = arith.constant 0 : i32
    %dma_wait3A_129 = arith.constant 0 : i32
    %dma_wait3A_130 = tpu.memref_slice %arg10[%dma_wait3A_128, %dma_wait3A_129] : memref<10008x16xf32, #tpu.memory_space<vmem_shared>> -> memref<10008x16xf32, #tpu.memory_space<vmem_shared>>
    %dma_wait3A_131 = tpu.memref_slice %arg13[%dma_wait3A_120] : memref<6x!tpu.dma_semaphore, #tpu.memory_space<semaphore_mem>> -> memref<1x!tpu.dma_semaphore, #tpu.memory_space<semaphore_mem>>
    %dma_wait3A_132 = tpu.memref_squeeze %dma_wait3A_131 : memref<1x!tpu.dma_semaphore, #tpu.memory_space<semaphore_mem>> -> memref<!tpu.dma_semaphore, #tpu.memory_space<semaphore_mem>>
    tpu.wait_indirect_dma semaphore(%dma_wait3A_132 : memref<!tpu.dma_semaphore, #tpu.memory_space<semaphore_mem>>) src(%dma_wait3A_124 : memref<128x16xf32, #tpu.memory_space<vmem>>) dst(%dma_wait3A_130 : memref<10008x16xf32, #tpu.memory_space<vmem_shared>>)
    %dma_wait3A_133 = arith.constant 4 : i32
    %dma_wait3A_134 = arith.constant 0 : i32
    %dma_wait3A_135 = arith.constant 4 : i32
    %dma_wait3A_136 = arith.constant 0 : i32
    %dma_wait3A_137 = arith.constant 0 : i32
    %dma_wait3A_138 = tpu.memref_slice %arg9[%dma_wait3A_133, %dma_wait3A_136, %dma_wait3A_137] : memref<6x128x16xf32, #tpu.memory_space<vmem>> -> memref<1x128x16xf32, #tpu.memory_space<vmem>>
    %dma_wait3A_139 = tpu.memref_squeeze %dma_wait3A_138 : memref<1x128x16xf32, #tpu.memory_space<vmem>> -> memref<128x16xf32, #tpu.memory_space<vmem>>
    %dma_wait3A_140 = arith.constant 0 : i32
    %dma_wait3A_141 = tpu.memref_slice %arg8[%dma_wait3A_134, %dma_wait3A_140] : memref<80x128xi32, #tpu.memory_space<vmem>> -> memref<1x128xi32, #tpu.memory_space<vmem>>
    %dma_wait3A_142 = tpu.memref_squeeze %dma_wait3A_141 : memref<1x128xi32, #tpu.memory_space<vmem>> -> memref<128xi32, #tpu.memory_space<vmem>>
    %dma_wait3A_143 = arith.constant 0 : i32
    %dma_wait3A_144 = arith.constant 0 : i32
    %dma_wait3A_145 = tpu.memref_slice %arg10[%dma_wait3A_143, %dma_wait3A_144] : memref<10008x16xf32, #tpu.memory_space<vmem_shared>> -> memref<10008x16xf32, #tpu.memory_space<vmem_shared>>
    %dma_wait3A_146 = tpu.memref_slice %arg13[%dma_wait3A_135] : memref<6x!tpu.dma_semaphore, #tpu.memory_space<semaphore_mem>> -> memref<1x!tpu.dma_semaphore, #tpu.memory_space<semaphore_mem>>
    %dma_wait3A_147 = tpu.memref_squeeze %dma_wait3A_146 : memref<1x!tpu.dma_semaphore, #tpu.memory_space<semaphore_mem>> -> memref<!tpu.dma_semaphore, #tpu.memory_space<semaphore_mem>>
    tpu.wait_indirect_dma semaphore(%dma_wait3A_147 : memref<!tpu.dma_semaphore, #tpu.memory_space<semaphore_mem>>) src(%dma_wait3A_139 : memref<128x16xf32, #tpu.memory_space<vmem>>) dst(%dma_wait3A_145 : memref<10008x16xf32, #tpu.memory_space<vmem_shared>>)
    %dma_wait3A_148 = arith.constant 5 : i32
    %dma_wait3A_149 = arith.constant 0 : i32
    %dma_wait3A_150 = arith.constant 5 : i32
    %dma_wait3A_151 = arith.constant 0 : i32
    %dma_wait3A_152 = arith.constant 0 : i32
    %dma_wait3A_153 = tpu.memref_slice %arg9[%dma_wait3A_148, %dma_wait3A_151, %dma_wait3A_152] : memref<6x128x16xf32, #tpu.memory_space<vmem>> -> memref<1x128x16xf32, #tpu.memory_space<vmem>>
    %dma_wait3A_154 = tpu.memref_squeeze %dma_wait3A_153 : memref<1x128x16xf32, #tpu.memory_space<vmem>> -> memref<128x16xf32, #tpu.memory_space<vmem>>
    %dma_wait3A_155 = arith.constant 0 : i32
    %dma_wait3A_156 = tpu.memref_slice %arg8[%dma_wait3A_149, %dma_wait3A_155] : memref<80x128xi32, #tpu.memory_space<vmem>> -> memref<1x128xi32, #tpu.memory_space<vmem>>
    %dma_wait3A_157 = tpu.memref_squeeze %dma_wait3A_156 : memref<1x128xi32, #tpu.memory_space<vmem>> -> memref<128xi32, #tpu.memory_space<vmem>>
    %dma_wait3A_158 = arith.constant 0 : i32
    %dma_wait3A_159 = arith.constant 0 : i32
    %dma_wait3A_160 = tpu.memref_slice %arg10[%dma_wait3A_158, %dma_wait3A_159] : memref<10008x16xf32, #tpu.memory_space<vmem_shared>> -> memref<10008x16xf32, #tpu.memory_space<vmem_shared>>
    %dma_wait3A_161 = tpu.memref_slice %arg13[%dma_wait3A_150] : memref<6x!tpu.dma_semaphore, #tpu.memory_space<semaphore_mem>> -> memref<1x!tpu.dma_semaphore, #tpu.memory_space<semaphore_mem>>
    %dma_wait3A_162 = tpu.memref_squeeze %dma_wait3A_161 : memref<1x!tpu.dma_semaphore, #tpu.memory_space<semaphore_mem>> -> memref<!tpu.dma_semaphore, #tpu.memory_space<semaphore_mem>>
    tpu.wait_indirect_dma semaphore(%dma_wait3A_162 : memref<!tpu.dma_semaphore, #tpu.memory_space<semaphore_mem>>) src(%dma_wait3A_154 : memref<128x16xf32, #tpu.memory_space<vmem>>) dst(%dma_wait3A_160 : memref<10008x16xf32, #tpu.memory_space<vmem_shared>>)
    %barrier3A_163 = arith.constant 0 : index
    tpu.barrier barrier_id(%barrier3A_163)
    "tpu.region"() ({
      %run_scoped3A = tpu.sem_alloc : memref<!tpu.dma_semaphore, #tpu.memory_space<semaphore_mem>>
      %dma_start3A_164 = arith.constant 0 : i32
      %dma_start3A_165 = arith.constant 0 : i32
      %dma_start3A_166 = tpu.memref_slice %arg6[%arg0, %dma_start3A_164, %dma_start3A_165] : memref<2x10000x16xf32, #tpu.memory_space<hbm>> -> memref<1x10000x16xf32, #tpu.memory_space<hbm>>
      %dma_start3A_167 = tpu.memref_squeeze %dma_start3A_166 : memref<1x10000x16xf32, #tpu.memory_space<hbm>> -> memref<10000x16xf32, #tpu.memory_space<hbm>>
      %dma_start3A_168 = arith.constant 0 : i32
      %dma_start3A_169 = tpu.memref_slice %dma_start3A_167[%min3A_7, %dma_start3A_168] : memref<10000x16xf32, #tpu.memory_space<hbm>> -> memref<632x16xf32, #tpu.memory_space<hbm>>
      %dma_start3A_170 = arith.constant 0 : i32
      %dma_start3A_171 = tpu.memref_slice %arg10[%min3A_7, %dma_start3A_170] : memref<10008x16xf32, #tpu.memory_space<vmem_shared>> -> memref<632x16xf32, #tpu.memory_space<vmem_shared>>
      tpu.enqueue_dma source(%dma_start3A_171 : memref<632x16xf32, #tpu.memory_space<vmem_shared>>) target(%dma_start3A_169 : memref<632x16xf32, #tpu.memory_space<hbm>>) target_semaphore(%run_scoped3A : memref<!tpu.dma_semaphore, #tpu.memory_space<semaphore_mem>>)
      %dma_wait3A_172 = arith.constant 0 : i32
      %dma_wait3A_173 = arith.constant 0 : i32
      %dma_wait3A_174 = tpu.memref_slice %arg6[%arg0, %dma_wait3A_172, %dma_wait3A_173] : memref<2x10000x16xf32, #tpu.memory_space<hbm>> -> memref<1x10000x16xf32, #tpu.memory_space<hbm>>
      %dma_wait3A_175 = tpu.memref_squeeze %dma_wait3A_174 : memref<1x10000x16xf32, #tpu.memory_space<hbm>> -> memref<10000x16xf32, #tpu.memory_space<hbm>>
      %dma_wait3A_176 = arith.constant 0 : i32
      %dma_wait3A_177 = tpu.memref_slice %dma_wait3A_175[%min3A_7, %dma_wait3A_176] : memref<10000x16xf32, #tpu.memory_space<hbm>> -> memref<632x16xf32, #tpu.memory_space<hbm>>
      %dma_wait3A_178 = arith.constant 0 : i32
      %dma_wait3A_179 = tpu.memref_slice %arg10[%min3A_7, %dma_wait3A_178] : memref<10008x16xf32, #tpu.memory_space<vmem_shared>> -> memref<632x16xf32, #tpu.memory_space<vmem_shared>>
      tpu.wait_dma2 semaphore(%run_scoped3A : memref<!tpu.dma_semaphore, #tpu.memory_space<semaphore_mem>>) src(%dma_wait3A_179 : memref<632x16xf32, #tpu.memory_space<vmem_shared>>) dst(%dma_wait3A_177 : memref<632x16xf32, #tpu.memory_space<hbm>>)
      tpu.yield
    }) : () -> ()
    return
  }
}

#map = affine_map<(d0, d1) -> (0, 0)>
#map1 = affine_map<(d0, d1) -> (0, 0, 0)>
module attributes {stable_mosaic.version = 14 : i64} {
  func.func @k(%arg0: i32, %arg1: i32, %arg2: memref<10000x32xf32, #tpu.memory_space<hbm>>, %arg3: memref<10000x32xf32, #tpu.memory_space<hbm>>, %arg4: memref<2560x128xi32, #tpu.memory_space<hbm>>, %arg5: memref<2560x128xi32, #tpu.memory_space<hbm>>, %arg6: memref<632x32xf32, #tpu.memory_space<hbm>>, %arg7: memref<2x10000x32xf32, #tpu.memory_space<hbm>>, %arg8: memref<2x10000x32xf32, #tpu.memory_space<hbm>>, %arg9: memref<80x128xi32, #tpu.memory_space<vmem>>, %arg10: memref<80x128xi32, #tpu.memory_space<vmem>>, %arg11: memref<6x128x32xf32, #tpu.memory_space<vmem>>, %arg12: memref<6x128x32xf32, #tpu.memory_space<vmem>>, %arg13: memref<10008x32xf32, #tpu.memory_space<vmem_shared>>, %arg14: memref<10008x32xf32, #tpu.memory_space<vmem_shared>>, %arg15: memref<10000x32xf32, #tpu.memory_space<vmem_shared>>, %arg16: memref<6x!tpu.dma_semaphore, #tpu.memory_space<semaphore_mem>>, %arg17: memref<6x!tpu.dma_semaphore, #tpu.memory_space<semaphore_mem>>, %arg18: memref<6x!tpu.dma_semaphore, #tpu.memory_space<semaphore_mem>>, %arg19: memref<6x!tpu.dma_semaphore, #tpu.memory_space<semaphore_mem>>) attributes {dimension_semantics = [#tpu.dimension_semantics<core_parallel>, #tpu.dimension_semantics<subcore_parallel>], iteration_bounds = array<i64: 2, 16>, scalar_prefetch = 0 : i64, scratch_operands = 11 : i64, tpu.core_type = #tpu.core_type<sc_vector_subcore>, window_params = [{transform_indices = #map}, {transform_indices = #map}, {transform_indices = #map}, {transform_indices = #map}, {transform_indices = #map}, {transform_indices = #map1}, {transform_indices = #map1}]} {
    %mul3A = arith.constant 16 : i32
    %mul3A_0 = arith.muli %arg0, %mul3A : i32
    %add3A = arith.addi %mul3A_0, %arg1 : i32
    %mul3A_1 = arith.constant 80 : i32
    %mul3A_2 = arith.muli %add3A, %mul3A_1 : i32
    "tpu.region"() ({
      %run_scoped3A = tpu.sem_alloc : memref<!tpu.dma_semaphore, #tpu.memory_space<semaphore_mem>>
      %dma_start3A_314 = arith.constant 0 : i32
      %dma_start3A_315 = tpu.memref_slice %arg4[%mul3A_2, %dma_start3A_314] : memref<2560x128xi32, #tpu.memory_space<hbm>> -> memref<80x128xi32, #tpu.memory_space<hbm>>
      %dma_start3A_316 = arith.constant 0 : i32
      %dma_start3A_317 = tpu.memref_slice %arg4[%mul3A_2, %dma_start3A_316] : memref<2560x128xi32, #tpu.memory_space<hbm>> -> memref<80x128xi32, #tpu.memory_space<hbm>>
      tpu.enqueue_dma source(%dma_start3A_317 : memref<80x128xi32, #tpu.memory_space<hbm>>) target(%arg9 : memref<80x128xi32, #tpu.memory_space<vmem>>) target_semaphore(%run_scoped3A : memref<!tpu.dma_semaphore, #tpu.memory_space<semaphore_mem>>)
      %dma_wait3A_318 = arith.constant 0 : i32
      %dma_wait3A_319 = tpu.memref_slice %arg4[%mul3A_2, %dma_wait3A_318] : memref<2560x128xi32, #tpu.memory_space<hbm>> -> memref<80x128xi32, #tpu.memory_space<hbm>>
      %dma_wait3A_320 = arith.constant 0 : i32
      %dma_wait3A_321 = tpu.memref_slice %arg4[%mul3A_2, %dma_wait3A_320] : memref<2560x128xi32, #tpu.memory_space<hbm>> -> memref<80x128xi32, #tpu.memory_space<hbm>>
      tpu.wait_dma2 semaphore(%run_scoped3A : memref<!tpu.dma_semaphore, #tpu.memory_space<semaphore_mem>>) src(%dma_wait3A_321 : memref<80x128xi32, #tpu.memory_space<hbm>>) dst(%arg9 : memref<80x128xi32, #tpu.memory_space<vmem>>)
      tpu.yield
    }) : () -> ()
    %mul3A_3 = arith.constant 80 : i32
    %mul3A_4 = arith.muli %add3A, %mul3A_3 : i32
    "tpu.region"() ({
      %run_scoped3A = tpu.sem_alloc : memref<!tpu.dma_semaphore, #tpu.memory_space<semaphore_mem>>
      %dma_start3A_314 = arith.constant 0 : i32
      %dma_start3A_315 = tpu.memref_slice %arg5[%mul3A_4, %dma_start3A_314] : memref<2560x128xi32, #tpu.memory_space<hbm>> -> memref<80x128xi32, #tpu.memory_space<hbm>>
      %dma_start3A_316 = arith.constant 0 : i32
      %dma_start3A_317 = tpu.memref_slice %arg5[%mul3A_4, %dma_start3A_316] : memref<2560x128xi32, #tpu.memory_space<hbm>> -> memref<80x128xi32, #tpu.memory_space<hbm>>
      tpu.enqueue_dma source(%dma_start3A_317 : memref<80x128xi32, #tpu.memory_space<hbm>>) target(%arg10 : memref<80x128xi32, #tpu.memory_space<vmem>>) target_semaphore(%run_scoped3A : memref<!tpu.dma_semaphore, #tpu.memory_space<semaphore_mem>>)
      %dma_wait3A_318 = arith.constant 0 : i32
      %dma_wait3A_319 = tpu.memref_slice %arg5[%mul3A_4, %dma_wait3A_318] : memref<2560x128xi32, #tpu.memory_space<hbm>> -> memref<80x128xi32, #tpu.memory_space<hbm>>
      %dma_wait3A_320 = arith.constant 0 : i32
      %dma_wait3A_321 = tpu.memref_slice %arg5[%mul3A_4, %dma_wait3A_320] : memref<2560x128xi32, #tpu.memory_space<hbm>> -> memref<80x128xi32, #tpu.memory_space<hbm>>
      tpu.wait_dma2 semaphore(%run_scoped3A : memref<!tpu.dma_semaphore, #tpu.memory_space<semaphore_mem>>) src(%dma_wait3A_321 : memref<80x128xi32, #tpu.memory_space<hbm>>) dst(%arg10 : memref<80x128xi32, #tpu.memory_space<vmem>>)
      tpu.yield
    }) : () -> ()
    %mul3A_5 = arith.constant 632 : i32
    %mul3A_6 = arith.muli %arg1, %mul3A_5 : i32
    %min3A = arith.constant 9368 : i32
    %min3A_7 = arith.minsi %mul3A_6, %min3A : i32
    "tpu.region"() ({
      %run_scoped3A = tpu.sem_alloc : memref<!tpu.dma_semaphore, #tpu.memory_space<semaphore_mem>>
      %dma_start3A_314 = arith.constant 0 : i32
      %dma_start3A_315 = tpu.memref_slice %arg15[%min3A_7, %dma_start3A_314] : memref<10000x32xf32, #tpu.memory_space<vmem_shared>> -> memref<632x32xf32, #tpu.memory_space<vmem_shared>>
      %dma_start3A_316 = arith.constant 0 : i32
      %dma_start3A_317 = tpu.memref_slice %arg2[%min3A_7, %dma_start3A_316] : memref<10000x32xf32, #tpu.memory_space<hbm>> -> memref<632x32xf32, #tpu.memory_space<hbm>>
      tpu.enqueue_dma source(%dma_start3A_317 : memref<632x32xf32, #tpu.memory_space<hbm>>) target(%dma_start3A_315 : memref<632x32xf32, #tpu.memory_space<vmem_shared>>) target_semaphore(%run_scoped3A : memref<!tpu.dma_semaphore, #tpu.memory_space<semaphore_mem>>)
      %dma_wait3A_318 = arith.constant 0 : i32
      %dma_wait3A_319 = tpu.memref_slice %arg15[%min3A_7, %dma_wait3A_318] : memref<10000x32xf32, #tpu.memory_space<vmem_shared>> -> memref<632x32xf32, #tpu.memory_space<vmem_shared>>
      %dma_wait3A_320 = arith.constant 0 : i32
      %dma_wait3A_321 = tpu.memref_slice %arg2[%min3A_7, %dma_wait3A_320] : memref<10000x32xf32, #tpu.memory_space<hbm>> -> memref<632x32xf32, #tpu.memory_space<hbm>>
      tpu.wait_dma2 semaphore(%run_scoped3A : memref<!tpu.dma_semaphore, #tpu.memory_space<semaphore_mem>>) src(%dma_wait3A_321 : memref<632x32xf32, #tpu.memory_space<hbm>>) dst(%dma_wait3A_319 : memref<632x32xf32, #tpu.memory_space<vmem_shared>>)
      tpu.yield
    }) : () -> ()
    "tpu.region"() ({
      %run_scoped3A = tpu.sem_alloc : memref<!tpu.dma_semaphore, #tpu.memory_space<semaphore_mem>>
      %dma_start3A_314 = arith.constant 0 : i32
      %dma_start3A_315 = tpu.memref_slice %arg13[%min3A_7, %dma_start3A_314] : memref<10008x32xf32, #tpu.memory_space<vmem_shared>> -> memref<632x32xf32, #tpu.memory_space<vmem_shared>>
      tpu.enqueue_dma source(%arg6 : memref<632x32xf32, #tpu.memory_space<hbm>>) target(%dma_start3A_315 : memref<632x32xf32, #tpu.memory_space<vmem_shared>>) target_semaphore(%run_scoped3A : memref<!tpu.dma_semaphore, #tpu.memory_space<semaphore_mem>>)
      %dma_wait3A_316 = arith.constant 0 : i32
      %dma_wait3A_317 = tpu.memref_slice %arg13[%min3A_7, %dma_wait3A_316] : memref<10008x32xf32, #tpu.memory_space<vmem_shared>> -> memref<632x32xf32, #tpu.memory_space<vmem_shared>>
      tpu.wait_dma2 semaphore(%run_scoped3A : memref<!tpu.dma_semaphore, #tpu.memory_space<semaphore_mem>>) src(%arg6 : memref<632x32xf32, #tpu.memory_space<hbm>>) dst(%dma_wait3A_317 : memref<632x32xf32, #tpu.memory_space<vmem_shared>>)
      tpu.yield
    }) : () -> ()
    "tpu.region"() ({
      %run_scoped3A = tpu.sem_alloc : memref<!tpu.dma_semaphore, #tpu.memory_space<semaphore_mem>>
      %dma_start3A_314 = arith.constant 0 : i32
      %dma_start3A_315 = tpu.memref_slice %arg14[%min3A_7, %dma_start3A_314] : memref<10008x32xf32, #tpu.memory_space<vmem_shared>> -> memref<632x32xf32, #tpu.memory_space<vmem_shared>>
      tpu.enqueue_dma source(%arg6 : memref<632x32xf32, #tpu.memory_space<hbm>>) target(%dma_start3A_315 : memref<632x32xf32, #tpu.memory_space<vmem_shared>>) target_semaphore(%run_scoped3A : memref<!tpu.dma_semaphore, #tpu.memory_space<semaphore_mem>>)
      %dma_wait3A_316 = arith.constant 0 : i32
      %dma_wait3A_317 = tpu.memref_slice %arg14[%min3A_7, %dma_wait3A_316] : memref<10008x32xf32, #tpu.memory_space<vmem_shared>> -> memref<632x32xf32, #tpu.memory_space<vmem_shared>>
      tpu.wait_dma2 semaphore(%run_scoped3A : memref<!tpu.dma_semaphore, #tpu.memory_space<semaphore_mem>>) src(%arg6 : memref<632x32xf32, #tpu.memory_space<hbm>>) dst(%dma_wait3A_317 : memref<632x32xf32, #tpu.memory_space<vmem_shared>>)
      tpu.yield
    }) : () -> ()
    %eq3A = arith.constant 0 : i32
    %eq3A_8 = arith.cmpi eq, %arg1, %eq3A : i32
    %convert_element_type3A = arith.extui %eq3A_8 : i1 to i32
    %cond3A = arith.constant 0 : i32
    %cond3A_9 = arith.cmpi ne, %convert_element_type3A, %cond3A : i32
    scf.if %cond3A_9 {
      "tpu.region"() ({
        %run_scoped3A = tpu.sem_alloc : memref<!tpu.dma_semaphore, #tpu.memory_space<semaphore_mem>>
        %dma_start3A_314 = arith.constant 10000 : i32
        %dma_start3A_315 = arith.constant 0 : i32
        %dma_start3A_316 = tpu.memref_slice %arg13[%dma_start3A_314, %dma_start3A_315] : memref<10008x32xf32, #tpu.memory_space<vmem_shared>> -> memref<8x32xf32, #tpu.memory_space<vmem_shared>>
        %dma_start3A_317 = arith.constant 0 : i32
        %dma_start3A_318 = arith.constant 0 : i32
        %dma_start3A_319 = tpu.memref_slice %arg6[%dma_start3A_317, %dma_start3A_318] : memref<632x32xf32, #tpu.memory_space<hbm>> -> memref<8x32xf32, #tpu.memory_space<hbm>>
        tpu.enqueue_dma source(%dma_start3A_319 : memref<8x32xf32, #tpu.memory_space<hbm>>) target(%dma_start3A_316 : memref<8x32xf32, #tpu.memory_space<vmem_shared>>) target_semaphore(%run_scoped3A : memref<!tpu.dma_semaphore, #tpu.memory_space<semaphore_mem>>)
        %dma_wait3A_320 = arith.constant 10000 : i32
        %dma_wait3A_321 = arith.constant 0 : i32
        %dma_wait3A_322 = tpu.memref_slice %arg13[%dma_wait3A_320, %dma_wait3A_321] : memref<10008x32xf32, #tpu.memory_space<vmem_shared>> -> memref<8x32xf32, #tpu.memory_space<vmem_shared>>
        %dma_wait3A_323 = arith.constant 0 : i32
        %dma_wait3A_324 = arith.constant 0 : i32
        %dma_wait3A_325 = tpu.memref_slice %arg6[%dma_wait3A_323, %dma_wait3A_324] : memref<632x32xf32, #tpu.memory_space<hbm>> -> memref<8x32xf32, #tpu.memory_space<hbm>>
        tpu.wait_dma2 semaphore(%run_scoped3A : memref<!tpu.dma_semaphore, #tpu.memory_space<semaphore_mem>>) src(%dma_wait3A_325 : memref<8x32xf32, #tpu.memory_space<hbm>>) dst(%dma_wait3A_322 : memref<8x32xf32, #tpu.memory_space<vmem_shared>>)
        tpu.yield
      }) : () -> ()
      "tpu.region"() ({
        %run_scoped3A = tpu.sem_alloc : memref<!tpu.dma_semaphore, #tpu.memory_space<semaphore_mem>>
        %dma_start3A_314 = arith.constant 10000 : i32
        %dma_start3A_315 = arith.constant 0 : i32
        %dma_start3A_316 = tpu.memref_slice %arg14[%dma_start3A_314, %dma_start3A_315] : memref<10008x32xf32, #tpu.memory_space<vmem_shared>> -> memref<8x32xf32, #tpu.memory_space<vmem_shared>>
        %dma_start3A_317 = arith.constant 0 : i32
        %dma_start3A_318 = arith.constant 0 : i32
        %dma_start3A_319 = tpu.memref_slice %arg6[%dma_start3A_317, %dma_start3A_318] : memref<632x32xf32, #tpu.memory_space<hbm>> -> memref<8x32xf32, #tpu.memory_space<hbm>>
        tpu.enqueue_dma source(%dma_start3A_319 : memref<8x32xf32, #tpu.memory_space<hbm>>) target(%dma_start3A_316 : memref<8x32xf32, #tpu.memory_space<vmem_shared>>) target_semaphore(%run_scoped3A : memref<!tpu.dma_semaphore, #tpu.memory_space<semaphore_mem>>)
        %dma_wait3A_320 = arith.constant 10000 : i32
        %dma_wait3A_321 = arith.constant 0 : i32
        %dma_wait3A_322 = tpu.memref_slice %arg14[%dma_wait3A_320, %dma_wait3A_321] : memref<10008x32xf32, #tpu.memory_space<vmem_shared>> -> memref<8x32xf32, #tpu.memory_space<vmem_shared>>
        %dma_wait3A_323 = arith.constant 0 : i32
        %dma_wait3A_324 = arith.constant 0 : i32
        %dma_wait3A_325 = tpu.memref_slice %arg6[%dma_wait3A_323, %dma_wait3A_324] : memref<632x32xf32, #tpu.memory_space<hbm>> -> memref<8x32xf32, #tpu.memory_space<hbm>>
        tpu.wait_dma2 semaphore(%run_scoped3A : memref<!tpu.dma_semaphore, #tpu.memory_space<semaphore_mem>>) src(%dma_wait3A_325 : memref<8x32xf32, #tpu.memory_space<hbm>>) dst(%dma_wait3A_322 : memref<8x32xf32, #tpu.memory_space<vmem_shared>>)
        tpu.yield
      }) : () -> ()
    } else {
    }
    %barrier3A = arith.constant 0 : index
    tpu.barrier barrier_id(%barrier3A)
    %dma_start3A = arith.constant 0 : i32
    %dma_start3A_10 = arith.constant 0 : i32
    %dma_start3A_11 = arith.constant 0 : i32
    %dma_start3A_12 = arith.constant 0 : i32
    %dma_start3A_13 = arith.constant 0 : i32
    %dma_start3A_14 = tpu.memref_slice %arg11[%dma_start3A_10, %dma_start3A_12, %dma_start3A_13] : memref<6x128x32xf32, #tpu.memory_space<vmem>> -> memref<1x128x32xf32, #tpu.memory_space<vmem>>
    %dma_start3A_15 = tpu.memref_squeeze %dma_start3A_14 : memref<1x128x32xf32, #tpu.memory_space<vmem>> -> memref<128x32xf32, #tpu.memory_space<vmem>>
    %dma_start3A_16 = arith.constant 0 : i32
    %dma_start3A_17 = tpu.memref_slice %arg9[%dma_start3A, %dma_start3A_16] : memref<80x128xi32, #tpu.memory_space<vmem>> -> memref<1x128xi32, #tpu.memory_space<vmem>>
    %dma_start3A_18 = tpu.memref_squeeze %dma_start3A_17 : memref<1x128xi32, #tpu.memory_space<vmem>> -> memref<128xi32, #tpu.memory_space<vmem>>
    %dma_start3A_19 = arith.constant 0 : i32
    %dma_start3A_20 = arith.constant 0 : i32
    %dma_start3A_21 = tpu.memref_slice %arg15[%dma_start3A_19, %dma_start3A_20] : memref<10000x32xf32, #tpu.memory_space<vmem_shared>> -> memref<10000x32xf32, #tpu.memory_space<vmem_shared>>
    %dma_start3A_22 = tpu.memref_slice %arg16[%dma_start3A_11] : memref<6x!tpu.dma_semaphore, #tpu.memory_space<semaphore_mem>> -> memref<1x!tpu.dma_semaphore, #tpu.memory_space<semaphore_mem>>
    %dma_start3A_23 = tpu.memref_squeeze %dma_start3A_22 : memref<1x!tpu.dma_semaphore, #tpu.memory_space<semaphore_mem>> -> memref<!tpu.dma_semaphore, #tpu.memory_space<semaphore_mem>>
    tpu.enqueue_indirect_dma source(%dma_start3A_21 : memref<10000x32xf32, #tpu.memory_space<vmem_shared>>) target(%dma_start3A_15 : memref<128x32xf32, #tpu.memory_space<vmem>>) offsets(%dma_start3A_18 : memref<128xi32, #tpu.memory_space<vmem>>) semaphore(%dma_start3A_23 : memref<!tpu.dma_semaphore, #tpu.memory_space<semaphore_mem>>)
    %dma_start3A_24 = arith.constant 0 : i32
    %dma_start3A_25 = arith.constant 0 : i32
    %dma_start3A_26 = arith.constant 0 : i32
    %dma_start3A_27 = arith.constant 0 : i32
    %dma_start3A_28 = arith.constant 0 : i32
    %dma_start3A_29 = tpu.memref_slice %arg12[%dma_start3A_25, %dma_start3A_27, %dma_start3A_28] : memref<6x128x32xf32, #tpu.memory_space<vmem>> -> memref<1x128x32xf32, #tpu.memory_space<vmem>>
    %dma_start3A_30 = tpu.memref_squeeze %dma_start3A_29 : memref<1x128x32xf32, #tpu.memory_space<vmem>> -> memref<128x32xf32, #tpu.memory_space<vmem>>
    %dma_start3A_31 = arith.constant 0 : i32
    %dma_start3A_32 = tpu.memref_slice %arg9[%dma_start3A_24, %dma_start3A_31] : memref<80x128xi32, #tpu.memory_space<vmem>> -> memref<1x128xi32, #tpu.memory_space<vmem>>
    %dma_start3A_33 = tpu.memref_squeeze %dma_start3A_32 : memref<1x128xi32, #tpu.memory_space<vmem>> -> memref<128xi32, #tpu.memory_space<vmem>>
    %dma_start3A_34 = arith.constant 0 : i32
    %dma_start3A_35 = arith.constant 0 : i32
    %dma_start3A_36 = tpu.memref_slice %arg3[%dma_start3A_34, %dma_start3A_35] : memref<10000x32xf32, #tpu.memory_space<hbm>> -> memref<10000x32xf32, #tpu.memory_space<hbm>>
    %dma_start3A_37 = tpu.memref_slice %arg17[%dma_start3A_26] : memref<6x!tpu.dma_semaphore, #tpu.memory_space<semaphore_mem>> -> memref<1x!tpu.dma_semaphore, #tpu.memory_space<semaphore_mem>>
    %dma_start3A_38 = tpu.memref_squeeze %dma_start3A_37 : memref<1x!tpu.dma_semaphore, #tpu.memory_space<semaphore_mem>> -> memref<!tpu.dma_semaphore, #tpu.memory_space<semaphore_mem>>
    tpu.enqueue_indirect_dma source(%dma_start3A_36 : memref<10000x32xf32, #tpu.memory_space<hbm>>) target(%dma_start3A_30 : memref<128x32xf32, #tpu.memory_space<vmem>>) offsets(%dma_start3A_33 : memref<128xi32, #tpu.memory_space<vmem>>) semaphore(%dma_start3A_38 : memref<!tpu.dma_semaphore, #tpu.memory_space<semaphore_mem>>)
    %dma_start3A_39 = arith.constant 1 : i32
    %dma_start3A_40 = arith.constant 1 : i32
    %dma_start3A_41 = arith.constant 1 : i32
    %dma_start3A_42 = arith.constant 0 : i32
    %dma_start3A_43 = arith.constant 0 : i32
    %dma_start3A_44 = tpu.memref_slice %arg11[%dma_start3A_40, %dma_start3A_42, %dma_start3A_43] : memref<6x128x32xf32, #tpu.memory_space<vmem>> -> memref<1x128x32xf32, #tpu.memory_space<vmem>>
    %dma_start3A_45 = tpu.memref_squeeze %dma_start3A_44 : memref<1x128x32xf32, #tpu.memory_space<vmem>> -> memref<128x32xf32, #tpu.memory_space<vmem>>
    %dma_start3A_46 = arith.constant 0 : i32
    %dma_start3A_47 = tpu.memref_slice %arg9[%dma_start3A_39, %dma_start3A_46] : memref<80x128xi32, #tpu.memory_space<vmem>> -> memref<1x128xi32, #tpu.memory_space<vmem>>
    %dma_start3A_48 = tpu.memref_squeeze %dma_start3A_47 : memref<1x128xi32, #tpu.memory_space<vmem>> -> memref<128xi32, #tpu.memory_space<vmem>>
    %dma_start3A_49 = arith.constant 0 : i32
    %dma_start3A_50 = arith.constant 0 : i32
    %dma_start3A_51 = tpu.memref_slice %arg15[%dma_start3A_49, %dma_start3A_50] : memref<10000x32xf32, #tpu.memory_space<vmem_shared>> -> memref<10000x32xf32, #tpu.memory_space<vmem_shared>>
    %dma_start3A_52 = tpu.memref_slice %arg16[%dma_start3A_41] : memref<6x!tpu.dma_semaphore, #tpu.memory_space<semaphore_mem>> -> memref<1x!tpu.dma_semaphore, #tpu.memory_space<semaphore_mem>>
    %dma_start3A_53 = tpu.memref_squeeze %dma_start3A_52 : memref<1x!tpu.dma_semaphore, #tpu.memory_space<semaphore_mem>> -> memref<!tpu.dma_semaphore, #tpu.memory_space<semaphore_mem>>
    tpu.enqueue_indirect_dma source(%dma_start3A_51 : memref<10000x32xf32, #tpu.memory_space<vmem_shared>>) target(%dma_start3A_45 : memref<128x32xf32, #tpu.memory_space<vmem>>) offsets(%dma_start3A_48 : memref<128xi32, #tpu.memory_space<vmem>>) semaphore(%dma_start3A_53 : memref<!tpu.dma_semaphore, #tpu.memory_space<semaphore_mem>>)
    %dma_start3A_54 = arith.constant 1 : i32
    %dma_start3A_55 = arith.constant 1 : i32
    %dma_start3A_56 = arith.constant 1 : i32
    %dma_start3A_57 = arith.constant 0 : i32
    %dma_start3A_58 = arith.constant 0 : i32
    %dma_start3A_59 = tpu.memref_slice %arg12[%dma_start3A_55, %dma_start3A_57, %dma_start3A_58] : memref<6x128x32xf32, #tpu.memory_space<vmem>> -> memref<1x128x32xf32, #tpu.memory_space<vmem>>
    %dma_start3A_60 = tpu.memref_squeeze %dma_start3A_59 : memref<1x128x32xf32, #tpu.memory_space<vmem>> -> memref<128x32xf32, #tpu.memory_space<vmem>>
    %dma_start3A_61 = arith.constant 0 : i32
    %dma_start3A_62 = tpu.memref_slice %arg9[%dma_start3A_54, %dma_start3A_61] : memref<80x128xi32, #tpu.memory_space<vmem>> -> memref<1x128xi32, #tpu.memory_space<vmem>>
    %dma_start3A_63 = tpu.memref_squeeze %dma_start3A_62 : memref<1x128xi32, #tpu.memory_space<vmem>> -> memref<128xi32, #tpu.memory_space<vmem>>
    %dma_start3A_64 = arith.constant 0 : i32
    %dma_start3A_65 = arith.constant 0 : i32
    %dma_start3A_66 = tpu.memref_slice %arg3[%dma_start3A_64, %dma_start3A_65] : memref<10000x32xf32, #tpu.memory_space<hbm>> -> memref<10000x32xf32, #tpu.memory_space<hbm>>
    %dma_start3A_67 = tpu.memref_slice %arg17[%dma_start3A_56] : memref<6x!tpu.dma_semaphore, #tpu.memory_space<semaphore_mem>> -> memref<1x!tpu.dma_semaphore, #tpu.memory_space<semaphore_mem>>
    %dma_start3A_68 = tpu.memref_squeeze %dma_start3A_67 : memref<1x!tpu.dma_semaphore, #tpu.memory_space<semaphore_mem>> -> memref<!tpu.dma_semaphore, #tpu.memory_space<semaphore_mem>>
    tpu.enqueue_indirect_dma source(%dma_start3A_66 : memref<10000x32xf32, #tpu.memory_space<hbm>>) target(%dma_start3A_60 : memref<128x32xf32, #tpu.memory_space<vmem>>) offsets(%dma_start3A_63 : memref<128xi32, #tpu.memory_space<vmem>>) semaphore(%dma_start3A_68 : memref<!tpu.dma_semaphore, #tpu.memory_space<semaphore_mem>>)
    %dma_start3A_69 = arith.constant 2 : i32
    %dma_start3A_70 = arith.constant 2 : i32
    %dma_start3A_71 = arith.constant 2 : i32
    %dma_start3A_72 = arith.constant 0 : i32
    %dma_start3A_73 = arith.constant 0 : i32
    %dma_start3A_74 = tpu.memref_slice %arg11[%dma_start3A_70, %dma_start3A_72, %dma_start3A_73] : memref<6x128x32xf32, #tpu.memory_space<vmem>> -> memref<1x128x32xf32, #tpu.memory_space<vmem>>
    %dma_start3A_75 = tpu.memref_squeeze %dma_start3A_74 : memref<1x128x32xf32, #tpu.memory_space<vmem>> -> memref<128x32xf32, #tpu.memory_space<vmem>>
    %dma_start3A_76 = arith.constant 0 : i32
    %dma_start3A_77 = tpu.memref_slice %arg9[%dma_start3A_69, %dma_start3A_76] : memref<80x128xi32, #tpu.memory_space<vmem>> -> memref<1x128xi32, #tpu.memory_space<vmem>>
    %dma_start3A_78 = tpu.memref_squeeze %dma_start3A_77 : memref<1x128xi32, #tpu.memory_space<vmem>> -> memref<128xi32, #tpu.memory_space<vmem>>
    %dma_start3A_79 = arith.constant 0 : i32
    %dma_start3A_80 = arith.constant 0 : i32
    %dma_start3A_81 = tpu.memref_slice %arg15[%dma_start3A_79, %dma_start3A_80] : memref<10000x32xf32, #tpu.memory_space<vmem_shared>> -> memref<10000x32xf32, #tpu.memory_space<vmem_shared>>
    %dma_start3A_82 = tpu.memref_slice %arg16[%dma_start3A_71] : memref<6x!tpu.dma_semaphore, #tpu.memory_space<semaphore_mem>> -> memref<1x!tpu.dma_semaphore, #tpu.memory_space<semaphore_mem>>
    %dma_start3A_83 = tpu.memref_squeeze %dma_start3A_82 : memref<1x!tpu.dma_semaphore, #tpu.memory_space<semaphore_mem>> -> memref<!tpu.dma_semaphore, #tpu.memory_space<semaphore_mem>>
    tpu.enqueue_indirect_dma source(%dma_start3A_81 : memref<10000x32xf32, #tpu.memory_space<vmem_shared>>) target(%dma_start3A_75 : memref<128x32xf32, #tpu.memory_space<vmem>>) offsets(%dma_start3A_78 : memref<128xi32, #tpu.memory_space<vmem>>) semaphore(%dma_start3A_83 : memref<!tpu.dma_semaphore, #tpu.memory_space<semaphore_mem>>)
    %dma_start3A_84 = arith.constant 2 : i32
    %dma_start3A_85 = arith.constant 2 : i32
    %dma_start3A_86 = arith.constant 2 : i32
    %dma_start3A_87 = arith.constant 0 : i32
    %dma_start3A_88 = arith.constant 0 : i32
    %dma_start3A_89 = tpu.memref_slice %arg12[%dma_start3A_85, %dma_start3A_87, %dma_start3A_88] : memref<6x128x32xf32, #tpu.memory_space<vmem>> -> memref<1x128x32xf32, #tpu.memory_space<vmem>>
    %dma_start3A_90 = tpu.memref_squeeze %dma_start3A_89 : memref<1x128x32xf32, #tpu.memory_space<vmem>> -> memref<128x32xf32, #tpu.memory_space<vmem>>
    %dma_start3A_91 = arith.constant 0 : i32
    %dma_start3A_92 = tpu.memref_slice %arg9[%dma_start3A_84, %dma_start3A_91] : memref<80x128xi32, #tpu.memory_space<vmem>> -> memref<1x128xi32, #tpu.memory_space<vmem>>
    %dma_start3A_93 = tpu.memref_squeeze %dma_start3A_92 : memref<1x128xi32, #tpu.memory_space<vmem>> -> memref<128xi32, #tpu.memory_space<vmem>>
    %dma_start3A_94 = arith.constant 0 : i32
    %dma_start3A_95 = arith.constant 0 : i32
    %dma_start3A_96 = tpu.memref_slice %arg3[%dma_start3A_94, %dma_start3A_95] : memref<10000x32xf32, #tpu.memory_space<hbm>> -> memref<10000x32xf32, #tpu.memory_space<hbm>>
    %dma_start3A_97 = tpu.memref_slice %arg17[%dma_start3A_86] : memref<6x!tpu.dma_semaphore, #tpu.memory_space<semaphore_mem>> -> memref<1x!tpu.dma_semaphore, #tpu.memory_space<semaphore_mem>>
    %dma_start3A_98 = tpu.memref_squeeze %dma_start3A_97 : memref<1x!tpu.dma_semaphore, #tpu.memory_space<semaphore_mem>> -> memref<!tpu.dma_semaphore, #tpu.memory_space<semaphore_mem>>
    tpu.enqueue_indirect_dma source(%dma_start3A_96 : memref<10000x32xf32, #tpu.memory_space<hbm>>) target(%dma_start3A_90 : memref<128x32xf32, #tpu.memory_space<vmem>>) offsets(%dma_start3A_93 : memref<128xi32, #tpu.memory_space<vmem>>) semaphore(%dma_start3A_98 : memref<!tpu.dma_semaphore, #tpu.memory_space<semaphore_mem>>)
    %dma_start3A_99 = arith.constant 3 : i32
    %dma_start3A_100 = arith.constant 3 : i32
    %dma_start3A_101 = arith.constant 3 : i32
    %dma_start3A_102 = arith.constant 0 : i32
    %dma_start3A_103 = arith.constant 0 : i32
    %dma_start3A_104 = tpu.memref_slice %arg11[%dma_start3A_100, %dma_start3A_102, %dma_start3A_103] : memref<6x128x32xf32, #tpu.memory_space<vmem>> -> memref<1x128x32xf32, #tpu.memory_space<vmem>>
    %dma_start3A_105 = tpu.memref_squeeze %dma_start3A_104 : memref<1x128x32xf32, #tpu.memory_space<vmem>> -> memref<128x32xf32, #tpu.memory_space<vmem>>
    %dma_start3A_106 = arith.constant 0 : i32
    %dma_start3A_107 = tpu.memref_slice %arg9[%dma_start3A_99, %dma_start3A_106] : memref<80x128xi32, #tpu.memory_space<vmem>> -> memref<1x128xi32, #tpu.memory_space<vmem>>
    %dma_start3A_108 = tpu.memref_squeeze %dma_start3A_107 : memref<1x128xi32, #tpu.memory_space<vmem>> -> memref<128xi32, #tpu.memory_space<vmem>>
    %dma_start3A_109 = arith.constant 0 : i32
    %dma_start3A_110 = arith.constant 0 : i32
    %dma_start3A_111 = tpu.memref_slice %arg15[%dma_start3A_109, %dma_start3A_110] : memref<10000x32xf32, #tpu.memory_space<vmem_shared>> -> memref<10000x32xf32, #tpu.memory_space<vmem_shared>>
    %dma_start3A_112 = tpu.memref_slice %arg16[%dma_start3A_101] : memref<6x!tpu.dma_semaphore, #tpu.memory_space<semaphore_mem>> -> memref<1x!tpu.dma_semaphore, #tpu.memory_space<semaphore_mem>>
    %dma_start3A_113 = tpu.memref_squeeze %dma_start3A_112 : memref<1x!tpu.dma_semaphore, #tpu.memory_space<semaphore_mem>> -> memref<!tpu.dma_semaphore, #tpu.memory_space<semaphore_mem>>
    tpu.enqueue_indirect_dma source(%dma_start3A_111 : memref<10000x32xf32, #tpu.memory_space<vmem_shared>>) target(%dma_start3A_105 : memref<128x32xf32, #tpu.memory_space<vmem>>) offsets(%dma_start3A_108 : memref<128xi32, #tpu.memory_space<vmem>>) semaphore(%dma_start3A_113 : memref<!tpu.dma_semaphore, #tpu.memory_space<semaphore_mem>>)
    %dma_start3A_114 = arith.constant 3 : i32
    %dma_start3A_115 = arith.constant 3 : i32
    %dma_start3A_116 = arith.constant 3 : i32
    %dma_start3A_117 = arith.constant 0 : i32
    %dma_start3A_118 = arith.constant 0 : i32
    %dma_start3A_119 = tpu.memref_slice %arg12[%dma_start3A_115, %dma_start3A_117, %dma_start3A_118] : memref<6x128x32xf32, #tpu.memory_space<vmem>> -> memref<1x128x32xf32, #tpu.memory_space<vmem>>
    %dma_start3A_120 = tpu.memref_squeeze %dma_start3A_119 : memref<1x128x32xf32, #tpu.memory_space<vmem>> -> memref<128x32xf32, #tpu.memory_space<vmem>>
    %dma_start3A_121 = arith.constant 0 : i32
    %dma_start3A_122 = tpu.memref_slice %arg9[%dma_start3A_114, %dma_start3A_121] : memref<80x128xi32, #tpu.memory_space<vmem>> -> memref<1x128xi32, #tpu.memory_space<vmem>>
    %dma_start3A_123 = tpu.memref_squeeze %dma_start3A_122 : memref<1x128xi32, #tpu.memory_space<vmem>> -> memref<128xi32, #tpu.memory_space<vmem>>
    %dma_start3A_124 = arith.constant 0 : i32
    %dma_start3A_125 = arith.constant 0 : i32
    %dma_start3A_126 = tpu.memref_slice %arg3[%dma_start3A_124, %dma_start3A_125] : memref<10000x32xf32, #tpu.memory_space<hbm>> -> memref<10000x32xf32, #tpu.memory_space<hbm>>
    %dma_start3A_127 = tpu.memref_slice %arg17[%dma_start3A_116] : memref<6x!tpu.dma_semaphore, #tpu.memory_space<semaphore_mem>> -> memref<1x!tpu.dma_semaphore, #tpu.memory_space<semaphore_mem>>
    %dma_start3A_128 = tpu.memref_squeeze %dma_start3A_127 : memref<1x!tpu.dma_semaphore, #tpu.memory_space<semaphore_mem>> -> memref<!tpu.dma_semaphore, #tpu.memory_space<semaphore_mem>>
    tpu.enqueue_indirect_dma source(%dma_start3A_126 : memref<10000x32xf32, #tpu.memory_space<hbm>>) target(%dma_start3A_120 : memref<128x32xf32, #tpu.memory_space<vmem>>) offsets(%dma_start3A_123 : memref<128xi32, #tpu.memory_space<vmem>>) semaphore(%dma_start3A_128 : memref<!tpu.dma_semaphore, #tpu.memory_space<semaphore_mem>>)
    %scan3A = arith.constant 0 : i32
    %scan3A_129 = arith.constant 0 : i32
    %scan3A_130 = arith.constant 80 : i32
    %scan3A_131 = arith.addi %scan3A_129, %scan3A_130 : i32
    %scan3A_132 = arith.constant 1 : i32
    scf.for %scan3A_314 = %scan3A_129 to %scan3A_131 step %scan3A_132  : i32 {
      %rem3A = arith.constant 6 : i32
      %rem3A_315 = arith.remsi %scan3A_314, %rem3A : i32
      %dma_wait3A_316 = arith.constant 0 : i32
      %dma_wait3A_317 = arith.constant 0 : i32
      %dma_wait3A_318 = tpu.memref_slice %arg11[%rem3A_315, %dma_wait3A_316, %dma_wait3A_317] : memref<6x128x32xf32, #tpu.memory_space<vmem>> -> memref<1x128x32xf32, #tpu.memory_space<vmem>>
      %dma_wait3A_319 = tpu.memref_squeeze %dma_wait3A_318 : memref<1x128x32xf32, #tpu.memory_space<vmem>> -> memref<128x32xf32, #tpu.memory_space<vmem>>
      %dma_wait3A_320 = arith.constant 0 : i32
      %dma_wait3A_321 = tpu.memref_slice %arg9[%scan3A_314, %dma_wait3A_320] : memref<80x128xi32, #tpu.memory_space<vmem>> -> memref<1x128xi32, #tpu.memory_space<vmem>>
      %dma_wait3A_322 = tpu.memref_squeeze %dma_wait3A_321 : memref<1x128xi32, #tpu.memory_space<vmem>> -> memref<128xi32, #tpu.memory_space<vmem>>
      %dma_wait3A_323 = arith.constant 0 : i32
      %dma_wait3A_324 = arith.constant 0 : i32
      %dma_wait3A_325 = tpu.memref_slice %arg15[%dma_wait3A_323, %dma_wait3A_324] : memref<10000x32xf32, #tpu.memory_space<vmem_shared>> -> memref<10000x32xf32, #tpu.memory_space<vmem_shared>>
      %dma_wait3A_326 = tpu.memref_slice %arg16[%rem3A_315] : memref<6x!tpu.dma_semaphore, #tpu.memory_space<semaphore_mem>> -> memref<1x!tpu.dma_semaphore, #tpu.memory_space<semaphore_mem>>
      %dma_wait3A_327 = tpu.memref_squeeze %dma_wait3A_326 : memref<1x!tpu.dma_semaphore, #tpu.memory_space<semaphore_mem>> -> memref<!tpu.dma_semaphore, #tpu.memory_space<semaphore_mem>>
      tpu.wait_indirect_dma semaphore(%dma_wait3A_327 : memref<!tpu.dma_semaphore, #tpu.memory_space<semaphore_mem>>) src(%dma_wait3A_325 : memref<10000x32xf32, #tpu.memory_space<vmem_shared>>) dst(%dma_wait3A_319 : memref<128x32xf32, #tpu.memory_space<vmem>>)
      %dma_start3A_328 = arith.constant 0 : i32
      %dma_start3A_329 = arith.constant 0 : i32
      %dma_start3A_330 = tpu.memref_slice %arg11[%rem3A_315, %dma_start3A_328, %dma_start3A_329] : memref<6x128x32xf32, #tpu.memory_space<vmem>> -> memref<1x128x32xf32, #tpu.memory_space<vmem>>
      %dma_start3A_331 = tpu.memref_squeeze %dma_start3A_330 : memref<1x128x32xf32, #tpu.memory_space<vmem>> -> memref<128x32xf32, #tpu.memory_space<vmem>>
      %dma_start3A_332 = arith.constant 0 : i32
      %dma_start3A_333 = tpu.memref_slice %arg10[%scan3A_314, %dma_start3A_332] : memref<80x128xi32, #tpu.memory_space<vmem>> -> memref<1x128xi32, #tpu.memory_space<vmem>>
      %dma_start3A_334 = tpu.memref_squeeze %dma_start3A_333 : memref<1x128xi32, #tpu.memory_space<vmem>> -> memref<128xi32, #tpu.memory_space<vmem>>
      %dma_start3A_335 = arith.constant 0 : i32
      %dma_start3A_336 = arith.constant 0 : i32
      %dma_start3A_337 = tpu.memref_slice %arg13[%dma_start3A_335, %dma_start3A_336] : memref<10008x32xf32, #tpu.memory_space<vmem_shared>> -> memref<10008x32xf32, #tpu.memory_space<vmem_shared>>
      %dma_start3A_338 = tpu.memref_slice %arg18[%rem3A_315] : memref<6x!tpu.dma_semaphore, #tpu.memory_space<semaphore_mem>> -> memref<1x!tpu.dma_semaphore, #tpu.memory_space<semaphore_mem>>
      %dma_start3A_339 = tpu.memref_squeeze %dma_start3A_338 : memref<1x!tpu.dma_semaphore, #tpu.memory_space<semaphore_mem>> -> memref<!tpu.dma_semaphore, #tpu.memory_space<semaphore_mem>>
      tpu.enqueue_indirect_dma source(%dma_start3A_331 : memref<128x32xf32, #tpu.memory_space<vmem>>) target(%dma_start3A_337 : memref<10008x32xf32, #tpu.memory_space<vmem_shared>>) offsets(%dma_start3A_334 : memref<128xi32, #tpu.memory_space<vmem>>) semaphore(%dma_start3A_339 : memref<!tpu.dma_semaphore, #tpu.memory_space<semaphore_mem>>) {add = true}
      %dma_wait3A_340 = arith.constant 0 : i32
      %dma_wait3A_341 = arith.constant 0 : i32
      %dma_wait3A_342 = tpu.memref_slice %arg12[%rem3A_315, %dma_wait3A_340, %dma_wait3A_341] : memref<6x128x32xf32, #tpu.memory_space<vmem>> -> memref<1x128x32xf32, #tpu.memory_space<vmem>>
      %dma_wait3A_343 = tpu.memref_squeeze %dma_wait3A_342 : memref<1x128x32xf32, #tpu.memory_space<vmem>> -> memref<128x32xf32, #tpu.memory_space<vmem>>
      %dma_wait3A_344 = arith.constant 0 : i32
      %dma_wait3A_345 = tpu.memref_slice %arg9[%scan3A_314, %dma_wait3A_344] : memref<80x128xi32, #tpu.memory_space<vmem>> -> memref<1x128xi32, #tpu.memory_space<vmem>>
      %dma_wait3A_346 = tpu.memref_squeeze %dma_wait3A_345 : memref<1x128xi32, #tpu.memory_space<vmem>> -> memref<128xi32, #tpu.memory_space<vmem>>
      %dma_wait3A_347 = arith.constant 0 : i32
      %dma_wait3A_348 = arith.constant 0 : i32
      %dma_wait3A_349 = tpu.memref_slice %arg3[%dma_wait3A_347, %dma_wait3A_348] : memref<10000x32xf32, #tpu.memory_space<hbm>> -> memref<10000x32xf32, #tpu.memory_space<hbm>>
      %dma_wait3A_350 = tpu.memref_slice %arg17[%rem3A_315] : memref<6x!tpu.dma_semaphore, #tpu.memory_space<semaphore_mem>> -> memref<1x!tpu.dma_semaphore, #tpu.memory_space<semaphore_mem>>
      %dma_wait3A_351 = tpu.memref_squeeze %dma_wait3A_350 : memref<1x!tpu.dma_semaphore, #tpu.memory_space<semaphore_mem>> -> memref<!tpu.dma_semaphore, #tpu.memory_space<semaphore_mem>>
      tpu.wait_indirect_dma semaphore(%dma_wait3A_351 : memref<!tpu.dma_semaphore, #tpu.memory_space<semaphore_mem>>) src(%dma_wait3A_349 : memref<10000x32xf32, #tpu.memory_space<hbm>>) dst(%dma_wait3A_343 : memref<128x32xf32, #tpu.memory_space<vmem>>)
      %dma_start3A_352 = arith.constant 0 : i32
      %dma_start3A_353 = arith.constant 0 : i32
      %dma_start3A_354 = tpu.memref_slice %arg12[%rem3A_315, %dma_start3A_352, %dma_start3A_353] : memref<6x128x32xf32, #tpu.memory_space<vmem>> -> memref<1x128x32xf32, #tpu.memory_space<vmem>>
      %dma_start3A_355 = tpu.memref_squeeze %dma_start3A_354 : memref<1x128x32xf32, #tpu.memory_space<vmem>> -> memref<128x32xf32, #tpu.memory_space<vmem>>
      %dma_start3A_356 = arith.constant 0 : i32
      %dma_start3A_357 = tpu.memref_slice %arg10[%scan3A_314, %dma_start3A_356] : memref<80x128xi32, #tpu.memory_space<vmem>> -> memref<1x128xi32, #tpu.memory_space<vmem>>
      %dma_start3A_358 = tpu.memref_squeeze %dma_start3A_357 : memref<1x128xi32, #tpu.memory_space<vmem>> -> memref<128xi32, #tpu.memory_space<vmem>>
      %dma_start3A_359 = arith.constant 0 : i32
      %dma_start3A_360 = arith.constant 0 : i32
      %dma_start3A_361 = tpu.memref_slice %arg14[%dma_start3A_359, %dma_start3A_360] : memref<10008x32xf32, #tpu.memory_space<vmem_shared>> -> memref<10008x32xf32, #tpu.memory_space<vmem_shared>>
      %dma_start3A_362 = tpu.memref_slice %arg19[%rem3A_315] : memref<6x!tpu.dma_semaphore, #tpu.memory_space<semaphore_mem>> -> memref<1x!tpu.dma_semaphore, #tpu.memory_space<semaphore_mem>>
      %dma_start3A_363 = tpu.memref_squeeze %dma_start3A_362 : memref<1x!tpu.dma_semaphore, #tpu.memory_space<semaphore_mem>> -> memref<!tpu.dma_semaphore, #tpu.memory_space<semaphore_mem>>
      tpu.enqueue_indirect_dma source(%dma_start3A_355 : memref<128x32xf32, #tpu.memory_space<vmem>>) target(%dma_start3A_361 : memref<10008x32xf32, #tpu.memory_space<vmem_shared>>) offsets(%dma_start3A_358 : memref<128xi32, #tpu.memory_space<vmem>>) semaphore(%dma_start3A_363 : memref<!tpu.dma_semaphore, #tpu.memory_space<semaphore_mem>>) {add = true}
      %add3A_364 = arith.constant 4 : i32
      %add3A_365 = arith.addi %scan3A_314, %add3A_364 : i32
      %lt3A = arith.constant 80 : i32
      %lt3A_366 = arith.cmpi slt, %add3A_365, %lt3A : i32
      %convert_element_type3A_367 = arith.extui %lt3A_366 : i1 to i32
      %cond3A_368 = arith.constant 0 : i32
      %cond3A_369 = arith.cmpi ne, %convert_element_type3A_367, %cond3A_368 : i32
      scf.if %cond3A_369 {
        %rem3A_370 = arith.constant 6 : i32
        %rem3A_371 = arith.remsi %add3A_365, %rem3A_370 : i32
        %ge3A = arith.constant 6 : i32
        %ge3A_372 = arith.cmpi sge, %add3A_365, %ge3A : i32
        %convert_element_type3A_373 = arith.extui %ge3A_372 : i1 to i32
        %cond3A_374 = arith.constant 0 : i32
        %cond3A_375 = arith.cmpi ne, %convert_element_type3A_373, %cond3A_374 : i32
        scf.if %cond3A_375 {
          %dma_wait3A_400 = arith.constant 0 : i32
          %dma_wait3A_401 = arith.constant 0 : i32
          %dma_wait3A_402 = tpu.memref_slice %arg11[%rem3A_371, %dma_wait3A_400, %dma_wait3A_401] : memref<6x128x32xf32, #tpu.memory_space<vmem>> -> memref<1x128x32xf32, #tpu.memory_space<vmem>>
          %dma_wait3A_403 = tpu.memref_squeeze %dma_wait3A_402 : memref<1x128x32xf32, #tpu.memory_space<vmem>> -> memref<128x32xf32, #tpu.memory_space<vmem>>
          %dma_wait3A_404 = arith.constant 0 : i32
          %dma_wait3A_405 = tpu.memref_slice %arg10[%add3A_365, %dma_wait3A_404] : memref<80x128xi32, #tpu.memory_space<vmem>> -> memref<1x128xi32, #tpu.memory_space<vmem>>
          %dma_wait3A_406 = tpu.memref_squeeze %dma_wait3A_405 : memref<1x128xi32, #tpu.memory_space<vmem>> -> memref<128xi32, #tpu.memory_space<vmem>>
          %dma_wait3A_407 = arith.constant 0 : i32
          %dma_wait3A_408 = arith.constant 0 : i32
          %dma_wait3A_409 = tpu.memref_slice %arg13[%dma_wait3A_407, %dma_wait3A_408] : memref<10008x32xf32, #tpu.memory_space<vmem_shared>> -> memref<10008x32xf32, #tpu.memory_space<vmem_shared>>
          %dma_wait3A_410 = tpu.memref_slice %arg18[%rem3A_371] : memref<6x!tpu.dma_semaphore, #tpu.memory_space<semaphore_mem>> -> memref<1x!tpu.dma_semaphore, #tpu.memory_space<semaphore_mem>>
          %dma_wait3A_411 = tpu.memref_squeeze %dma_wait3A_410 : memref<1x!tpu.dma_semaphore, #tpu.memory_space<semaphore_mem>> -> memref<!tpu.dma_semaphore, #tpu.memory_space<semaphore_mem>>
          tpu.wait_indirect_dma semaphore(%dma_wait3A_411 : memref<!tpu.dma_semaphore, #tpu.memory_space<semaphore_mem>>) src(%dma_wait3A_403 : memref<128x32xf32, #tpu.memory_space<vmem>>) dst(%dma_wait3A_409 : memref<10008x32xf32, #tpu.memory_space<vmem_shared>>)
          %dma_wait3A_412 = arith.constant 0 : i32
          %dma_wait3A_413 = arith.constant 0 : i32
          %dma_wait3A_414 = tpu.memref_slice %arg12[%rem3A_371, %dma_wait3A_412, %dma_wait3A_413] : memref<6x128x32xf32, #tpu.memory_space<vmem>> -> memref<1x128x32xf32, #tpu.memory_space<vmem>>
          %dma_wait3A_415 = tpu.memref_squeeze %dma_wait3A_414 : memref<1x128x32xf32, #tpu.memory_space<vmem>> -> memref<128x32xf32, #tpu.memory_space<vmem>>
          %dma_wait3A_416 = arith.constant 0 : i32
          %dma_wait3A_417 = tpu.memref_slice %arg10[%add3A_365, %dma_wait3A_416] : memref<80x128xi32, #tpu.memory_space<vmem>> -> memref<1x128xi32, #tpu.memory_space<vmem>>
          %dma_wait3A_418 = tpu.memref_squeeze %dma_wait3A_417 : memref<1x128xi32, #tpu.memory_space<vmem>> -> memref<128xi32, #tpu.memory_space<vmem>>
          %dma_wait3A_419 = arith.constant 0 : i32
          %dma_wait3A_420 = arith.constant 0 : i32
          %dma_wait3A_421 = tpu.memref_slice %arg14[%dma_wait3A_419, %dma_wait3A_420] : memref<10008x32xf32, #tpu.memory_space<vmem_shared>> -> memref<10008x32xf32, #tpu.memory_space<vmem_shared>>
          %dma_wait3A_422 = tpu.memref_slice %arg19[%rem3A_371] : memref<6x!tpu.dma_semaphore, #tpu.memory_space<semaphore_mem>> -> memref<1x!tpu.dma_semaphore, #tpu.memory_space<semaphore_mem>>
          %dma_wait3A_423 = tpu.memref_squeeze %dma_wait3A_422 : memref<1x!tpu.dma_semaphore, #tpu.memory_space<semaphore_mem>> -> memref<!tpu.dma_semaphore, #tpu.memory_space<semaphore_mem>>
          tpu.wait_indirect_dma semaphore(%dma_wait3A_423 : memref<!tpu.dma_semaphore, #tpu.memory_space<semaphore_mem>>) src(%dma_wait3A_415 : memref<128x32xf32, #tpu.memory_space<vmem>>) dst(%dma_wait3A_421 : memref<10008x32xf32, #tpu.memory_space<vmem_shared>>)
        } else {
        }
        %dma_start3A_376 = arith.constant 0 : i32
        %dma_start3A_377 = arith.constant 0 : i32
        %dma_start3A_378 = tpu.memref_slice %arg11[%rem3A_371, %dma_start3A_376, %dma_start3A_377] : memref<6x128x32xf32, #tpu.memory_space<vmem>> -> memref<1x128x32xf32, #tpu.memory_space<vmem>>
        %dma_start3A_379 = tpu.memref_squeeze %dma_start3A_378 : memref<1x128x32xf32, #tpu.memory_space<vmem>> -> memref<128x32xf32, #tpu.memory_space<vmem>>
        %dma_start3A_380 = arith.constant 0 : i32
        %dma_start3A_381 = tpu.memref_slice %arg9[%add3A_365, %dma_start3A_380] : memref<80x128xi32, #tpu.memory_space<vmem>> -> memref<1x128xi32, #tpu.memory_space<vmem>>
        %dma_start3A_382 = tpu.memref_squeeze %dma_start3A_381 : memref<1x128xi32, #tpu.memory_space<vmem>> -> memref<128xi32, #tpu.memory_space<vmem>>
        %dma_start3A_383 = arith.constant 0 : i32
        %dma_start3A_384 = arith.constant 0 : i32
        %dma_start3A_385 = tpu.memref_slice %arg15[%dma_start3A_383, %dma_start3A_384] : memref<10000x32xf32, #tpu.memory_space<vmem_shared>> -> memref<10000x32xf32, #tpu.memory_space<vmem_shared>>
        %dma_start3A_386 = tpu.memref_slice %arg16[%rem3A_371] : memref<6x!tpu.dma_semaphore, #tpu.memory_space<semaphore_mem>> -> memref<1x!tpu.dma_semaphore, #tpu.memory_space<semaphore_mem>>
        %dma_start3A_387 = tpu.memref_squeeze %dma_start3A_386 : memref<1x!tpu.dma_semaphore, #tpu.memory_space<semaphore_mem>> -> memref<!tpu.dma_semaphore, #tpu.memory_space<semaphore_mem>>
        tpu.enqueue_indirect_dma source(%dma_start3A_385 : memref<10000x32xf32, #tpu.memory_space<vmem_shared>>) target(%dma_start3A_379 : memref<128x32xf32, #tpu.memory_space<vmem>>) offsets(%dma_start3A_382 : memref<128xi32, #tpu.memory_space<vmem>>) semaphore(%dma_start3A_387 : memref<!tpu.dma_semaphore, #tpu.memory_space<semaphore_mem>>)
        %dma_start3A_388 = arith.constant 0 : i32
        %dma_start3A_389 = arith.constant 0 : i32
        %dma_start3A_390 = tpu.memref_slice %arg12[%rem3A_371, %dma_start3A_388, %dma_start3A_389] : memref<6x128x32xf32, #tpu.memory_space<vmem>> -> memref<1x128x32xf32, #tpu.memory_space<vmem>>
        %dma_start3A_391 = tpu.memref_squeeze %dma_start3A_390 : memref<1x128x32xf32, #tpu.memory_space<vmem>> -> memref<128x32xf32, #tpu.memory_space<vmem>>
        %dma_start3A_392 = arith.constant 0 : i32
        %dma_start3A_393 = tpu.memref_slice %arg9[%add3A_365, %dma_start3A_392] : memref<80x128xi32, #tpu.memory_space<vmem>> -> memref<1x128xi32, #tpu.memory_space<vmem>>
        %dma_start3A_394 = tpu.memref_squeeze %dma_start3A_393 : memref<1x128xi32, #tpu.memory_space<vmem>> -> memref<128xi32, #tpu.memory_space<vmem>>
        %dma_start3A_395 = arith.constant 0 : i32
        %dma_start3A_396 = arith.constant 0 : i32
        %dma_start3A_397 = tpu.memref_slice %arg3[%dma_start3A_395, %dma_start3A_396] : memref<10000x32xf32, #tpu.memory_space<hbm>> -> memref<10000x32xf32, #tpu.memory_space<hbm>>
        %dma_start3A_398 = tpu.memref_slice %arg17[%rem3A_371] : memref<6x!tpu.dma_semaphore, #tpu.memory_space<semaphore_mem>> -> memref<1x!tpu.dma_semaphore, #tpu.memory_space<semaphore_mem>>
        %dma_start3A_399 = tpu.memref_squeeze %dma_start3A_398 : memref<1x!tpu.dma_semaphore, #tpu.memory_space<semaphore_mem>> -> memref<!tpu.dma_semaphore, #tpu.memory_space<semaphore_mem>>
        tpu.enqueue_indirect_dma source(%dma_start3A_397 : memref<10000x32xf32, #tpu.memory_space<hbm>>) target(%dma_start3A_391 : memref<128x32xf32, #tpu.memory_space<vmem>>) offsets(%dma_start3A_394 : memref<128xi32, #tpu.memory_space<vmem>>) semaphore(%dma_start3A_399 : memref<!tpu.dma_semaphore, #tpu.memory_space<semaphore_mem>>)
      } else {
      }
    }
    %scan3A_133 = arith.constant 80 : i32
    %dma_wait3A = arith.constant 0 : i32
    %dma_wait3A_134 = arith.constant 0 : i32
    %dma_wait3A_135 = arith.constant 0 : i32
    %dma_wait3A_136 = arith.constant 0 : i32
    %dma_wait3A_137 = arith.constant 0 : i32
    %dma_wait3A_138 = tpu.memref_slice %arg11[%dma_wait3A, %dma_wait3A_136, %dma_wait3A_137] : memref<6x128x32xf32, #tpu.memory_space<vmem>> -> memref<1x128x32xf32, #tpu.memory_space<vmem>>
    %dma_wait3A_139 = tpu.memref_squeeze %dma_wait3A_138 : memref<1x128x32xf32, #tpu.memory_space<vmem>> -> memref<128x32xf32, #tpu.memory_space<vmem>>
    %dma_wait3A_140 = arith.constant 0 : i32
    %dma_wait3A_141 = tpu.memref_slice %arg10[%dma_wait3A_134, %dma_wait3A_140] : memref<80x128xi32, #tpu.memory_space<vmem>> -> memref<1x128xi32, #tpu.memory_space<vmem>>
    %dma_wait3A_142 = tpu.memref_squeeze %dma_wait3A_141 : memref<1x128xi32, #tpu.memory_space<vmem>> -> memref<128xi32, #tpu.memory_space<vmem>>
    %dma_wait3A_143 = arith.constant 0 : i32
    %dma_wait3A_144 = arith.constant 0 : i32
    %dma_wait3A_145 = tpu.memref_slice %arg13[%dma_wait3A_143, %dma_wait3A_144] : memref<10008x32xf32, #tpu.memory_space<vmem_shared>> -> memref<10008x32xf32, #tpu.memory_space<vmem_shared>>
    %dma_wait3A_146 = tpu.memref_slice %arg18[%dma_wait3A_135] : memref<6x!tpu.dma_semaphore, #tpu.memory_space<semaphore_mem>> -> memref<1x!tpu.dma_semaphore, #tpu.memory_space<semaphore_mem>>
    %dma_wait3A_147 = tpu.memref_squeeze %dma_wait3A_146 : memref<1x!tpu.dma_semaphore, #tpu.memory_space<semaphore_mem>> -> memref<!tpu.dma_semaphore, #tpu.memory_space<semaphore_mem>>
    tpu.wait_indirect_dma semaphore(%dma_wait3A_147 : memref<!tpu.dma_semaphore, #tpu.memory_space<semaphore_mem>>) src(%dma_wait3A_139 : memref<128x32xf32, #tpu.memory_space<vmem>>) dst(%dma_wait3A_145 : memref<10008x32xf32, #tpu.memory_space<vmem_shared>>)
    %dma_wait3A_148 = arith.constant 0 : i32
    %dma_wait3A_149 = arith.constant 0 : i32
    %dma_wait3A_150 = arith.constant 0 : i32
    %dma_wait3A_151 = arith.constant 0 : i32
    %dma_wait3A_152 = arith.constant 0 : i32
    %dma_wait3A_153 = tpu.memref_slice %arg12[%dma_wait3A_148, %dma_wait3A_151, %dma_wait3A_152] : memref<6x128x32xf32, #tpu.memory_space<vmem>> -> memref<1x128x32xf32, #tpu.memory_space<vmem>>
    %dma_wait3A_154 = tpu.memref_squeeze %dma_wait3A_153 : memref<1x128x32xf32, #tpu.memory_space<vmem>> -> memref<128x32xf32, #tpu.memory_space<vmem>>
    %dma_wait3A_155 = arith.constant 0 : i32
    %dma_wait3A_156 = tpu.memref_slice %arg10[%dma_wait3A_149, %dma_wait3A_155] : memref<80x128xi32, #tpu.memory_space<vmem>> -> memref<1x128xi32, #tpu.memory_space<vmem>>
    %dma_wait3A_157 = tpu.memref_squeeze %dma_wait3A_156 : memref<1x128xi32, #tpu.memory_space<vmem>> -> memref<128xi32, #tpu.memory_space<vmem>>
    %dma_wait3A_158 = arith.constant 0 : i32
    %dma_wait3A_159 = arith.constant 0 : i32
    %dma_wait3A_160 = tpu.memref_slice %arg14[%dma_wait3A_158, %dma_wait3A_159] : memref<10008x32xf32, #tpu.memory_space<vmem_shared>> -> memref<10008x32xf32, #tpu.memory_space<vmem_shared>>
    %dma_wait3A_161 = tpu.memref_slice %arg19[%dma_wait3A_150] : memref<6x!tpu.dma_semaphore, #tpu.memory_space<semaphore_mem>> -> memref<1x!tpu.dma_semaphore, #tpu.memory_space<semaphore_mem>>
    %dma_wait3A_162 = tpu.memref_squeeze %dma_wait3A_161 : memref<1x!tpu.dma_semaphore, #tpu.memory_space<semaphore_mem>> -> memref<!tpu.dma_semaphore, #tpu.memory_space<semaphore_mem>>
    tpu.wait_indirect_dma semaphore(%dma_wait3A_162 : memref<!tpu.dma_semaphore, #tpu.memory_space<semaphore_mem>>) src(%dma_wait3A_154 : memref<128x32xf32, #tpu.memory_space<vmem>>) dst(%dma_wait3A_160 : memref<10008x32xf32, #tpu.memory_space<vmem_shared>>)
    %dma_wait3A_163 = arith.constant 1 : i32
    %dma_wait3A_164 = arith.constant 0 : i32
    %dma_wait3A_165 = arith.constant 1 : i32
    %dma_wait3A_166 = arith.constant 0 : i32
    %dma_wait3A_167 = arith.constant 0 : i32
    %dma_wait3A_168 = tpu.memref_slice %arg11[%dma_wait3A_163, %dma_wait3A_166, %dma_wait3A_167] : memref<6x128x32xf32, #tpu.memory_space<vmem>> -> memref<1x128x32xf32, #tpu.memory_space<vmem>>
    %dma_wait3A_169 = tpu.memref_squeeze %dma_wait3A_168 : memref<1x128x32xf32, #tpu.memory_space<vmem>> -> memref<128x32xf32, #tpu.memory_space<vmem>>
    %dma_wait3A_170 = arith.constant 0 : i32
    %dma_wait3A_171 = tpu.memref_slice %arg10[%dma_wait3A_164, %dma_wait3A_170] : memref<80x128xi32, #tpu.memory_space<vmem>> -> memref<1x128xi32, #tpu.memory_space<vmem>>
    %dma_wait3A_172 = tpu.memref_squeeze %dma_wait3A_171 : memref<1x128xi32, #tpu.memory_space<vmem>> -> memref<128xi32, #tpu.memory_space<vmem>>
    %dma_wait3A_173 = arith.constant 0 : i32
    %dma_wait3A_174 = arith.constant 0 : i32
    %dma_wait3A_175 = tpu.memref_slice %arg13[%dma_wait3A_173, %dma_wait3A_174] : memref<10008x32xf32, #tpu.memory_space<vmem_shared>> -> memref<10008x32xf32, #tpu.memory_space<vmem_shared>>
    %dma_wait3A_176 = tpu.memref_slice %arg18[%dma_wait3A_165] : memref<6x!tpu.dma_semaphore, #tpu.memory_space<semaphore_mem>> -> memref<1x!tpu.dma_semaphore, #tpu.memory_space<semaphore_mem>>
    %dma_wait3A_177 = tpu.memref_squeeze %dma_wait3A_176 : memref<1x!tpu.dma_semaphore, #tpu.memory_space<semaphore_mem>> -> memref<!tpu.dma_semaphore, #tpu.memory_space<semaphore_mem>>
    tpu.wait_indirect_dma semaphore(%dma_wait3A_177 : memref<!tpu.dma_semaphore, #tpu.memory_space<semaphore_mem>>) src(%dma_wait3A_169 : memref<128x32xf32, #tpu.memory_space<vmem>>) dst(%dma_wait3A_175 : memref<10008x32xf32, #tpu.memory_space<vmem_shared>>)
    %dma_wait3A_178 = arith.constant 1 : i32
    %dma_wait3A_179 = arith.constant 0 : i32
    %dma_wait3A_180 = arith.constant 1 : i32
    %dma_wait3A_181 = arith.constant 0 : i32
    %dma_wait3A_182 = arith.constant 0 : i32
    %dma_wait3A_183 = tpu.memref_slice %arg12[%dma_wait3A_178, %dma_wait3A_181, %dma_wait3A_182] : memref<6x128x32xf32, #tpu.memory_space<vmem>> -> memref<1x128x32xf32, #tpu.memory_space<vmem>>
    %dma_wait3A_184 = tpu.memref_squeeze %dma_wait3A_183 : memref<1x128x32xf32, #tpu.memory_space<vmem>> -> memref<128x32xf32, #tpu.memory_space<vmem>>
    %dma_wait3A_185 = arith.constant 0 : i32
    %dma_wait3A_186 = tpu.memref_slice %arg10[%dma_wait3A_179, %dma_wait3A_185] : memref<80x128xi32, #tpu.memory_space<vmem>> -> memref<1x128xi32, #tpu.memory_space<vmem>>
    %dma_wait3A_187 = tpu.memref_squeeze %dma_wait3A_186 : memref<1x128xi32, #tpu.memory_space<vmem>> -> memref<128xi32, #tpu.memory_space<vmem>>
    %dma_wait3A_188 = arith.constant 0 : i32
    %dma_wait3A_189 = arith.constant 0 : i32
    %dma_wait3A_190 = tpu.memref_slice %arg14[%dma_wait3A_188, %dma_wait3A_189] : memref<10008x32xf32, #tpu.memory_space<vmem_shared>> -> memref<10008x32xf32, #tpu.memory_space<vmem_shared>>
    %dma_wait3A_191 = tpu.memref_slice %arg19[%dma_wait3A_180] : memref<6x!tpu.dma_semaphore, #tpu.memory_space<semaphore_mem>> -> memref<1x!tpu.dma_semaphore, #tpu.memory_space<semaphore_mem>>
    %dma_wait3A_192 = tpu.memref_squeeze %dma_wait3A_191 : memref<1x!tpu.dma_semaphore, #tpu.memory_space<semaphore_mem>> -> memref<!tpu.dma_semaphore, #tpu.memory_space<semaphore_mem>>
    tpu.wait_indirect_dma semaphore(%dma_wait3A_192 : memref<!tpu.dma_semaphore, #tpu.memory_space<semaphore_mem>>) src(%dma_wait3A_184 : memref<128x32xf32, #tpu.memory_space<vmem>>) dst(%dma_wait3A_190 : memref<10008x32xf32, #tpu.memory_space<vmem_shared>>)
    %dma_wait3A_193 = arith.constant 2 : i32
    %dma_wait3A_194 = arith.constant 0 : i32
    %dma_wait3A_195 = arith.constant 2 : i32
    %dma_wait3A_196 = arith.constant 0 : i32
    %dma_wait3A_197 = arith.constant 0 : i32
    %dma_wait3A_198 = tpu.memref_slice %arg11[%dma_wait3A_193, %dma_wait3A_196, %dma_wait3A_197] : memref<6x128x32xf32, #tpu.memory_space<vmem>> -> memref<1x128x32xf32, #tpu.memory_space<vmem>>
    %dma_wait3A_199 = tpu.memref_squeeze %dma_wait3A_198 : memref<1x128x32xf32, #tpu.memory_space<vmem>> -> memref<128x32xf32, #tpu.memory_space<vmem>>
    %dma_wait3A_200 = arith.constant 0 : i32
    %dma_wait3A_201 = tpu.memref_slice %arg10[%dma_wait3A_194, %dma_wait3A_200] : memref<80x128xi32, #tpu.memory_space<vmem>> -> memref<1x128xi32, #tpu.memory_space<vmem>>
    %dma_wait3A_202 = tpu.memref_squeeze %dma_wait3A_201 : memref<1x128xi32, #tpu.memory_space<vmem>> -> memref<128xi32, #tpu.memory_space<vmem>>
    %dma_wait3A_203 = arith.constant 0 : i32
    %dma_wait3A_204 = arith.constant 0 : i32
    %dma_wait3A_205 = tpu.memref_slice %arg13[%dma_wait3A_203, %dma_wait3A_204] : memref<10008x32xf32, #tpu.memory_space<vmem_shared>> -> memref<10008x32xf32, #tpu.memory_space<vmem_shared>>
    %dma_wait3A_206 = tpu.memref_slice %arg18[%dma_wait3A_195] : memref<6x!tpu.dma_semaphore, #tpu.memory_space<semaphore_mem>> -> memref<1x!tpu.dma_semaphore, #tpu.memory_space<semaphore_mem>>
    %dma_wait3A_207 = tpu.memref_squeeze %dma_wait3A_206 : memref<1x!tpu.dma_semaphore, #tpu.memory_space<semaphore_mem>> -> memref<!tpu.dma_semaphore, #tpu.memory_space<semaphore_mem>>
    tpu.wait_indirect_dma semaphore(%dma_wait3A_207 : memref<!tpu.dma_semaphore, #tpu.memory_space<semaphore_mem>>) src(%dma_wait3A_199 : memref<128x32xf32, #tpu.memory_space<vmem>>) dst(%dma_wait3A_205 : memref<10008x32xf32, #tpu.memory_space<vmem_shared>>)
    %dma_wait3A_208 = arith.constant 2 : i32
    %dma_wait3A_209 = arith.constant 0 : i32
    %dma_wait3A_210 = arith.constant 2 : i32
    %dma_wait3A_211 = arith.constant 0 : i32
    %dma_wait3A_212 = arith.constant 0 : i32
    %dma_wait3A_213 = tpu.memref_slice %arg12[%dma_wait3A_208, %dma_wait3A_211, %dma_wait3A_212] : memref<6x128x32xf32, #tpu.memory_space<vmem>> -> memref<1x128x32xf32, #tpu.memory_space<vmem>>
    %dma_wait3A_214 = tpu.memref_squeeze %dma_wait3A_213 : memref<1x128x32xf32, #tpu.memory_space<vmem>> -> memref<128x32xf32, #tpu.memory_space<vmem>>
    %dma_wait3A_215 = arith.constant 0 : i32
    %dma_wait3A_216 = tpu.memref_slice %arg10[%dma_wait3A_209, %dma_wait3A_215] : memref<80x128xi32, #tpu.memory_space<vmem>> -> memref<1x128xi32, #tpu.memory_space<vmem>>
    %dma_wait3A_217 = tpu.memref_squeeze %dma_wait3A_216 : memref<1x128xi32, #tpu.memory_space<vmem>> -> memref<128xi32, #tpu.memory_space<vmem>>
    %dma_wait3A_218 = arith.constant 0 : i32
    %dma_wait3A_219 = arith.constant 0 : i32
    %dma_wait3A_220 = tpu.memref_slice %arg14[%dma_wait3A_218, %dma_wait3A_219] : memref<10008x32xf32, #tpu.memory_space<vmem_shared>> -> memref<10008x32xf32, #tpu.memory_space<vmem_shared>>
    %dma_wait3A_221 = tpu.memref_slice %arg19[%dma_wait3A_210] : memref<6x!tpu.dma_semaphore, #tpu.memory_space<semaphore_mem>> -> memref<1x!tpu.dma_semaphore, #tpu.memory_space<semaphore_mem>>
    %dma_wait3A_222 = tpu.memref_squeeze %dma_wait3A_221 : memref<1x!tpu.dma_semaphore, #tpu.memory_space<semaphore_mem>> -> memref<!tpu.dma_semaphore, #tpu.memory_space<semaphore_mem>>
    tpu.wait_indirect_dma semaphore(%dma_wait3A_222 : memref<!tpu.dma_semaphore, #tpu.memory_space<semaphore_mem>>) src(%dma_wait3A_214 : memref<128x32xf32, #tpu.memory_space<vmem>>) dst(%dma_wait3A_220 : memref<10008x32xf32, #tpu.memory_space<vmem_shared>>)
    %dma_wait3A_223 = arith.constant 3 : i32
    %dma_wait3A_224 = arith.constant 0 : i32
    %dma_wait3A_225 = arith.constant 3 : i32
    %dma_wait3A_226 = arith.constant 0 : i32
    %dma_wait3A_227 = arith.constant 0 : i32
    %dma_wait3A_228 = tpu.memref_slice %arg11[%dma_wait3A_223, %dma_wait3A_226, %dma_wait3A_227] : memref<6x128x32xf32, #tpu.memory_space<vmem>> -> memref<1x128x32xf32, #tpu.memory_space<vmem>>
    %dma_wait3A_229 = tpu.memref_squeeze %dma_wait3A_228 : memref<1x128x32xf32, #tpu.memory_space<vmem>> -> memref<128x32xf32, #tpu.memory_space<vmem>>
    %dma_wait3A_230 = arith.constant 0 : i32
    %dma_wait3A_231 = tpu.memref_slice %arg10[%dma_wait3A_224, %dma_wait3A_230] : memref<80x128xi32, #tpu.memory_space<vmem>> -> memref<1x128xi32, #tpu.memory_space<vmem>>
    %dma_wait3A_232 = tpu.memref_squeeze %dma_wait3A_231 : memref<1x128xi32, #tpu.memory_space<vmem>> -> memref<128xi32, #tpu.memory_space<vmem>>
    %dma_wait3A_233 = arith.constant 0 : i32
    %dma_wait3A_234 = arith.constant 0 : i32
    %dma_wait3A_235 = tpu.memref_slice %arg13[%dma_wait3A_233, %dma_wait3A_234] : memref<10008x32xf32, #tpu.memory_space<vmem_shared>> -> memref<10008x32xf32, #tpu.memory_space<vmem_shared>>
    %dma_wait3A_236 = tpu.memref_slice %arg18[%dma_wait3A_225] : memref<6x!tpu.dma_semaphore, #tpu.memory_space<semaphore_mem>> -> memref<1x!tpu.dma_semaphore, #tpu.memory_space<semaphore_mem>>
    %dma_wait3A_237 = tpu.memref_squeeze %dma_wait3A_236 : memref<1x!tpu.dma_semaphore, #tpu.memory_space<semaphore_mem>> -> memref<!tpu.dma_semaphore, #tpu.memory_space<semaphore_mem>>
    tpu.wait_indirect_dma semaphore(%dma_wait3A_237 : memref<!tpu.dma_semaphore, #tpu.memory_space<semaphore_mem>>) src(%dma_wait3A_229 : memref<128x32xf32, #tpu.memory_space<vmem>>) dst(%dma_wait3A_235 : memref<10008x32xf32, #tpu.memory_space<vmem_shared>>)
    %dma_wait3A_238 = arith.constant 3 : i32
    %dma_wait3A_239 = arith.constant 0 : i32
    %dma_wait3A_240 = arith.constant 3 : i32
    %dma_wait3A_241 = arith.constant 0 : i32
    %dma_wait3A_242 = arith.constant 0 : i32
    %dma_wait3A_243 = tpu.memref_slice %arg12[%dma_wait3A_238, %dma_wait3A_241, %dma_wait3A_242] : memref<6x128x32xf32, #tpu.memory_space<vmem>> -> memref<1x128x32xf32, #tpu.memory_space<vmem>>
    %dma_wait3A_244 = tpu.memref_squeeze %dma_wait3A_243 : memref<1x128x32xf32, #tpu.memory_space<vmem>> -> memref<128x32xf32, #tpu.memory_space<vmem>>
    %dma_wait3A_245 = arith.constant 0 : i32
    %dma_wait3A_246 = tpu.memref_slice %arg10[%dma_wait3A_239, %dma_wait3A_245] : memref<80x128xi32, #tpu.memory_space<vmem>> -> memref<1x128xi32, #tpu.memory_space<vmem>>
    %dma_wait3A_247 = tpu.memref_squeeze %dma_wait3A_246 : memref<1x128xi32, #tpu.memory_space<vmem>> -> memref<128xi32, #tpu.memory_space<vmem>>
    %dma_wait3A_248 = arith.constant 0 : i32
    %dma_wait3A_249 = arith.constant 0 : i32
    %dma_wait3A_250 = tpu.memref_slice %arg14[%dma_wait3A_248, %dma_wait3A_249] : memref<10008x32xf32, #tpu.memory_space<vmem_shared>> -> memref<10008x32xf32, #tpu.memory_space<vmem_shared>>
    %dma_wait3A_251 = tpu.memref_slice %arg19[%dma_wait3A_240] : memref<6x!tpu.dma_semaphore, #tpu.memory_space<semaphore_mem>> -> memref<1x!tpu.dma_semaphore, #tpu.memory_space<semaphore_mem>>
    %dma_wait3A_252 = tpu.memref_squeeze %dma_wait3A_251 : memref<1x!tpu.dma_semaphore, #tpu.memory_space<semaphore_mem>> -> memref<!tpu.dma_semaphore, #tpu.memory_space<semaphore_mem>>
    tpu.wait_indirect_dma semaphore(%dma_wait3A_252 : memref<!tpu.dma_semaphore, #tpu.memory_space<semaphore_mem>>) src(%dma_wait3A_244 : memref<128x32xf32, #tpu.memory_space<vmem>>) dst(%dma_wait3A_250 : memref<10008x32xf32, #tpu.memory_space<vmem_shared>>)
    %dma_wait3A_253 = arith.constant 4 : i32
    %dma_wait3A_254 = arith.constant 0 : i32
    %dma_wait3A_255 = arith.constant 4 : i32
    %dma_wait3A_256 = arith.constant 0 : i32
    %dma_wait3A_257 = arith.constant 0 : i32
    %dma_wait3A_258 = tpu.memref_slice %arg11[%dma_wait3A_253, %dma_wait3A_256, %dma_wait3A_257] : memref<6x128x32xf32, #tpu.memory_space<vmem>> -> memref<1x128x32xf32, #tpu.memory_space<vmem>>
    %dma_wait3A_259 = tpu.memref_squeeze %dma_wait3A_258 : memref<1x128x32xf32, #tpu.memory_space<vmem>> -> memref<128x32xf32, #tpu.memory_space<vmem>>
    %dma_wait3A_260 = arith.constant 0 : i32
    %dma_wait3A_261 = tpu.memref_slice %arg10[%dma_wait3A_254, %dma_wait3A_260] : memref<80x128xi32, #tpu.memory_space<vmem>> -> memref<1x128xi32, #tpu.memory_space<vmem>>
    %dma_wait3A_262 = tpu.memref_squeeze %dma_wait3A_261 : memref<1x128xi32, #tpu.memory_space<vmem>> -> memref<128xi32, #tpu.memory_space<vmem>>
    %dma_wait3A_263 = arith.constant 0 : i32
    %dma_wait3A_264 = arith.constant 0 : i32
    %dma_wait3A_265 = tpu.memref_slice %arg13[%dma_wait3A_263, %dma_wait3A_264] : memref<10008x32xf32, #tpu.memory_space<vmem_shared>> -> memref<10008x32xf32, #tpu.memory_space<vmem_shared>>
    %dma_wait3A_266 = tpu.memref_slice %arg18[%dma_wait3A_255] : memref<6x!tpu.dma_semaphore, #tpu.memory_space<semaphore_mem>> -> memref<1x!tpu.dma_semaphore, #tpu.memory_space<semaphore_mem>>
    %dma_wait3A_267 = tpu.memref_squeeze %dma_wait3A_266 : memref<1x!tpu.dma_semaphore, #tpu.memory_space<semaphore_mem>> -> memref<!tpu.dma_semaphore, #tpu.memory_space<semaphore_mem>>
    tpu.wait_indirect_dma semaphore(%dma_wait3A_267 : memref<!tpu.dma_semaphore, #tpu.memory_space<semaphore_mem>>) src(%dma_wait3A_259 : memref<128x32xf32, #tpu.memory_space<vmem>>) dst(%dma_wait3A_265 : memref<10008x32xf32, #tpu.memory_space<vmem_shared>>)
    %dma_wait3A_268 = arith.constant 4 : i32
    %dma_wait3A_269 = arith.constant 0 : i32
    %dma_wait3A_270 = arith.constant 4 : i32
    %dma_wait3A_271 = arith.constant 0 : i32
    %dma_wait3A_272 = arith.constant 0 : i32
    %dma_wait3A_273 = tpu.memref_slice %arg12[%dma_wait3A_268, %dma_wait3A_271, %dma_wait3A_272] : memref<6x128x32xf32, #tpu.memory_space<vmem>> -> memref<1x128x32xf32, #tpu.memory_space<vmem>>
    %dma_wait3A_274 = tpu.memref_squeeze %dma_wait3A_273 : memref<1x128x32xf32, #tpu.memory_space<vmem>> -> memref<128x32xf32, #tpu.memory_space<vmem>>
    %dma_wait3A_275 = arith.constant 0 : i32
    %dma_wait3A_276 = tpu.memref_slice %arg10[%dma_wait3A_269, %dma_wait3A_275] : memref<80x128xi32, #tpu.memory_space<vmem>> -> memref<1x128xi32, #tpu.memory_space<vmem>>
    %dma_wait3A_277 = tpu.memref_squeeze %dma_wait3A_276 : memref<1x128xi32, #tpu.memory_space<vmem>> -> memref<128xi32, #tpu.memory_space<vmem>>
    %dma_wait3A_278 = arith.constant 0 : i32
    %dma_wait3A_279 = arith.constant 0 : i32
    %dma_wait3A_280 = tpu.memref_slice %arg14[%dma_wait3A_278, %dma_wait3A_279] : memref<10008x32xf32, #tpu.memory_space<vmem_shared>> -> memref<10008x32xf32, #tpu.memory_space<vmem_shared>>
    %dma_wait3A_281 = tpu.memref_slice %arg19[%dma_wait3A_270] : memref<6x!tpu.dma_semaphore, #tpu.memory_space<semaphore_mem>> -> memref<1x!tpu.dma_semaphore, #tpu.memory_space<semaphore_mem>>
    %dma_wait3A_282 = tpu.memref_squeeze %dma_wait3A_281 : memref<1x!tpu.dma_semaphore, #tpu.memory_space<semaphore_mem>> -> memref<!tpu.dma_semaphore, #tpu.memory_space<semaphore_mem>>
    tpu.wait_indirect_dma semaphore(%dma_wait3A_282 : memref<!tpu.dma_semaphore, #tpu.memory_space<semaphore_mem>>) src(%dma_wait3A_274 : memref<128x32xf32, #tpu.memory_space<vmem>>) dst(%dma_wait3A_280 : memref<10008x32xf32, #tpu.memory_space<vmem_shared>>)
    %dma_wait3A_283 = arith.constant 5 : i32
    %dma_wait3A_284 = arith.constant 0 : i32
    %dma_wait3A_285 = arith.constant 5 : i32
    %dma_wait3A_286 = arith.constant 0 : i32
    %dma_wait3A_287 = arith.constant 0 : i32
    %dma_wait3A_288 = tpu.memref_slice %arg11[%dma_wait3A_283, %dma_wait3A_286, %dma_wait3A_287] : memref<6x128x32xf32, #tpu.memory_space<vmem>> -> memref<1x128x32xf32, #tpu.memory_space<vmem>>
    %dma_wait3A_289 = tpu.memref_squeeze %dma_wait3A_288 : memref<1x128x32xf32, #tpu.memory_space<vmem>> -> memref<128x32xf32, #tpu.memory_space<vmem>>
    %dma_wait3A_290 = arith.constant 0 : i32
    %dma_wait3A_291 = tpu.memref_slice %arg10[%dma_wait3A_284, %dma_wait3A_290] : memref<80x128xi32, #tpu.memory_space<vmem>> -> memref<1x128xi32, #tpu.memory_space<vmem>>
    %dma_wait3A_292 = tpu.memref_squeeze %dma_wait3A_291 : memref<1x128xi32, #tpu.memory_space<vmem>> -> memref<128xi32, #tpu.memory_space<vmem>>
    %dma_wait3A_293 = arith.constant 0 : i32
    %dma_wait3A_294 = arith.constant 0 : i32
    %dma_wait3A_295 = tpu.memref_slice %arg13[%dma_wait3A_293, %dma_wait3A_294] : memref<10008x32xf32, #tpu.memory_space<vmem_shared>> -> memref<10008x32xf32, #tpu.memory_space<vmem_shared>>
    %dma_wait3A_296 = tpu.memref_slice %arg18[%dma_wait3A_285] : memref<6x!tpu.dma_semaphore, #tpu.memory_space<semaphore_mem>> -> memref<1x!tpu.dma_semaphore, #tpu.memory_space<semaphore_mem>>
    %dma_wait3A_297 = tpu.memref_squeeze %dma_wait3A_296 : memref<1x!tpu.dma_semaphore, #tpu.memory_space<semaphore_mem>> -> memref<!tpu.dma_semaphore, #tpu.memory_space<semaphore_mem>>
    tpu.wait_indirect_dma semaphore(%dma_wait3A_297 : memref<!tpu.dma_semaphore, #tpu.memory_space<semaphore_mem>>) src(%dma_wait3A_289 : memref<128x32xf32, #tpu.memory_space<vmem>>) dst(%dma_wait3A_295 : memref<10008x32xf32, #tpu.memory_space<vmem_shared>>)
    %dma_wait3A_298 = arith.constant 5 : i32
    %dma_wait3A_299 = arith.constant 0 : i32
    %dma_wait3A_300 = arith.constant 5 : i32
    %dma_wait3A_301 = arith.constant 0 : i32
    %dma_wait3A_302 = arith.constant 0 : i32
    %dma_wait3A_303 = tpu.memref_slice %arg12[%dma_wait3A_298, %dma_wait3A_301, %dma_wait3A_302] : memref<6x128x32xf32, #tpu.memory_space<vmem>> -> memref<1x128x32xf32, #tpu.memory_space<vmem>>
    %dma_wait3A_304 = tpu.memref_squeeze %dma_wait3A_303 : memref<1x128x32xf32, #tpu.memory_space<vmem>> -> memref<128x32xf32, #tpu.memory_space<vmem>>
    %dma_wait3A_305 = arith.constant 0 : i32
    %dma_wait3A_306 = tpu.memref_slice %arg10[%dma_wait3A_299, %dma_wait3A_305] : memref<80x128xi32, #tpu.memory_space<vmem>> -> memref<1x128xi32, #tpu.memory_space<vmem>>
    %dma_wait3A_307 = tpu.memref_squeeze %dma_wait3A_306 : memref<1x128xi32, #tpu.memory_space<vmem>> -> memref<128xi32, #tpu.memory_space<vmem>>
    %dma_wait3A_308 = arith.constant 0 : i32
    %dma_wait3A_309 = arith.constant 0 : i32
    %dma_wait3A_310 = tpu.memref_slice %arg14[%dma_wait3A_308, %dma_wait3A_309] : memref<10008x32xf32, #tpu.memory_space<vmem_shared>> -> memref<10008x32xf32, #tpu.memory_space<vmem_shared>>
    %dma_wait3A_311 = tpu.memref_slice %arg19[%dma_wait3A_300] : memref<6x!tpu.dma_semaphore, #tpu.memory_space<semaphore_mem>> -> memref<1x!tpu.dma_semaphore, #tpu.memory_space<semaphore_mem>>
    %dma_wait3A_312 = tpu.memref_squeeze %dma_wait3A_311 : memref<1x!tpu.dma_semaphore, #tpu.memory_space<semaphore_mem>> -> memref<!tpu.dma_semaphore, #tpu.memory_space<semaphore_mem>>
    tpu.wait_indirect_dma semaphore(%dma_wait3A_312 : memref<!tpu.dma_semaphore, #tpu.memory_space<semaphore_mem>>) src(%dma_wait3A_304 : memref<128x32xf32, #tpu.memory_space<vmem>>) dst(%dma_wait3A_310 : memref<10008x32xf32, #tpu.memory_space<vmem_shared>>)
    %barrier3A_313 = arith.constant 0 : index
    tpu.barrier barrier_id(%barrier3A_313)
    "tpu.region"() ({
      %run_scoped3A = tpu.sem_alloc : memref<!tpu.dma_semaphore, #tpu.memory_space<semaphore_mem>>
      %dma_start3A_314 = arith.constant 0 : i32
      %dma_start3A_315 = arith.constant 0 : i32
      %dma_start3A_316 = tpu.memref_slice %arg7[%arg0, %dma_start3A_314, %dma_start3A_315] : memref<2x10000x32xf32, #tpu.memory_space<hbm>> -> memref<1x10000x32xf32, #tpu.memory_space<hbm>>
      %dma_start3A_317 = tpu.memref_squeeze %dma_start3A_316 : memref<1x10000x32xf32, #tpu.memory_space<hbm>> -> memref<10000x32xf32, #tpu.memory_space<hbm>>
      %dma_start3A_318 = arith.constant 0 : i32
      %dma_start3A_319 = tpu.memref_slice %dma_start3A_317[%min3A_7, %dma_start3A_318] : memref<10000x32xf32, #tpu.memory_space<hbm>> -> memref<632x32xf32, #tpu.memory_space<hbm>>
      %dma_start3A_320 = arith.constant 0 : i32
      %dma_start3A_321 = tpu.memref_slice %arg13[%min3A_7, %dma_start3A_320] : memref<10008x32xf32, #tpu.memory_space<vmem_shared>> -> memref<632x32xf32, #tpu.memory_space<vmem_shared>>
      tpu.enqueue_dma source(%dma_start3A_321 : memref<632x32xf32, #tpu.memory_space<vmem_shared>>) target(%dma_start3A_319 : memref<632x32xf32, #tpu.memory_space<hbm>>) target_semaphore(%run_scoped3A : memref<!tpu.dma_semaphore, #tpu.memory_space<semaphore_mem>>)
      %dma_wait3A_322 = arith.constant 0 : i32
      %dma_wait3A_323 = arith.constant 0 : i32
      %dma_wait3A_324 = tpu.memref_slice %arg7[%arg0, %dma_wait3A_322, %dma_wait3A_323] : memref<2x10000x32xf32, #tpu.memory_space<hbm>> -> memref<1x10000x32xf32, #tpu.memory_space<hbm>>
      %dma_wait3A_325 = tpu.memref_squeeze %dma_wait3A_324 : memref<1x10000x32xf32, #tpu.memory_space<hbm>> -> memref<10000x32xf32, #tpu.memory_space<hbm>>
      %dma_wait3A_326 = arith.constant 0 : i32
      %dma_wait3A_327 = tpu.memref_slice %dma_wait3A_325[%min3A_7, %dma_wait3A_326] : memref<10000x32xf32, #tpu.memory_space<hbm>> -> memref<632x32xf32, #tpu.memory_space<hbm>>
      %dma_wait3A_328 = arith.constant 0 : i32
      %dma_wait3A_329 = tpu.memref_slice %arg13[%min3A_7, %dma_wait3A_328] : memref<10008x32xf32, #tpu.memory_space<vmem_shared>> -> memref<632x32xf32, #tpu.memory_space<vmem_shared>>
      tpu.wait_dma2 semaphore(%run_scoped3A : memref<!tpu.dma_semaphore, #tpu.memory_space<semaphore_mem>>) src(%dma_wait3A_329 : memref<632x32xf32, #tpu.memory_space<vmem_shared>>) dst(%dma_wait3A_327 : memref<632x32xf32, #tpu.memory_space<hbm>>)
      tpu.yield
    }) : () -> ()
    "tpu.region"() ({
      %run_scoped3A = tpu.sem_alloc : memref<!tpu.dma_semaphore, #tpu.memory_space<semaphore_mem>>
      %dma_start3A_314 = arith.constant 0 : i32
      %dma_start3A_315 = arith.constant 0 : i32
      %dma_start3A_316 = tpu.memref_slice %arg8[%arg0, %dma_start3A_314, %dma_start3A_315] : memref<2x10000x32xf32, #tpu.memory_space<hbm>> -> memref<1x10000x32xf32, #tpu.memory_space<hbm>>
      %dma_start3A_317 = tpu.memref_squeeze %dma_start3A_316 : memref<1x10000x32xf32, #tpu.memory_space<hbm>> -> memref<10000x32xf32, #tpu.memory_space<hbm>>
      %dma_start3A_318 = arith.constant 0 : i32
      %dma_start3A_319 = tpu.memref_slice %dma_start3A_317[%min3A_7, %dma_start3A_318] : memref<10000x32xf32, #tpu.memory_space<hbm>> -> memref<632x32xf32, #tpu.memory_space<hbm>>
      %dma_start3A_320 = arith.constant 0 : i32
      %dma_start3A_321 = tpu.memref_slice %arg14[%min3A_7, %dma_start3A_320] : memref<10008x32xf32, #tpu.memory_space<vmem_shared>> -> memref<632x32xf32, #tpu.memory_space<vmem_shared>>
      tpu.enqueue_dma source(%dma_start3A_321 : memref<632x32xf32, #tpu.memory_space<vmem_shared>>) target(%dma_start3A_319 : memref<632x32xf32, #tpu.memory_space<hbm>>) target_semaphore(%run_scoped3A : memref<!tpu.dma_semaphore, #tpu.memory_space<semaphore_mem>>)
      %dma_wait3A_322 = arith.constant 0 : i32
      %dma_wait3A_323 = arith.constant 0 : i32
      %dma_wait3A_324 = tpu.memref_slice %arg8[%arg0, %dma_wait3A_322, %dma_wait3A_323] : memref<2x10000x32xf32, #tpu.memory_space<hbm>> -> memref<1x10000x32xf32, #tpu.memory_space<hbm>>
      %dma_wait3A_325 = tpu.memref_squeeze %dma_wait3A_324 : memref<1x10000x32xf32, #tpu.memory_space<hbm>> -> memref<10000x32xf32, #tpu.memory_space<hbm>>
      %dma_wait3A_326 = arith.constant 0 : i32
      %dma_wait3A_327 = tpu.memref_slice %dma_wait3A_325[%min3A_7, %dma_wait3A_326] : memref<10000x32xf32, #tpu.memory_space<hbm>> -> memref<632x32xf32, #tpu.memory_space<hbm>>
      %dma_wait3A_328 = arith.constant 0 : i32
      %dma_wait3A_329 = tpu.memref_slice %arg14[%min3A_7, %dma_wait3A_328] : memref<10008x32xf32, #tpu.memory_space<vmem_shared>> -> memref<632x32xf32, #tpu.memory_space<vmem_shared>>
      tpu.wait_dma2 semaphore(%run_scoped3A : memref<!tpu.dma_semaphore, #tpu.memory_space<semaphore_mem>>) src(%dma_wait3A_329 : memref<632x32xf32, #tpu.memory_space<vmem_shared>>) dst(%dma_wait3A_327 : memref<632x32xf32, #tpu.memory_space<hbm>>)
      tpu.yield
    }) : () -> ()
    return
  }
}

module attributes {stable_mosaic.version = 14 : i64} {
  func.func @_tc_pre_body(%arg0: memref<10000x128xf32, #tpu.memory_space<vmem>>, %arg1: memref<128x64xf32, #tpu.memory_space<vmem>>, %arg2: memref<2x10000x8xf32, #tpu.memory_space<vmem>>, %arg3: memref<10000x64xf32, #tpu.memory_space<vmem>>, %arg4: memref<10000x64xf32, #tpu.memory_space<vmem>>, %arg5: memref<10000x1xf32, #tpu.memory_space<vmem>>) attributes {dimension_semantics = [], scalar_prefetch = 0 : i64, scratch_operands = 0 : i64, tpu.core_type = #tpu.core_type<tc>} {
    %get3A = arith.constant 0 : index
    %get3A_0 = arith.constant 0 : index
    %get3A_1 = arith.constant 0 : index
    %get3A_2 = vector.load %arg2[%get3A, %get3A_0, %get3A_1] : memref<2x10000x8xf32, #tpu.memory_space<vmem>>, vector<2x10000x8xf32>
    %slice3A = vector.extract_strided_slice %get3A_2 {offsets = [0, 0, 0], sizes = [1, 10000, 1], strides = [1, 1, 1]} : vector<2x10000x8xf32> to vector<1x10000x1xf32>
    %squeeze3A = vector.shape_cast %slice3A : vector<1x10000x1xf32> to vector<10000x1xf32>
    %slice3A_3 = vector.extract_strided_slice %get3A_2 {offsets = [1, 0, 0], sizes = [1, 10000, 1], strides = [1, 1, 1]} : vector<2x10000x8xf32> to vector<1x10000x1xf32>
    %squeeze3A_4 = vector.shape_cast %slice3A_3 : vector<1x10000x1xf32> to vector<10000x1xf32>
    %add3A = arith.addf %squeeze3A, %squeeze3A_4 : vector<10000x1xf32>
    %add3A_5 = arith.constant 1.000000e+00 : f32
    %add3A_6 = vector.broadcast %add3A_5 : f32 to vector<10000x1xf32>
    %add3A_7 = arith.addf %add3A, %add3A_6 : vector<10000x1xf32>
    %rsqrt3A = math.rsqrt %add3A_7 : vector<10000x1xf32>
    %get3A_8 = arith.constant 0 : index
    %get3A_9 = arith.constant 0 : index
    %get3A_10 = vector.load %arg0[%get3A_8, %get3A_9] : memref<10000x128xf32, #tpu.memory_space<vmem>>, vector<10000x128xf32>
    %get3A_11 = arith.constant 0 : index
    %get3A_12 = arith.constant 0 : index
    %get3A_13 = vector.load %arg1[%get3A_11, %get3A_12] : memref<128x64xf32, #tpu.memory_space<vmem>>, vector<128x64xf32>
    %dot_general3A = arith.constant dense<0.000000e+00> : vector<10000x64xf32>
    %dot_general3A_14 = tpu.matmul %get3A_10, %get3A_13, %dot_general3A {dimension_numbers = #tpu.dot_dimension_numbers<[1], [0], [0], [1], [0, 0, 1, 1], [], []>, transpose_lhs_hint = false} : vector<10000x128xf32>, vector<128x64xf32>, vector<10000x64xf32> -> vector<10000x64xf32>
    %swap3A = arith.constant 0 : index
    %swap3A_15 = arith.constant 0 : index
    %swap3A_16 = vector.load %arg3[%swap3A, %swap3A_15] : memref<10000x64xf32, #tpu.memory_space<vmem>>, vector<10000x64xf32>
    tpu.vector_store %arg3[%swap3A, %swap3A_15], %dot_general3A_14 {strides = array<i32>} : memref<10000x64xf32, #tpu.memory_space<vmem>>, vector<10000x64xf32>,
    %mul3A = vector.broadcast %rsqrt3A : vector<10000x1xf32> to vector<10000x64xf32>
    %mul3A_17 = arith.mulf %mul3A, %dot_general3A_14 : vector<10000x64xf32>
    %swap3A_18 = arith.constant 0 : index
    %swap3A_19 = arith.constant 0 : index
    %swap3A_20 = vector.load %arg4[%swap3A_18, %swap3A_19] : memref<10000x64xf32, #tpu.memory_space<vmem>>, vector<10000x64xf32>
    tpu.vector_store %arg4[%swap3A_18, %swap3A_19], %mul3A_17 {strides = array<i32>} : memref<10000x64xf32, #tpu.memory_space<vmem>>, vector<10000x64xf32>,
    %swap3A_21 = arith.constant 0 : index
    %swap3A_22 = arith.constant 0 : index
    %swap3A_23 = vector.load %arg5[%swap3A_21, %swap3A_22] : memref<10000x1xf32, #tpu.memory_space<vmem>>, vector<10000x1xf32>
    tpu.vector_store %arg5[%swap3A_21, %swap3A_22], %rsqrt3A {strides = array<i32>} : memref<10000x1xf32, #tpu.memory_space<vmem>>, vector<10000x1xf32>,
    return
  }
}

module attributes {stable_mosaic.version = 14 : i64} {
  func.func @_tc_mid_split_body(%arg0: memref<2x10000x32xf32, #tpu.memory_space<vmem>>, %arg1: memref<2x10000x32xf32, #tpu.memory_space<vmem>>, %arg2: memref<10000x64xf32, #tpu.memory_space<vmem>>, %arg3: memref<10000x1xf32, #tpu.memory_space<vmem>>, %arg4: memref<1x64xf32, #tpu.memory_space<vmem>>, %arg5: memref<64x32xf32, #tpu.memory_space<vmem>>, %arg6: memref<10000x32xf32, #tpu.memory_space<vmem>>, %arg7: memref<10000x32xf32, #tpu.memory_space<vmem>>) attributes {dimension_semantics = [], scalar_prefetch = 0 : i64, scratch_operands = 0 : i64, tpu.core_type = #tpu.core_type<tc>} {
    %get3A = arith.constant 0 : index
    %get3A_0 = arith.constant 0 : index
    %get3A_1 = vector.load %arg3[%get3A, %get3A_0] : memref<10000x1xf32, #tpu.memory_space<vmem>>, vector<10000x1xf32>
    %get3A_2 = arith.constant 0 : index
    %get3A_3 = arith.constant 0 : index
    %get3A_4 = arith.constant 0 : index
    %get3A_5 = vector.load %arg0[%get3A_2, %get3A_3, %get3A_4] : memref<2x10000x32xf32, #tpu.memory_space<vmem>>, vector<2x10000x32xf32>
    %get3A_6 = arith.constant 0 : index
    %get3A_7 = arith.constant 0 : index
    %get3A_8 = arith.constant 0 : index
    %get3A_9 = vector.load %arg1[%get3A_6, %get3A_7, %get3A_8] : memref<2x10000x32xf32, #tpu.memory_space<vmem>>, vector<2x10000x32xf32>
    %slice3A = vector.extract_strided_slice %get3A_5 {offsets = [0, 0, 0], sizes = [1, 10000, 32], strides = [1, 1, 1]} : vector<2x10000x32xf32> to vector<1x10000x32xf32>
    %squeeze3A = vector.shape_cast %slice3A : vector<1x10000x32xf32> to vector<10000x32xf32>
    %slice3A_10 = vector.extract_strided_slice %get3A_5 {offsets = [1, 0, 0], sizes = [1, 10000, 32], strides = [1, 1, 1]} : vector<2x10000x32xf32> to vector<1x10000x32xf32>
    %squeeze3A_11 = vector.shape_cast %slice3A_10 : vector<1x10000x32xf32> to vector<10000x32xf32>
    %add3A = arith.addf %squeeze3A, %squeeze3A_11 : vector<10000x32xf32>
    %slice3A_12 = vector.extract_strided_slice %get3A_9 {offsets = [0, 0, 0], sizes = [1, 10000, 32], strides = [1, 1, 1]} : vector<2x10000x32xf32> to vector<1x10000x32xf32>
    %squeeze3A_13 = vector.shape_cast %slice3A_12 : vector<1x10000x32xf32> to vector<10000x32xf32>
    %slice3A_14 = vector.extract_strided_slice %get3A_9 {offsets = [1, 0, 0], sizes = [1, 10000, 32], strides = [1, 1, 1]} : vector<2x10000x32xf32> to vector<1x10000x32xf32>
    %squeeze3A_15 = vector.shape_cast %slice3A_14 : vector<1x10000x32xf32> to vector<10000x32xf32>
    %add3A_16 = arith.addf %squeeze3A_13, %squeeze3A_15 : vector<10000x32xf32>
    %concatenate3A = tpu.concatenate %add3A, %add3A_16 in 1 : vector<10000x32xf32>, vector<10000x32xf32> -> vector<10000x64xf32>
    %mul3A = vector.broadcast %get3A_1 : vector<10000x1xf32> to vector<10000x64xf32>
    %mul3A_17 = arith.mulf %mul3A, %concatenate3A : vector<10000x64xf32>
    %mul3A_18 = arith.mulf %get3A_1, %get3A_1 : vector<10000x1xf32>
    %get3A_19 = arith.constant 0 : index
    %get3A_20 = arith.constant 0 : index
    %get3A_21 = vector.load %arg2[%get3A_19, %get3A_20] : memref<10000x64xf32, #tpu.memory_space<vmem>>, vector<10000x64xf32>
    %mul3A_22 = vector.broadcast %mul3A_18 : vector<10000x1xf32> to vector<10000x64xf32>
    %mul3A_23 = arith.mulf %mul3A_22, %get3A_21 : vector<10000x64xf32>
    %add3A_24 = arith.addf %mul3A_17, %mul3A_23 : vector<10000x64xf32>
    %get3A_25 = arith.constant 0 : index
    %get3A_26 = arith.constant 0 : index
    %get3A_27 = vector.load %arg4[%get3A_25, %get3A_26] : memref<1x64xf32, #tpu.memory_space<vmem>>, vector<1x64xf32>
    %add3A_28 = vector.broadcast %get3A_27 : vector<1x64xf32> to vector<10000x64xf32>
    %add3A_29 = arith.addf %add3A_24, %add3A_28 : vector<10000x64xf32>
    %max3A = arith.constant 0.000000e+00 : f32
    %max3A_30 = vector.broadcast %max3A : f32 to vector<10000x64xf32>
    %max3A_31 = arith.maximumf %add3A_29, %max3A_30 : vector<10000x64xf32>
    %get3A_32 = arith.constant 0 : index
    %get3A_33 = arith.constant 0 : index
    %get3A_34 = vector.load %arg5[%get3A_32, %get3A_33] : memref<64x32xf32, #tpu.memory_space<vmem>>, vector<64x32xf32>
    %dot_general3A = arith.constant dense<0.000000e+00> : vector<10000x32xf32>
    %dot_general3A_35 = tpu.matmul %max3A_31, %get3A_34, %dot_general3A {dimension_numbers = #tpu.dot_dimension_numbers<[1], [0], [0], [1], [0, 0, 1, 1], [], []>, transpose_lhs_hint = false} : vector<10000x64xf32>, vector<64x32xf32>, vector<10000x32xf32> -> vector<10000x32xf32>
    %swap3A = arith.constant 0 : index
    %swap3A_36 = arith.constant 0 : index
    %swap3A_37 = vector.load %arg6[%swap3A, %swap3A_36] : memref<10000x32xf32, #tpu.memory_space<vmem>>, vector<10000x32xf32>
    tpu.vector_store %arg6[%swap3A, %swap3A_36], %dot_general3A_35 {strides = array<i32>} : memref<10000x32xf32, #tpu.memory_space<vmem>>, vector<10000x32xf32>,
    %mul3A_38 = vector.broadcast %get3A_1 : vector<10000x1xf32> to vector<10000x32xf32>
    %mul3A_39 = arith.mulf %mul3A_38, %dot_general3A_35 : vector<10000x32xf32>
    %swap3A_40 = arith.constant 0 : index
    %swap3A_41 = arith.constant 0 : index
    %swap3A_42 = vector.load %arg7[%swap3A_40, %swap3A_41] : memref<10000x32xf32, #tpu.memory_space<vmem>>, vector<10000x32xf32>
    tpu.vector_store %arg7[%swap3A_40, %swap3A_41], %mul3A_39 {strides = array<i32>} : memref<10000x32xf32, #tpu.memory_space<vmem>>, vector<10000x32xf32>,
    return
  }
}

module attributes {stable_mosaic.version = 14 : i64} {
  func.func @_tc_mid_body(%arg0: memref<2x10000x32xf32, #tpu.memory_space<vmem>>, %arg1: memref<10000x32xf32, #tpu.memory_space<vmem>>, %arg2: memref<10000x1xf32, #tpu.memory_space<vmem>>, %arg3: memref<1x32xf32, #tpu.memory_space<vmem>>, %arg4: memref<32x16xf32, #tpu.memory_space<vmem>>, %arg5: memref<10000x16xf32, #tpu.memory_space<vmem>>, %arg6: memref<10000x16xf32, #tpu.memory_space<vmem>>) attributes {dimension_semantics = [], scalar_prefetch = 0 : i64, scratch_operands = 0 : i64, tpu.core_type = #tpu.core_type<tc>} {
    %get3A = arith.constant 0 : index
    %get3A_0 = arith.constant 0 : index
    %get3A_1 = vector.load %arg2[%get3A, %get3A_0] : memref<10000x1xf32, #tpu.memory_space<vmem>>, vector<10000x1xf32>
    %get3A_2 = arith.constant 0 : index
    %get3A_3 = arith.constant 0 : index
    %get3A_4 = arith.constant 0 : index
    %get3A_5 = vector.load %arg0[%get3A_2, %get3A_3, %get3A_4] : memref<2x10000x32xf32, #tpu.memory_space<vmem>>, vector<2x10000x32xf32>
    %slice3A = vector.extract_strided_slice %get3A_5 {offsets = [0, 0, 0], sizes = [1, 10000, 32], strides = [1, 1, 1]} : vector<2x10000x32xf32> to vector<1x10000x32xf32>
    %squeeze3A = vector.shape_cast %slice3A : vector<1x10000x32xf32> to vector<10000x32xf32>
    %slice3A_6 = vector.extract_strided_slice %get3A_5 {offsets = [1, 0, 0], sizes = [1, 10000, 32], strides = [1, 1, 1]} : vector<2x10000x32xf32> to vector<1x10000x32xf32>
    %squeeze3A_7 = vector.shape_cast %slice3A_6 : vector<1x10000x32xf32> to vector<10000x32xf32>
    %add3A = arith.addf %squeeze3A, %squeeze3A_7 : vector<10000x32xf32>
    %mul3A = vector.broadcast %get3A_1 : vector<10000x1xf32> to vector<10000x32xf32>
    %mul3A_8 = arith.mulf %mul3A, %add3A : vector<10000x32xf32>
    %mul3A_9 = arith.mulf %get3A_1, %get3A_1 : vector<10000x1xf32>
    %get3A_10 = arith.constant 0 : index
    %get3A_11 = arith.constant 0 : index
    %get3A_12 = vector.load %arg1[%get3A_10, %get3A_11] : memref<10000x32xf32, #tpu.memory_space<vmem>>, vector<10000x32xf32>
    %mul3A_13 = vector.broadcast %mul3A_9 : vector<10000x1xf32> to vector<10000x32xf32>
    %mul3A_14 = arith.mulf %mul3A_13, %get3A_12 : vector<10000x32xf32>
    %add3A_15 = arith.addf %mul3A_8, %mul3A_14 : vector<10000x32xf32>
    %get3A_16 = arith.constant 0 : index
    %get3A_17 = arith.constant 0 : index
    %get3A_18 = vector.load %arg3[%get3A_16, %get3A_17] : memref<1x32xf32, #tpu.memory_space<vmem>>, vector<1x32xf32>
    %add3A_19 = vector.broadcast %get3A_18 : vector<1x32xf32> to vector<10000x32xf32>
    %add3A_20 = arith.addf %add3A_15, %add3A_19 : vector<10000x32xf32>
    %max3A = arith.constant 0.000000e+00 : f32
    %max3A_21 = vector.broadcast %max3A : f32 to vector<10000x32xf32>
    %max3A_22 = arith.maximumf %add3A_20, %max3A_21 : vector<10000x32xf32>
    %get3A_23 = arith.constant 0 : index
    %get3A_24 = arith.constant 0 : index
    %get3A_25 = vector.load %arg4[%get3A_23, %get3A_24] : memref<32x16xf32, #tpu.memory_space<vmem>>, vector<32x16xf32>
    %dot_general3A = arith.constant dense<0.000000e+00> : vector<10000x16xf32>
    %dot_general3A_26 = tpu.matmul %max3A_22, %get3A_25, %dot_general3A {dimension_numbers = #tpu.dot_dimension_numbers<[1], [0], [0], [1], [0, 0, 1, 1], [], []>, transpose_lhs_hint = false} : vector<10000x32xf32>, vector<32x16xf32>, vector<10000x16xf32> -> vector<10000x16xf32>
    %swap3A = arith.constant 0 : index
    %swap3A_27 = arith.constant 0 : index
    %swap3A_28 = vector.load %arg5[%swap3A, %swap3A_27] : memref<10000x16xf32, #tpu.memory_space<vmem>>, vector<10000x16xf32>
    tpu.vector_store %arg5[%swap3A, %swap3A_27], %dot_general3A_26 {strides = array<i32>} : memref<10000x16xf32, #tpu.memory_space<vmem>>, vector<10000x16xf32>,
    %mul3A_29 = vector.broadcast %get3A_1 : vector<10000x1xf32> to vector<10000x16xf32>
    %mul3A_30 = arith.mulf %mul3A_29, %dot_general3A_26 : vector<10000x16xf32>
    %swap3A_31 = arith.constant 0 : index
    %swap3A_32 = arith.constant 0 : index
    %swap3A_33 = vector.load %arg6[%swap3A_31, %swap3A_32] : memref<10000x16xf32, #tpu.memory_space<vmem>>, vector<10000x16xf32>
    tpu.vector_store %arg6[%swap3A_31, %swap3A_32], %mul3A_30 {strides = array<i32>} : memref<10000x16xf32, #tpu.memory_space<vmem>>, vector<10000x16xf32>,
    return
  }
}

module attributes {stable_mosaic.version = 14 : i64} {
  func.func @_tc_fin_body(%arg0: memref<2x10000x16xf32, #tpu.memory_space<vmem>>, %arg1: memref<10000x16xf32, #tpu.memory_space<vmem>>, %arg2: memref<10000x1xf32, #tpu.memory_space<vmem>>, %arg3: memref<1x16xf32, #tpu.memory_space<vmem>>, %arg4: memref<10000x16xf32, #tpu.memory_space<vmem>>) attributes {dimension_semantics = [], scalar_prefetch = 0 : i64, scratch_operands = 0 : i64, tpu.core_type = #tpu.core_type<tc>} {
    %get3A = arith.constant 0 : index
    %get3A_0 = arith.constant 0 : index
    %get3A_1 = vector.load %arg2[%get3A, %get3A_0] : memref<10000x1xf32, #tpu.memory_space<vmem>>, vector<10000x1xf32>
    %get3A_2 = arith.constant 0 : index
    %get3A_3 = arith.constant 0 : index
    %get3A_4 = arith.constant 0 : index
    %get3A_5 = vector.load %arg0[%get3A_2, %get3A_3, %get3A_4] : memref<2x10000x16xf32, #tpu.memory_space<vmem>>, vector<2x10000x16xf32>
    %slice3A = vector.extract_strided_slice %get3A_5 {offsets = [0, 0, 0], sizes = [1, 10000, 16], strides = [1, 1, 1]} : vector<2x10000x16xf32> to vector<1x10000x16xf32>
    %squeeze3A = vector.shape_cast %slice3A : vector<1x10000x16xf32> to vector<10000x16xf32>
    %slice3A_6 = vector.extract_strided_slice %get3A_5 {offsets = [1, 0, 0], sizes = [1, 10000, 16], strides = [1, 1, 1]} : vector<2x10000x16xf32> to vector<1x10000x16xf32>
    %squeeze3A_7 = vector.shape_cast %slice3A_6 : vector<1x10000x16xf32> to vector<10000x16xf32>
    %add3A = arith.addf %squeeze3A, %squeeze3A_7 : vector<10000x16xf32>
    %mul3A = vector.broadcast %get3A_1 : vector<10000x1xf32> to vector<10000x16xf32>
    %mul3A_8 = arith.mulf %mul3A, %add3A : vector<10000x16xf32>
    %mul3A_9 = arith.mulf %get3A_1, %get3A_1 : vector<10000x1xf32>
    %get3A_10 = arith.constant 0 : index
    %get3A_11 = arith.constant 0 : index
    %get3A_12 = vector.load %arg1[%get3A_10, %get3A_11] : memref<10000x16xf32, #tpu.memory_space<vmem>>, vector<10000x16xf32>
    %mul3A_13 = vector.broadcast %mul3A_9 : vector<10000x1xf32> to vector<10000x16xf32>
    %mul3A_14 = arith.mulf %mul3A_13, %get3A_12 : vector<10000x16xf32>
    %add3A_15 = arith.addf %mul3A_8, %mul3A_14 : vector<10000x16xf32>
    %get3A_16 = arith.constant 0 : index
    %get3A_17 = arith.constant 0 : index
    %get3A_18 = vector.load %arg3[%get3A_16, %get3A_17] : memref<1x16xf32, #tpu.memory_space<vmem>>, vector<1x16xf32>
    %add3A_19 = vector.broadcast %get3A_18 : vector<1x16xf32> to vector<10000x16xf32>
    %add3A_20 = arith.addf %add3A_15, %add3A_19 : vector<10000x16xf32>
    %neg3A = arith.constant 0.000000e+00 : f32
    %neg3A_21 = vector.broadcast %neg3A : f32 to vector<10000x16xf32>
    %neg3A_22 = arith.subf %neg3A_21, %add3A_20 : vector<10000x16xf32>
    %exp3A = math.exp %neg3A_22 : vector<10000x16xf32>
    %add3A_23 = arith.constant 1.000000e+00 : f32
    %add3A_24 = vector.broadcast %add3A_23 : f32 to vector<10000x16xf32>
    %add3A_25 = arith.addf %add3A_24, %exp3A : vector<10000x16xf32>
    %div3A = arith.constant 1.000000e+00 : f32
    %div3A_26 = vector.broadcast %div3A : f32 to vector<10000x16xf32>
    %div3A_27 = arith.divf %div3A_26, %add3A_25 : vector<10000x16xf32>
    %swap3A = arith.constant 0 : index
    %swap3A_28 = arith.constant 0 : index
    %swap3A_29 = vector.load %arg4[%swap3A, %swap3A_28] : memref<10000x16xf32, #tpu.memory_space<vmem>>, vector<10000x16xf32>
    tpu.vector_store %arg4[%swap3A, %swap3A_28], %div3A_27 {strides = array<i32>} : memref<10000x16xf32, #tpu.memory_space<vmem>>, vector<10000x16xf32>,
    return
  }
}

</mosaic_0001>

<sc_bundles>
// kernel: kernel.10.cloned.1.call-start
scs
__scs_entry_jumppad:
0x0: {  	(pc) =	sbr.rel $0x88, $3  }
0x1: {  	(tag) =	ssettag $0x0;
	lr =	simm.s32 $0x1  }
0x2: {  	[smem:$0x3F99] =	sst lr;
	_ =	strace $0xD0000000  }
0x3: {  	_ = 	snop  }
0x4: {  	_ = 	snop  }
0x5: {  	_ = 	snop  }
0x6: {  	_ = 	snop  }
0x7: {  	_ = 	snop  }
__scs_overlays_trampoline_lowered:
0x8: {  	[smem:$0x3FA8] =	sst s0  }
0x9: {  	[smem:$0x3FA9] =	sst s1  }
0xa: {  	[smem:$0x3FAA] =	sst s2  }
0xb: {  	[smem:$0x3FAB] =	sst s3  }
0xc: {  	[smem:$0x3FAC] =	sst s4  }
0xd: {  	[smem:$0x3FAD] =	sst s5  }
0xe: {  	[smem:$0x3FAE] =	sst s6  }
0xf: {  	[smem:$0x3FAF] =	sst s7  }
0x10: {  	[smem:$0x3FB0] =	sst s8  }
0x11: {  	[smem:$0x3FB1] =	sst s9;
	s0 =	simm.s32 @!p0 $0x0  }
0x12: {  	s1 =	sld [smem:$0x3F97];
	s0 =	simm.s32 @p0 $0x1  }
0x13: {  	[smem:$0x3FB2] =	sst s0;
	s0 =	simm.s32 @!p1 $0x0  }
0x14: {  	s2 =	sld [smem:$0x3F96];
	s0 =	simm.s32 @p1 $0x1  }
0x15: {  	[smem:$0x3FB3] =	sst s0;
	s0 =	simm.s32 @!p2 $0x0  }
0x16: {  	s3 =	sld [smem:$0x3FDB];
	s0 =	simm.s32 @p2 $0x1  }
0x17: {  	s4 =	simm.s32 $0x1BF5;
	[smem:$0x3FB5] =	sst s0  }
0x18: {  	s0 =	sld [smem:$0x3F98];
	_ =	swait.ge [sflag:s4], $0x0  }
0x19: {  	s7 =	sld [smem:$0x3F99]  }
0x1a: {  	s8 =	sadd.s32 $0xFFFFE003, lr  }
0x1b: {  	s9 =	sadd.s32 $0xFFFFFEF7, lr;
	s5 =	simm.s32 $0xFFFFFFFF;
	p2 =	slt.u32 s8, $0xFFFFF086  }
0x1c: {  	p1 =	slt.u32 s9, $0xF7A;
	s5 =	simm.s32 @!p2 $0x0  }
0x1d: {  	s5 =	simm.s32 @p1 $0x1;
	p0 =	seq.s32 s7, s2  }
0x1e: {  	s7 =	smul.u32 @!p0 $0xF7A, s2;
	p2 =	seq.s32 @!p0 s5, $0x0  }
0x1f: {  	s9 =	smul.u32 $0xF7A, s1;
	s8 =	simm.s32 @!p0 $0x1BF5;
	p2 =	por !p2, p0  }
0x20: {  	[sflag:s8] =	ssyncset.s32 @!p0 $0xFFFFF086;
	s6 =	sadd.s32 @!p0 s3, s7;
	s7 =	simm.s32 @!p0 $0x108  }
0x21: {  	s3 =	sadd.s32 s3, s9;
	s6 =	sadd.s32 @!p0 $0x88, s6;
	s7 =	simm.s32 @p2 $0x1082  }
0x22: {  	[simem:s7], [sflag:s8] =	dma.local @!p0 [hbm:s6], $0xF7A  }
0x23: {  	s9 =	sor.u32 $0xD0000000, s2;
	s6 =	simm.s32 $0x108;
	_ =	swait.ge @!p0 [sflag:s8], $0x0  }
0x24: {  	s3 =	sadd.s32 $0x88, s3;
	s6 =	simm.s32 @!p1 $0x1082;
	[sflag:s4] =	ssyncset.s32 $0xFFFFF086  }
0x25: {  	[simem:s6], [sflag:s4] =	dma.local [hbm:s3], $0xF7A  }
0x26: {  	[smem:$0x3F99] =	sst s1;
	(tag) =	ssettag s2;
	_ =	strace s9  }
0x27: {  	s1 =	sld [smem:$0x3FA9]  }
0x28: {  	s2 =	sld [smem:$0x3FAA]  }
0x29: {  	s4 =	sld [smem:$0x3FAC]  }
0x2a: {  	p0 =	seq.s32 s5, $0x0;
	s5 =	sld [smem:$0x3FAD]  }
0x2b: {  	s6 =	sld [smem:$0x3FAE]  }
0x2c: {  	s7 =	sld [smem:$0x3FAF]  }
0x2d: {  	s3 =	simm.s32 $0x108;
	s8 =	sld [smem:$0x3FB0]  }
0x2e: {  	s3 =	simm.s32 @!p0 $0x1082;
	s9 =	sld [smem:$0x3FB1]  }
0x2f: {  	lr =	sadd.s32 s0, s3;
	s0 =	sld [smem:$0x3FA8]  }
0x30: {  	s3 =	sld [smem:$0x3FAB]  }
0x31: {  	[smem:$0x3FB4] =	sst s10  }
0x32: {  	s10 =	sld [smem:$0x3FB2];
	_ =	sdelay $0x3  }
0x33: {  	p0 =	seq.s32 s10, $0x1;
	s10 =	sld [smem:$0x3FB4];
	_ =	sdelay $0x3  }
0x34: {  	[smem:$0x3FB4] =	sst s10  }
0x35: {  	s10 =	sld [smem:$0x3FB3];
	_ =	sdelay $0x3  }
0x36: {  	p1 =	seq.s32 s10, $0x1;
	s10 =	sld [smem:$0x3FB4];
	_ =	sdelay $0x3  }
0x37: {  	[smem:$0x3FB4] =	sst s10  }
0x38: {  	s10 =	sld [smem:$0x3FB5]  }
0x39: {  	_ = 	snop;
	(pc) =	sbr.ind lr, $3  }
0x3a: {  	_ = 	snop  }
0x3b: {  	_ = 	snop  }
0x3c: {  	p2 =	seq.s32 s10, $0x1;
	s10 =	sld [smem:$0x3FB4]  }
0x3d: {  	_ =	shalt  }
0x3e: {  	_ =	shalt  }
0x3f: {  	_ =	shalt  }
0x40: {  	_ =	shalt  }
0x41: {  	_ =	shalt  }
0x42: {  	_ =	shalt  }
0x43: {  	_ =	shalt  }
0x44: {  	_ =	shalt  }
0x45: {  	_ =	shalt  }
0x46: {  	_ =	shalt  }
0x47: {  	_ =	shalt  }
0x48: {  	_ =	shalt  }
0x49: {  	_ =	shalt  }
0x4a: {  	_ =	shalt  }
0x4b: {  	_ =	shalt  }
0x4c: {  	_ =	shalt  }
0x4d: {  	_ =	shalt  }
0x4e: {  	_ =	shalt  }
0x4f: {  	_ =	shalt  }
0x50: {  	_ =	shalt  }
0x51: {  	_ =	shalt  }
0x52: {  	_ =	shalt  }
0x53: {  	_ =	shalt  }
0x54: {  	_ =	shalt  }
0x55: {  	_ =	shalt  }
0x56: {  	_ =	shalt  }
0x57: {  	_ =	shalt  }
0x58: {  	_ =	shalt  }
0x59: {  	_ =	shalt  }
0x5a: {  	_ =	shalt  }
0x5b: {  	_ =	shalt  }
0x5c: {  	_ =	shalt  }
0x5d: {  	_ =	shalt  }
0x5e: {  	_ =	shalt  }
0x5f: {  	_ =	shalt  }
0x60: {  	_ =	shalt  }
0x61: {  	_ =	shalt  }
0x62: {  	_ =	shalt  }
0x63: {  	_ =	shalt  }
0x64: {  	_ =	shalt  }
0x65: {  	_ =	shalt  }
0x66: {  	_ =	shalt  }
0x67: {  	_ =	shalt  }
0x68: {  	_ =	shalt  }
0x69: {  	_ =	shalt  }
0x6a: {  	_ =	shalt  }
0x6b: {  	_ =	shalt  }
0x6c: {  	_ =	shalt  }
0x6d: {  	_ =	shalt  }
0x6e: {  	_ =	shalt  }
0x6f: {  	_ =	shalt  }
0x70: {  	_ =	shalt  }
0x71: {  	_ =	shalt  }
0x72: {  	_ =	shalt  }
0x73: {  	_ =	shalt  }
0x74: {  	_ =	shalt  }
0x75: {  	_ =	shalt  }
0x76: {  	_ =	shalt  }
0x77: {  	_ =	shalt  }
0x78: {  	_ =	shalt  }
0x79: {  	_ =	shalt  }
0x7a: {  	_ =	shalt  }
0x7b: {  	_ =	shalt  }
0x7c: {  	_ =	shalt  }
0x7d: {  	_ =	shalt  }
0x7e: {  	_ =	shalt  }
0x7f: {  	_ =	shalt  }
0x80: {  	_ =	shalt  }
0x81: {  	_ =	shalt  }
0x82: {  	_ =	shalt  }
0x83: {  	_ =	shalt  }
0x84: {  	_ =	shalt  }
0x85: {  	_ =	shalt  }
0x86: {  	_ =	shalt  }
0x87: {  	_ =	shalt  }
.Lfunc_end0:
.L_simem_size_0:
called_computation_lowered:
.L_overlay_start_0:
0x88: {  	s2 =	sld [smem:$0x3FD9]  }
0x89: {  	s3 =	sld [smem:$0x3FFE];
	_ =	sdelay $0x1  }
0x8a: {  	s1 =	srdreg.scid  }
0x8b: {  	s0 =	sand.u32 $0x1, s1  }
0x8c: {  	s17 =	sshll.u32 s0, $0xA;
	s2 =	sadd.s32 s3, s2  }
0x8d: {  	s2 =	sadd.s32 s2, s17  }
0x8e: {  	[smem:$0x3FC0] =	sst s2  }
0x8f: {  	_ = 	snop  }
0x90: {  	s2 =	sld [smem:$0x3FD0];
	(tm) =	ssettm $0x1  }
0x91: {  	s18 =	sld [smem:$0x3FFB];
	_ =	sdelay $0x3  }
0x92: {  	_ =	strace s18  }
0x93: {  	s3 =	sld [smem:$0x3FFC];
	_ =	sdelay $0x3  }
0x94: {  	_ =	strace s3  }
0x95: {  	s3 =	sld [smem:$0x3FFD];
	_ =	sdelay $0x3  }
0x96: {  	_ =	strace s3  }
0x97: {  	_ =	strace $0x8FFFFFFF  }
0x98: {  	s19 =	sld [smem:$0x3FDB];
	_ =	sdelay $0x1  }
0x99: {  	s4 =	simm.s32 $_scs_section_size  }
0x9a: {  	s5 =	simm.s32 $_size__tile_overlayer_lowered;
	s6 =	simm.s32 $_tile_overlayer_lowered  }
0x9b: {  	s22 =	simm.s32 $0x1BFF;
	s21 =	sshll.u32 s6, $0x1;
	s3 =	sadd.s32 s4, s19  }
0x9c: {  	s7 =	simm.s32 $0x0;
	s20 =	sshll.u32 s5, $0x1;
	s5 =	sadd.s32 s21, s3  }
0x9d: {  	[timem:s7], [sflag:s22] =	dma.local [hbm:s5], s20  }
0x9e: {  	_ =	swait.ge [sflag:s22], s20  }
0x9f: {  	s4 =	ssub.s32 $0x0, s20;
	[sflag:s22] =	ssyncset.done $0x0  }
0xa0: {  	[sflag:s22] =	ssyncadd.s32 s4;
	_ =	sdelay $0x1  }
0xa1: {  	s23 =	simm.s32 $0x1B8B  }
0xa2: {  	_ =	swait.ge [sflag:s23], $0x1  }
0xa3: {  	[sflag:s23] =	ssyncset.done $0x0  }
0xa4: {  	s25 =	simm.s32 $0x1B8E;
	s24 =	sld [smem:$0x3FFE];
	[sflag:s23] =	ssyncadd.s32 $0xFFFFFFFF  }
0xa5: {  	s26 =	simm.s32 $execute0_lowered;
	[smem:$0x3FD2] =	sst s25  }
0xa6: {  	s5 =	sshll.u32 s26, $0x1;
	_ =	strace $0x80000046;
	[dreg:$0x1] =	wrdreg $0xFFFFFFFF  }
0xa7: {  	s28 =	simm.s32 $_size_execute0_lowered;
	s3 =	sadd.s32 s3, s5;
	[dreg:$0x0] =	wrdreg $0x0  }
0xa8: {  	s5 =	sshll.u32 s28, $0x1;
	[dreg:$0x2] =	wrdreg s3  }
0xa9: {  	[dreg:$0x3] =	wrdreg s5  }
0xaa: {  	[dreg:$0x4] =	wrdreg $0xC0  }
0xab: {  	_ =	task [dreg:s7], $0x5FFFF  }
0xac: {  	[dreg:$0x1] =	wrdreg $0xFFFFFFFF  }
0xad: {  	[dreg:$0x0] =	wrdreg $0x60  }
0xae: {  	[dreg:$0x2] =	wrdreg s24  }
0xaf: {  	[dreg:$0x3] =	wrdreg s2  }
0xb0: {  	[dreg:$0x4] =	wrdreg $0x2C000  }
0xb1: {  	[dreg:$0x5] =	wrdreg $0x9  }
0xb2: {  	_ =	task.clear_ibuf [dreg:s7], $0x6FFFF;
	_ =	strace $0x90000046  }
0xb3: {  	s29 =	simm.s32 $0x9;
	_ =	strace $0x80000048  }
0xb4: {  	_ =	swait.ge [sflag:s29], $0x1  }
0xb5: {  	[sflag:s29] =	ssyncadd.s32 $0xFFFFFFFF  }
0xb6: {  	_ =	strace $0x90000048  }
0xb7: {  	_ =	sfence  }
0xb8: {  	s30 =	sld [smem:$0x0];
	_ =	sdelay $0x2  }
0xb9: {  	s31 =	sshll.u32 s1, $0xD;
	s1 =	sshrl.u32 s1, $0x2  }
0xba: {  	s3 =	sand.u32 $0x4000, s31;
	s1 =	sadd.s32 s1, s30  }
0xbb: {  	s0 =	sor.u32 s3, s0;
	s1 =	sshll.u32 s1, $0x11  }
0xbc: {  	s0 =	sor.u32 s1, s0  }
0xbd: {  	s0 =	sadd.s32 $0x8F2B, s0  }
0xbe: {  	[sflag:s0] =	ssyncadd.remote.s32 $0x1  }
0xbf: {  	_ =	sfence.sel $0xFFFF  }
0xc0: {  	[dreg:$0x0] =	wrdreg $0xFFFFFFFF;
	(pc) =	sbr.abs _section_cstart, $3  }
0xc1: {  	[dreg:$0x1] =	wrdreg $0xFFFFFFFF  }
0xc2: {  	_ =	task.clear_ibuf [dreg:s7], $0x2FFFF;
	_ =	strace $0x9FFFFFFF  }
0xc3: {  	(tm) =	ssettm $0x7FFFFFFF  }
tec
execute0_lowered:
.L_overlay_start_1:
0x0: {  	(tag) =	ssettag $0x1  }
0x1: {  	s4 =	rddreg [dreg:$0x0]  }
0x2: {  	s0 =	srdreg.scid;
	s6 =	rddreg [dreg:$0x1]  }
0x3: {  	s1 =	rddreg [dreg:$0x2];
	s9 =	stileid.u32  }
0x4: {  	s2 =	simm.s32 $0x0;
	s5 =	sand.u32 $0x1, s0;
	s0 =	rddreg [dreg:$0x3]  }
0x5: {  	[smem:$0x7FF] =	sst s2;
	s7 =	smul.u32 $0x278, s9;
	s12 =	sadd.s32 $0x13880, s1  }
0x6: {  	p0 =	sne.s32 s9, $0x0;
	s3 =	sshll.u32 s5, $0x4;
	_ =	strace $0x80000047  }
0x7: {  	s10 =	ssub.s32 $0x2, s5;
	s31 =	smul.u32 $0x2710, s5;
	s3 =	sor.u32 s9, s3  }
0x8: {  	s11 =	sshrl.u32 s10, $0x1;
	s13 =	smin.u32 s7, $0x2498;
	s7 =	simm.s32 $0x1  }
0x9: {  	s9 =	sshll.u32 s9, $0x6;
	s3 =	smul.u32 $0x500, s3;
	s29 =	ssub.s32 s10, s11  }
0xa: {  	s30 =	sshll.u32 s13, $0x3;
	s14 =	sadd.s32 s6, s31;
	s9 =	sor.u32 $0x1C01, s9  }
0xb: {  	s11 =	sshrl.u32 @!p0 s12, $0x3;
	s12 =	simm.s32 $0x80;
	s10 =	sadd.s32 s30, s1  }
0xc: {  	s6 =	smax.u32 s29, $0x1;
	s13 =	sadd.s32 s13, s14;
	s14 =	simm.s32 $0x0  }
0xd: {  	s8 =	sadd.s32 s3, s4;
	s3 =	sadd.s32 $0xCA00, s4;
	s4 =	sadd.s32 $0xC600, s4  }
0xe: {  	s10 =	sshrl.u32 s10, $0x3;
	s5 =	sadd.s32 $0x2600, s8;
	s8 =	simm.s32 $0x2800  }
.LBB2_1:
0xf: {  	[tilespmem:s2], [sflag:$0x1] =	stream.linear.gather [hbm4b:s5+s2], $0x2800, $0x38;
	[tilespmem:$0x3F90] =	vst v63  }
0x10: {  	_ =	swait.ge [sflag:s7], $0x2800  }
0x11: {  	[sflag:s7] =	ssyncset.done $0x0  }
0x12: {  	[sflag:s7] =	ssyncadd.s32 $0xFFFFD800  }
0x13: {  	[tilespmem:s8], [sflag:$0x1] =	stream.linear.gather [hbm4b:s3+s2], $0x400, $0x38;
	[tilespmem:$0x3F90] =	vst v63  }
0x14: {  	_ =	swait.ge [sflag:s7], $0x400  }
0x15: {  	[sflag:s7] =	ssyncset.done $0x0  }
0x16: {  	[sflag:s7] =	ssyncadd.s32 $0xFFFFFC00  }
0x17: {  	[spmem:s10], [sflag:s9] =	dma.local [hbm:s4], $0x278  }
0x18: {  	_ =	swait.ge [sflag:s7], $0x278  }
0x19: {  	[sflag:s7] =	ssyncset.done $0x0  }
0x1a: {  	s15 =	simm.s32 @!p0 $0x1;
	[sflag:s7] =	ssyncadd.s32 $0xFFFFFD88  }
0x1b: {  	[spmem:s11], [sflag:s9] =	dma.local @!p0 [hbm:s4], $0x8  }
0x1c: {  	_ =	swait.ge @!p0 [sflag:s15], $0x8  }
0x1d: {  	[sflag:s15] =	ssyncset.done @!p0 $0x0  }
0x1e: {  	[sflag:s15] =	ssyncadd.s32 @!p0 $0xFFFFFFF8  }
0x1f: {  	s31 =	simm.s32 $0x0;
	[bflag:$0x0] =	sbarrier.arrive $0xFFFF  }
0x20: {  	[spmem:s1] =	stream.indirect.scatter.add.f32 [tilespmem:s8], [sflag:$0x1], $0x8, s31, s12, $0xb8;
	[tilespmem:$0x3F90] =	vst v63  }
0x21: {  	_ =	swait.ge [sflag:s7], $0x400  }
0x22: {  	s15 =	simm.s32 $0x200;
	[sflag:s7] =	ssyncset.done $0x0  }
.LBB2_2:
0x23: {  	s16 =	sshra.s32 s15, $0x2;
	[sflag:s7] =	ssyncadd.s32 $0xFFFFFC00;
	p1 =	sne.s32 s15, $0x9E00  }
0x24: {  	[spmem:s1] =	stream.indirect.scatter.add.f32 [tilespmem:s8], [sflag:$0x1], $0x8, s16, s12, $0xb8;
	[tilespmem:$0x3F90] =	vst v63  }
.Ltmp0:
0x25: {  	_ = 	snop;
	(pc) =	sbr.rel @p1 .LBB2_2-.Ltmp0, $4  }
0x26: {  	_ = 	snop  }
0x27: {  	s15 =	sadd.s32 $0x200, s15  }
0x28: {  	_ =	swait.ge [sflag:s7], $0x400  }
0x29: {  	[sflag:s7] =	ssyncset.done $0x0  }
0x2a: {  	s14 =	sadd.s32 $0x1, s14  }
0x2b: {  	[sflag:s7] =	ssyncadd.s32 $0xFFFFFC00;
	p1 =	sne.s32 s14, s6  }
.Ltmp1:
0x2c: {  	[bflag:$0x0] =	sbarrier.arrive $0xFFFF;
	(pc) =	sbr.rel @p1 .LBB2_1-.Ltmp1, $4  }
0x2d: {  	[hbm:s13], [sflag:s9] =	dma.local [spmem:s10], $0x278  }
0x2e: {  	_ =	swait.ge [sflag:s7], $0x278  }
0x2f: {  	[sflag:s7] =	ssyncset.done $0x0  }
0x30: {  	[sflag:s7] =	ssyncadd.s32 $0xFFFFFD88  }
0x31: {  	_ =	sfence.sel $0x180000  }
0x32: {  	[bflag:$0x0] =	sbarrier.arrive $0xFFFF  }
0x33: {  	_ =	strace $0x90000047  }
0x34: {  	s0 =	sadd.s32 @!p0 $0x100000, s0;
	[bflag:$0x2] =	sbarrier.arrive $0xFFFF  }
0x35: {  	[sflag:s0] =	ssyncadd.tile.s32 @!p0 $0x1;
	_ =	shalt  }
.Lfunc_end2:
_tile_overlayer_lowered:
.L_overlay_start_2:
0x36: {  	(tag) =	ssettag $0x2  }
0x37: {  	s0 =	rddreg [dreg:$0x0];
	s2 =	stileid.u32  }
0x38: {  	s1 =	rddreg [dreg:$0x1];
	p0 =	sne.s32 s2, $0x0  }
0x39: {  	s3 =	rddreg [dreg:$0x2];
	[bflag:$0x3] =	sbarrier.arrive $0xFFFF;
	s2 =	simm.s32 @!p0 $0x1C01  }
0x3a: {  	[timem:s3], [sflag:s2] =	dma.local @!p0 [hbm:s0], s1  }
0x3b: {  	s0 =	simm.s32 @!p0 $0x1  }
0x3c: {  	_ =	swait.ge @!p0 [sflag:s0], s1  }
0x3d: {  	s1 =	ssub.s32 @!p0 $0x0, s1;
	[sflag:s0] =	ssyncset.done @!p0 $0x0  }
0x3e: {  	[sflag:s0] =	ssyncadd.s32 @!p0 s1  }
0x3f: {  	[bflag:$0x3] =	sbarrier.arrive $0xFFFF  }
0x40: {  	_ =	shalt  }

// kernel: kernel.13.cloned.1.call-start
scs
__scs_entry_jumppad:
0x0: {  	(pc) =	sbr.rel $0x88, $3  }
0x1: {  	(tag) =	ssettag $0x0;
	lr =	simm.s32 $0x1  }
0x2: {  	[smem:$0x3F99] =	sst lr;
	_ =	strace $0xD0000000  }
0x3: {  	_ = 	snop  }
0x4: {  	_ = 	snop  }
0x5: {  	_ = 	snop  }
0x6: {  	_ = 	snop  }
0x7: {  	_ = 	snop  }
__scs_overlays_trampoline_lowered:
0x8: {  	[smem:$0x3FA8] =	sst s0  }
0x9: {  	[smem:$0x3FA9] =	sst s1  }
0xa: {  	[smem:$0x3FAA] =	sst s2  }
0xb: {  	[smem:$0x3FAB] =	sst s3  }
0xc: {  	[smem:$0x3FAC] =	sst s4  }
0xd: {  	[smem:$0x3FAD] =	sst s5  }
0xe: {  	[smem:$0x3FAE] =	sst s6  }
0xf: {  	[smem:$0x3FAF] =	sst s7  }
0x10: {  	[smem:$0x3FB0] =	sst s8  }
0x11: {  	[smem:$0x3FB1] =	sst s9;
	s0 =	simm.s32 @!p0 $0x0  }
0x12: {  	s1 =	sld [smem:$0x3F97];
	s0 =	simm.s32 @p0 $0x1  }
0x13: {  	[smem:$0x3FB2] =	sst s0;
	s0 =	simm.s32 @!p1 $0x0  }
0x14: {  	s2 =	sld [smem:$0x3F96];
	s0 =	simm.s32 @p1 $0x1  }
0x15: {  	[smem:$0x3FB3] =	sst s0;
	s0 =	simm.s32 @!p2 $0x0  }
0x16: {  	s3 =	sld [smem:$0x3FDB];
	s0 =	simm.s32 @p2 $0x1  }
0x17: {  	s4 =	simm.s32 $0x1BF5;
	[smem:$0x3FB5] =	sst s0  }
0x18: {  	s0 =	sld [smem:$0x3F98];
	_ =	swait.ge [sflag:s4], $0x0  }
0x19: {  	s7 =	sld [smem:$0x3F99]  }
0x1a: {  	s8 =	sadd.s32 $0xFFFFE003, lr  }
0x1b: {  	s9 =	sadd.s32 $0xFFFFFEF7, lr;
	s5 =	simm.s32 $0xFFFFFFFF;
	p2 =	slt.u32 s8, $0xFFFFF086  }
0x1c: {  	p1 =	slt.u32 s9, $0xF7A;
	s5 =	simm.s32 @!p2 $0x0  }
0x1d: {  	s5 =	simm.s32 @p1 $0x1;
	p0 =	seq.s32 s7, s2  }
0x1e: {  	s7 =	smul.u32 @!p0 $0xF7A, s2;
	p2 =	seq.s32 @!p0 s5, $0x0  }
0x1f: {  	s9 =	smul.u32 $0xF7A, s1;
	s8 =	simm.s32 @!p0 $0x1BF5;
	p2 =	por !p2, p0  }
0x20: {  	[sflag:s8] =	ssyncset.s32 @!p0 $0xFFFFF086;
	s6 =	sadd.s32 @!p0 s3, s7;
	s7 =	simm.s32 @!p0 $0x108  }
0x21: {  	s3 =	sadd.s32 s3, s9;
	s6 =	sadd.s32 @!p0 $0x88, s6;
	s7 =	simm.s32 @p2 $0x1082  }
0x22: {  	[simem:s7], [sflag:s8] =	dma.local @!p0 [hbm:s6], $0xF7A  }
0x23: {  	s9 =	sor.u32 $0xD0000000, s2;
	s6 =	simm.s32 $0x108;
	_ =	swait.ge @!p0 [sflag:s8], $0x0  }
0x24: {  	s3 =	sadd.s32 $0x88, s3;
	s6 =	simm.s32 @!p1 $0x1082;
	[sflag:s4] =	ssyncset.s32 $0xFFFFF086  }
0x25: {  	[simem:s6], [sflag:s4] =	dma.local [hbm:s3], $0xF7A  }
0x26: {  	[smem:$0x3F99] =	sst s1;
	(tag) =	ssettag s2;
	_ =	strace s9  }
0x27: {  	s1 =	sld [smem:$0x3FA9]  }
0x28: {  	s2 =	sld [smem:$0x3FAA]  }
0x29: {  	s4 =	sld [smem:$0x3FAC]  }
0x2a: {  	p0 =	seq.s32 s5, $0x0;
	s5 =	sld [smem:$0x3FAD]  }
0x2b: {  	s6 =	sld [smem:$0x3FAE]  }
0x2c: {  	s7 =	sld [smem:$0x3FAF]  }
0x2d: {  	s3 =	simm.s32 $0x108;
	s8 =	sld [smem:$0x3FB0]  }
0x2e: {  	s3 =	simm.s32 @!p0 $0x1082;
	s9 =	sld [smem:$0x3FB1]  }
0x2f: {  	lr =	sadd.s32 s0, s3;
	s0 =	sld [smem:$0x3FA8]  }
0x30: {  	s3 =	sld [smem:$0x3FAB]  }
0x31: {  	[smem:$0x3FB4] =	sst s10  }
0x32: {  	s10 =	sld [smem:$0x3FB2];
	_ =	sdelay $0x3  }
0x33: {  	p0 =	seq.s32 s10, $0x1;
	s10 =	sld [smem:$0x3FB4];
	_ =	sdelay $0x3  }
0x34: {  	[smem:$0x3FB4] =	sst s10  }
0x35: {  	s10 =	sld [smem:$0x3FB3];
	_ =	sdelay $0x3  }
0x36: {  	p1 =	seq.s32 s10, $0x1;
	s10 =	sld [smem:$0x3FB4];
	_ =	sdelay $0x3  }
0x37: {  	[smem:$0x3FB4] =	sst s10  }
0x38: {  	s10 =	sld [smem:$0x3FB5]  }
0x39: {  	_ = 	snop;
	(pc) =	sbr.ind lr, $3  }
0x3a: {  	_ = 	snop  }
0x3b: {  	_ = 	snop  }
0x3c: {  	p2 =	seq.s32 s10, $0x1;
	s10 =	sld [smem:$0x3FB4]  }
0x3d: {  	_ =	shalt  }
0x3e: {  	_ =	shalt  }
0x3f: {  	_ =	shalt  }
0x40: {  	_ =	shalt  }
0x41: {  	_ =	shalt  }
0x42: {  	_ =	shalt  }
0x43: {  	_ =	shalt  }
0x44: {  	_ =	shalt  }
0x45: {  	_ =	shalt  }
0x46: {  	_ =	shalt  }
0x47: {  	_ =	shalt  }
0x48: {  	_ =	shalt  }
0x49: {  	_ =	shalt  }
0x4a: {  	_ =	shalt  }
0x4b: {  	_ =	shalt  }
0x4c: {  	_ =	shalt  }
0x4d: {  	_ =	shalt  }
0x4e: {  	_ =	shalt  }
0x4f: {  	_ =	shalt  }
0x50: {  	_ =	shalt  }
0x51: {  	_ =	shalt  }
0x52: {  	_ =	shalt  }
0x53: {  	_ =	shalt  }
0x54: {  	_ =	shalt  }
0x55: {  	_ =	shalt  }
0x56: {  	_ =	shalt  }
0x57: {  	_ =	shalt  }
0x58: {  	_ =	shalt  }
0x59: {  	_ =	shalt  }
0x5a: {  	_ =	shalt  }
0x5b: {  	_ =	shalt  }
0x5c: {  	_ =	shalt  }
0x5d: {  	_ =	shalt  }
0x5e: {  	_ =	shalt  }
0x5f: {  	_ =	shalt  }
0x60: {  	_ =	shalt  }
0x61: {  	_ =	shalt  }
0x62: {  	_ =	shalt  }
0x63: {  	_ =	shalt  }
0x64: {  	_ =	shalt  }
0x65: {  	_ =	shalt  }
0x66: {  	_ =	shalt  }
0x67: {  	_ =	shalt  }
0x68: {  	_ =	shalt  }
0x69: {  	_ =	shalt  }
0x6a: {  	_ =	shalt  }
0x6b: {  	_ =	shalt  }
0x6c: {  	_ =	shalt  }
0x6d: {  	_ =	shalt  }
0x6e: {  	_ =	shalt  }
0x6f: {  	_ =	shalt  }
0x70: {  	_ =	shalt  }
0x71: {  	_ =	shalt  }
0x72: {  	_ =	shalt  }
0x73: {  	_ =	shalt  }
0x74: {  	_ =	shalt  }
0x75: {  	_ =	shalt  }
0x76: {  	_ =	shalt  }
0x77: {  	_ =	shalt  }
0x78: {  	_ =	shalt  }
0x79: {  	_ =	shalt  }
0x7a: {  	_ =	shalt  }
0x7b: {  	_ =	shalt  }
0x7c: {  	_ =	shalt  }
0x7d: {  	_ =	shalt  }
0x7e: {  	_ =	shalt  }
0x7f: {  	_ =	shalt  }
0x80: {  	_ =	shalt  }
0x81: {  	_ =	shalt  }
0x82: {  	_ =	shalt  }
0x83: {  	_ =	shalt  }
0x84: {  	_ =	shalt  }
0x85: {  	_ =	shalt  }
0x86: {  	_ =	shalt  }
0x87: {  	_ =	shalt  }
.Lfunc_end0:
.L_simem_size_0:
called_computation.1_lowered:
.L_overlay_start_0:
0x88: {  	s2 =	sld [smem:$0x3FD9]  }
0x89: {  	s3 =	sld [smem:$0x3FFE];
	_ =	sdelay $0x1  }
0x8a: {  	s1 =	srdreg.scid  }
0x8b: {  	s0 =	sand.u32 $0x1, s1  }
0x8c: {  	s16 =	sshll.u32 s0, $0xA;
	s2 =	sadd.s32 s3, s2  }
0x8d: {  	s2 =	sadd.s32 s2, s16  }
0x8e: {  	[smem:$0x3FC0] =	sst s2  }
0x8f: {  	_ = 	snop  }
0x90: {  	(tm) =	ssettm $0x1  }
0x91: {  	s17 =	sld [smem:$0x3FFB];
	_ =	sdelay $0x3  }
0x92: {  	_ =	strace s17  }
0x93: {  	s2 =	sld [smem:$0x3FFC];
	_ =	sdelay $0x3  }
0x94: {  	_ =	strace s2  }
0x95: {  	s2 =	sld [smem:$0x3FFD];
	_ =	sdelay $0x3  }
0x96: {  	_ =	strace s2  }
0x97: {  	_ =	strace $0x8FFFFFFF  }
0x98: {  	s18 =	sld [smem:$0x3FDB];
	_ =	sdelay $0x1  }
0x99: {  	s19 =	simm.s32 $_scs_section_size  }
0x9a: {  	s4 =	simm.s32 $_size__tile_overlayer_lowered;
	s5 =	simm.s32 $_tile_overlayer_lowered  }
0x9b: {  	s22 =	simm.s32 $0x1BFF;
	s21 =	sshll.u32 s5, $0x1;
	s2 =	sadd.s32 s19, s18  }
0x9c: {  	s6 =	simm.s32 $0x0;
	s20 =	sshll.u32 s4, $0x1;
	s4 =	sadd.s32 s21, s2  }
0x9d: {  	[timem:s6], [sflag:s22] =	dma.local [hbm:s4], s20  }
0x9e: {  	_ =	swait.ge [sflag:s22], s20  }
0x9f: {  	s3 =	ssub.s32 $0x0, s20;
	[sflag:s22] =	ssyncset.done $0x0  }
0xa0: {  	[sflag:s22] =	ssyncadd.s32 s3;
	_ =	sdelay $0x1  }
0xa1: {  	s23 =	simm.s32 $0x1B8B  }
0xa2: {  	_ =	swait.ge [sflag:s23], $0x1  }
0xa3: {  	[sflag:s23] =	ssyncset.done $0x0  }
0xa4: {  	s25 =	simm.s32 $0x1B8E;
	s24 =	sld [smem:$0x3FFE];
	[sflag:s23] =	ssyncadd.s32 $0xFFFFFFFF  }
0xa5: {  	s26 =	simm.s32 $execute0_lowered;
	[smem:$0x3FD2] =	sst s25  }
0xa6: {  	s4 =	sshll.u32 s26, $0x1;
	_ =	strace $0x80000049;
	[dreg:$0x1] =	wrdreg $0xFFFFFFFF  }
0xa7: {  	s28 =	simm.s32 $_size_execute0_lowered;
	s2 =	sadd.s32 s2, s4;
	[dreg:$0x0] =	wrdreg $0x0  }
0xa8: {  	s4 =	sshll.u32 s28, $0x1;
	[dreg:$0x2] =	wrdreg s2  }
0xa9: {  	[dreg:$0x3] =	wrdreg s4  }
0xaa: {  	[dreg:$0x4] =	wrdreg $0xC0  }
0xab: {  	_ =	task [dreg:s6], $0x5FFFF  }
0xac: {  	[dreg:$0x1] =	wrdreg $0xFFFFFFFF  }
0xad: {  	[dreg:$0x0] =	wrdreg $0x60  }
0xae: {  	[dreg:$0x2] =	wrdreg s24  }
0xaf: {  	[dreg:$0x3] =	wrdreg $0x1AC600  }
0xb0: {  	[dreg:$0x4] =	wrdreg $0x110000  }
0xb1: {  	[dreg:$0x5] =	wrdreg $0x15E300  }
0xb2: {  	[dreg:$0x6] =	wrdreg $0x9  }
0xb3: {  	_ =	task.clear_ibuf [dreg:s6], $0x7FFFF;
	_ =	strace $0x90000049  }
0xb4: {  	s29 =	simm.s32 $0x9;
	_ =	strace $0x8000004B  }
0xb5: {  	_ =	swait.ge [sflag:s29], $0x1  }
0xb6: {  	[sflag:s29] =	ssyncadd.s32 $0xFFFFFFFF  }
0xb7: {  	_ =	strace $0x9000004B  }
0xb8: {  	_ =	sfence  }
0xb9: {  	s30 =	sld [smem:$0x0];
	_ =	sdelay $0x2  }
0xba: {  	s31 =	sshll.u32 s1, $0xD;
	s1 =	sshrl.u32 s1, $0x2  }
0xbb: {  	s3 =	sand.u32 $0x4000, s31;
	s1 =	sadd.s32 s1, s30  }
0xbc: {  	s0 =	sor.u32 s3, s0;
	s1 =	sshll.u32 s1, $0x11  }
0xbd: {  	s0 =	sor.u32 s1, s0  }
0xbe: {  	s0 =	sadd.s32 $0x8F2B, s0  }
0xbf: {  	[sflag:s0] =	ssyncadd.remote.s32 $0x1  }
0xc0: {  	_ =	sfence.sel $0xFFFF  }
0xc1: {  	[dreg:$0x0] =	wrdreg $0xFFFFFFFF;
	(pc) =	sbr.abs _section_cstart, $3  }
0xc2: {  	[dreg:$0x1] =	wrdreg $0xFFFFFFFF  }
0xc3: {  	_ =	task.clear_ibuf [dreg:s6], $0x2FFFF;
	_ =	strace $0x9FFFFFFF  }
0xc4: {  	(tm) =	ssettm $0x7FFFFFFF  }
0xc5: {  	_ =	shalt  }
tec
execute0_lowered:
.L_overlay_start_1:
0x0: {  	(tag) =	ssettag $0x1  }
0x1: {  	s2 =	rddreg [dreg:$0x0]  }
0x2: {  	s0 =	rddreg [dreg:$0x1]  }
0x3: {  	s1 =	rddreg [dreg:$0x2];
	s7 =	stileid.u32  }
0x4: {  	s4 =	srdreg.scid;
	s3 =	rddreg [dreg:$0x3]  }
0x5: {  	s19 =	simm.s32 $0x80;
	s29 =	simm.s32 $0x15;
	s31 =	simm.s32 $0x10  }
0x6: {  	s5 =	smul.u32 $0x278, s7;
	s6 =	sand.u32 $0x1, s4;
	s4 =	simm.s32 $0x0  }
0x7: {  	p0 =	sne.s32 s7, $0x0;
	s8 =	sshll.u32 s6, $0x4;
	[smem:$0x7FF] =	sst s4  }
0x8: {  	s12 =	smul.u32 $0x9C40, s6;
	s13 =	ssub.s32 $0x2, s6;
	s6 =	sadd.s32 $0x2A800, s2  }
0x9: {  	s9 =	smin.u32 s5, $0x2498;
	s21 =	sor.u32 s7, s8;
	_ =	strace $0x8000004A  }
0xa: {  	s5 =	sadd.s32 $0x16C00, s2;
	s23 =	sshrl.u32 s13, $0x1;
	s7 =	sshll.u32 s7, $0x6  }
0xb: {  	s8 =	simm.s32 $0x17;
	s22 =	sshll.u32 s9, $0x2;
	s10 =	smul.u32 $0x500, s21  }
0xc: {  	s9 =	sshll.u32 s9, $0x5;
	s14 =	sor.u32 $0x1C19, s7;
	s11 =	sadd.s32 s22, s2  }
0xd: {  	s25 =	sadd.s32 s9, s0;
	s26 =	sadd.s32 s9, s1;
	s9 =	sadd.s32 s9, s3  }
0xe: {  	s10 =	sadd.s32 s10, s2;
	s2 =	sadd.s32 s12, s2;
	s12 =	ssub.s32 s13, s23  }
0xf: {  	s11 =	sadd.s32 $0x20A00, s11;
	[dreg:$0x8] =	wrdreg s9;
	s9 =	sadd.s32 $0x4E200, s1  }
0x10: {  	s13 =	sadd.s32 $0x4E200, s3;
	s28 =	sshrl.u32 s25, $0x3;
	[dreg:$0x7] =	wrdreg s11  }
0x11: {  	s16 =	sshrl.u32 s26, $0x3;
	s24 =	sadd.s32 $0xCC00, s10;
	[dreg:$0xa] =	wrdreg s28  }
0x12: {  	s10 =	sadd.s32 $0x2600, s10;
	s15 =	sadd.s32 $0x3EC00, s2;
	[dreg:$0x5] =	wrdreg s24  }
0x13: {  	s2 =	sadd.s32 $0x2B200, s2;
	s12 =	smax.u32 s12, $0x1;
	[dreg:$0x6] =	wrdreg s10  }
0x14: {  	s7 =	sshrl.u32 @!p0 s9, $0x3;
	s9 =	simm.s32 $0x12;
	[dreg:$0x9] =	wrdreg s12  }
0x15: {  	s11 =	simm.s32 $0x0;
	[dreg:$0xb] =	wrdreg s7;
	s7 =	sshrl.u32 @!p0 s13, $0x3  }
0x16: {  	s12 =	simm.s32 $0x19;
	s30 =	sadd.s32 s22, s15;
	[dreg:$0xc] =	wrdreg s7  }
0x17: {  	s2 =	sadd.s32 s22, s2;
	s10 =	simm.s32 $0x18;
	[dreg:$0xd] =	wrdreg s30  }
0x18: {  	[dreg:$0xe] =	wrdreg s2;
	s2 =	simm.s32 $0x16;
	s7 =	simm.s32 $0x11  }
.LBB2_1:
0x19: {  	s13 =	rddreg [dreg:$0x5]  }
0x1a: {  	[tilespmem:s4], [sflag:$0x19] =	stream.linear.gather [hbm4b:s13+s4], $0x2800, $0x38;
	[tilespmem:$0x1FA80] =	vst v63  }
0x1b: {  	_ =	swait.ge [sflag:s12], $0x2800  }
0x1c: {  	[sflag:s12] =	ssyncset.done $0x0  }
0x1d: {  	s25 =	simm.s32 $0x2800;
	s20 =	rddreg [dreg:$0x6];
	[sflag:s12] =	ssyncadd.s32 $0xFFFFD800  }
0x1e: {  	[tilespmem:s25], [sflag:$0x19] =	stream.linear.gather [hbm4b:s20+s4], $0x2800, $0x38;
	[tilespmem:$0x1FA80] =	vst v63  }
0x1f: {  	_ =	swait.ge [sflag:s12], $0x2800  }
0x20: {  	[sflag:s12] =	ssyncset.done $0x0;
	s21 =	rddreg [dreg:$0x7]  }
0x21: {  	s15 =	rddreg [dreg:$0xa];
	[sflag:s12] =	ssyncadd.s32 $0xFFFFD800  }
0x22: {  	[spmem:s15], [sflag:s14] =	dma.local [hbm:s21], $0x9E0  }
0x23: {  	_ =	swait.ge [sflag:s12], $0x9E0  }
0x24: {  	[sflag:s12] =	ssyncset.done $0x0  }
0x25: {  	[sflag:s12] =	ssyncadd.s32 $0xFFFFF620  }
0x26: {  	[spmem:s16], [sflag:s14] =	dma.local [hbm:s6], $0x9E0  }
0x27: {  	_ =	swait.ge [sflag:s12], $0x9E0  }
0x28: {  	[sflag:s12] =	ssyncset.done $0x0;
	s22 =	rddreg [dreg:$0x8]  }
0x29: {  	[sflag:s12] =	ssyncadd.s32 $0xFFFFF620;
	s15 =	sshrl.u32 s22, $0x3  }
0x2a: {  	[spmem:s15], [sflag:s14] =	dma.local [hbm:s6], $0x9E0  }
0x2b: {  	_ =	swait.ge [sflag:s12], $0x9E0  }
0x2c: {  	[sflag:s12] =	ssyncset.done $0x0  }
0x2d: {  	s13 =	rddreg [dreg:$0xb];
	[sflag:s12] =	ssyncadd.s32 $0xFFFFF620  }
0x2e: {  	[spmem:s13], [sflag:s14] =	dma.local @!p0 [hbm:s6], $0x20  }
0x2f: {  	s13 =	simm.s32 @!p0 $0x19  }
0x30: {  	_ =	swait.ge @!p0 [sflag:s13], $0x20  }
0x31: {  	[sflag:s13] =	ssyncset.done @!p0 $0x0  }
0x32: {  	s17 =	rddreg [dreg:$0xc];
	[sflag:s13] =	ssyncadd.s32 @!p0 $0xFFFFFFE0  }
0x33: {  	[spmem:s17], [sflag:s14] =	dma.local @!p0 [hbm:s6], $0x20  }
0x34: {  	_ =	swait.ge @!p0 [sflag:s13], $0x20  }
0x35: {  	[sflag:s13] =	ssyncset.done @!p0 $0x0  }
0x36: {  	s23 =	simm.s32 $0x5000;
	s24 =	simm.s32 $0xB000;
	[sflag:s13] =	ssyncadd.s32 @!p0 $0xFFFFFFE0  }
0x37: {  	p1 =	por $0x0, $0x0;
	s22 =	smul.u32 $0xAB, s4;
	[bflag:$0x0] =	sbarrier.arrive $0xFFFF  }
0x38: {  	[tilespmem:s23], [sflag:$0x1] =	stream.indirect.gather [spmem:s0], $0x20, s4, s19, $0xb8;
	[tilespmem:$0x1FA80] =	vst v63  }
0x39: {  	s26 =	simm.s32 $0x6000;
	p2 =	por @!p1 $0x1, $0x1;
	s13 =	sshrl.u32 s22, $0xA  }
0x3a: {  	[tilespmem:s24], [sflag:$0x7] =	stream.indirect.gather [hbm4b:s5+s19], $0x20, s4, s19, $0xb8;
	[tilespmem:$0x1FA80] =	vst v63  }
0x3b: {  	s18 =	simm.s32 $0x100;
	p2 =	por p2, p1;
	s13 =	sand.u32 $0x3F, s13  }
0x3c: {  	[tilespmem:s26], [sflag:$0x2] =	stream.indirect.gather [spmem:s0], $0x20, s19, s19, $0xb8;
	[tilespmem:$0x1FA80] =	vst v63  }
0x3d: {  	s20 =	simm.s32 $0x7000;
	s17 =	simm.s32 $0xC000;
	s13 =	smul.u32 $0x6, s13  }
0x3e: {  	[tilespmem:s17], [sflag:$0x8] =	stream.indirect.gather [hbm4b:s5+s19], $0x20, s19, s19, $0xb8;
	[tilespmem:$0x1FA80] =	vst v63  }
0x3f: {  	s21 =	simm.s32 $0xD000;
	s23 =	simm.s32 $0x180;
	s13 =	ssub.s32 $0x0, s13  }
0x40: {  	[tilespmem:s20], [sflag:$0x3] =	stream.indirect.gather [spmem:s0], $0x20, s18, s19, $0xb8;
	[tilespmem:$0x1FA80] =	vst v63  }
0x41: {  	s24 =	simm.s32 $0xE000;
	s13 =	sand.u32 $0xFF, s13;
	s17 =	simm.s32 $0x4  }
0x42: {  	[tilespmem:s21], [sflag:$0x9] =	stream.indirect.gather [hbm4b:s5+s19], $0x20, s18, s19, $0xb8;
	[tilespmem:$0x1FA80] =	vst v63  }
0x43: {  	s26 =	sadd.s32 $0x1, s13;
	s17 =	smul.u32 @!p1 $0xAB, s17;
	s18 =	simm.s32 $0x8000  }
0x44: {  	[tilespmem:s18], [sflag:$0x4] =	stream.indirect.gather [spmem:s0], $0x20, s23, s19, $0xb8;
	[tilespmem:$0x1FA80] =	vst v63  }
0x45: {  	s22 =	sadd.s32 $0xD, s13;
	s20 =	sshll.u32 s13, $0xC;
	s17 =	sshrl.u32 @!p1 s17, $0xA  }
0x46: {  	[tilespmem:s24], [sflag:$0xA] =	stream.indirect.gather [hbm4b:s5+s19], $0x20, s23, s19, $0xb8;
	[tilespmem:$0x1FA80] =	vst v63  }
0x47: {  	s17 =	sand.u32 @!p1 $0x3F, s17;
	s21 =	sadd.s32 $0x5000, s20;
	_ =	swait.ge [sflag:s26], $0x1000  }
0x48: {  	s20 =	sadd.s32 $0xB000, s20;
	s17 =	smul.u32 @!p1 $0x6, s17;
	[sflag:s26] =	ssyncset.done $0x0  }
0x49: {  	s18 =	sadd.s32 $0x7, s13;
	s13 =	sadd.s32 $0x13, s13;
	[sflag:s26] =	ssyncadd.s32 $0xFFFFF000  }
0x4a: {  	[spmem:s1] =	stream.indirect.scatter.add.f32 [tilespmem:s21], [sflag:s22], $0x20, s25, s19, $0xb8;
	[tilespmem:$0x1FA80] =	vst v63  }
0x4b: {  	s17 =	ssub.s32 @!p1 $0x4, s17;
	s24 =	simm.s32 $0x200;
	_ =	swait.ge [sflag:s18], $0x1000  }
0x4c: {  	s23 =	simm.s32 $0x2;
	s21 =	sand.u32 @!p1 $0xFF, s17;
	[sflag:s18] =	ssyncset.done $0x0  }
0x4d: {  	s26 =	simm.s32 $0x1;
	s22 =	sadd.s32 @!p2 $0xD, s21;
	[sflag:s18] =	ssyncadd.s32 $0xFFFFF000  }
0x4e: {  	[spmem:s3] =	stream.indirect.scatter.add.f32 [tilespmem:s20], [sflag:s13], $0x20, s25, s19, $0xb8;
	[tilespmem:$0x1FA80] =	vst v63  }
0x4f: {  	s17 =	simm.s32 $0x280;
	s30 =	sshll.u32 @!p1 s21, $0xC;
	_ =	swait.ge @!p2 [sflag:s22], $0x1000  }
0x50: {  	s28 =	sadd.s32 @!p1 $0x5000, s30;
	s25 =	smul.u32 $0xAB, s26;
	[sflag:s22] =	ssyncset.done @!p2 $0x0  }
0x51: {  	s18 =	simm.s32 $0x2880;
	s20 =	sadd.s32 @!p2 $0x13, s21;
	[sflag:s22] =	ssyncadd.s32 @!p2 $0xFFFFF000  }
0x52: {  	s13 =	simm.s32 @!p1 $0x80;
	s25 =	sshrl.u32 s25, $0xA;
	_ =	swait.ge @!p2 [sflag:s20], $0x1000  }
0x53: {  	s22 =	sadd.s32 @!p1 $0x1, s21;
	s21 =	sadd.s32 @!p1 $0x7, s21;
	[sflag:s20] =	ssyncset.done @!p2 $0x0  }
.LBB2_2:
0x54: {  	s25 =	sand.u32 $0x3F, s25;
	[sflag:s20] =	ssyncadd.s32 @!p2 $0xFFFFF000;
	s20 =	sadd.s32 @!p1 $0xB000, s30  }
0x55: {  	[tilespmem:s28], [sflag:s22] =	stream.indirect.gather @!p1 [spmem:s0], $0x20, s24, s13, $0xb8;
	[tilespmem:$0x1FA80] =	vst v63  }
0x56: {  	s22 =	smul.u32 $0x6, s25;
	s25 =	smov.u32 s23;
	s23 =	sadd.s32 $0x1, s23  }
0x57: {  	[tilespmem:s20], [sflag:s21] =	stream.indirect.gather @!p1 [hbm4b:s5+s13], $0x20, s24, s13, $0xb8;
	[tilespmem:$0x1FA80] =	vst v63  }
0x58: {  	s13 =	ssub.s32 s26, s22;
	s20 =	sadd.s32 $0x4, s26;
	p1 =	sgt.u32 s26, $0x4B  }
0x59: {  	s13 =	sand.u32 $0xFF, s13;
	s21 =	smul.u32 @!p1 $0xAB, s20;
	p2 =	slt.u32 @!p1 s26, $0x2  }
0x5a: {  	p3 =	sne.s32 s23, $0x50;
	s22 =	sshll.u32 s13, $0xC;
	s28 =	sadd.s32 $0x1, s13  }
0x5b: {  	s26 =	smov.u32 s25;
	s21 =	sshrl.u32 @!p1 s21, $0xA;
	_ =	swait.ge [sflag:s28], $0x1000  }
0x5c: {  	s24 =	smov.u32 s17;
	s21 =	sand.u32 @!p1 $0x3F, s21;
	[sflag:s28] =	ssyncset.done $0x0  }
0x5d: {  	s25 =	sadd.s32 $0x7, s13;
	[sflag:s28] =	ssyncadd.s32 $0xFFFFF000  }
0x5e: {  	s30 =	sadd.s32 $0xD, s13;
	s21 =	smul.u32 @!p1 $0x6, s21;
	s28 =	sadd.s32 $0x5000, s22  }
0x5f: {  	[spmem:s1] =	stream.indirect.scatter.add.f32 [tilespmem:s28], [sflag:s30], $0x20, s18, s19, $0xb8;
	[tilespmem:$0x1FA80] =	vst v63  }
0x60: {  	s20 =	ssub.s32 @!p1 s20, s21;
	_ =	swait.ge [sflag:s25], $0x1000  }
0x61: {  	s13 =	sadd.s32 $0x13, s13;
	p2 =	por p2, p1;
	[sflag:s25] =	ssyncset.done $0x0  }
0x62: {  	s21 =	sadd.s32 $0xB000, s22;
	[sflag:s25] =	ssyncadd.s32 $0xFFFFF000;
	s25 =	sand.u32 @!p1 $0xFF, s20  }
0x63: {  	s22 =	sadd.s32 @!p2 $0xD, s25;
	s30 =	sshll.u32 @!p1 s25, $0xC  }
0x64: {  	[spmem:s3] =	stream.indirect.scatter.add.f32 [tilespmem:s21], [sflag:s13], $0x20, s18, s19, $0xb8;
	[tilespmem:$0x1FA80] =	vst v63  }
.Ltmp0:
0x65: {  	s18 =	sadd.s32 $0x80, s18;
	_ =	swait.ge @!p2 [sflag:s22], $0x1000;
	(pc) =	sbr.rel @p3 .LBB2_2-.Ltmp0, $4  }
0x66: {  	s17 =	sadd.s32 $0x80, s17;
	s20 =	sadd.s32 @!p2 $0x13, s25;
	[sflag:s22] =	ssyncset.done @!p2 $0x0  }
0x67: {  	s28 =	smul.u32 $0xAB, s26;
	s13 =	simm.s32 @!p1 $0x80;
	[sflag:s22] =	ssyncadd.s32 @!p2 $0xFFFFF000  }
0x68: {  	s21 =	sadd.s32 @!p1 $0x7, s25;
	s22 =	sadd.s32 @!p1 $0x1, s25;
	_ =	swait.ge @!p2 [sflag:s20], $0x1000  }
0x69: {  	s25 =	sshrl.u32 s28, $0xA;
	s28 =	sadd.s32 @!p1 $0x5000, s30;
	[sflag:s20] =	ssyncset.done @!p2 $0x0  }
0x6a: {  	[sflag:s20] =	ssyncadd.s32 @!p2 $0xFFFFF000;
	s25 =	sand.u32 $0x3F, s25  }
0x6b: {  	[tilespmem:s28], [sflag:s22] =	stream.indirect.gather @!p1 [spmem:s0], $0x20, s24, s13, $0xb8;
	[tilespmem:$0x1FA80] =	vst v63  }
0x6c: {  	s22 =	sadd.s32 @!p1 $0xB000, s30;
	s20 =	smul.u32 $0x6, s25  }
0x6d: {  	[tilespmem:s22], [sflag:s21] =	stream.indirect.gather @!p1 [hbm4b:s5+s13], $0x20, s24, s13, $0xb8;
	[tilespmem:$0x1FA80] =	vst v63  }
0x6e: {  	s28 =	ssub.s32 s26, s20;
	s21 =	sadd.s32 $0x4, s26;
	p1 =	sgt.u32 s26, $0x4B  }
0x6f: {  	s13 =	sand.u32 $0xFF, s28;
	s22 =	smul.u32 @!p1 $0xAB, s21  }
0x70: {  	p2 =	slt.u32 @!p1 s26, $0x2;
	s30 =	sadd.s32 $0x1, s13;
	s23 =	sshll.u32 s13, $0xC  }
0x71: {  	s25 =	sadd.s32 $0xD, s13;
	_ =	swait.ge [sflag:s30], $0x1000;
	s20 =	sshrl.u32 @!p1 s22, $0xA  }
0x72: {  	s28 =	sadd.s32 $0x7, s13;
	[sflag:s30] =	ssyncset.done $0x0;
	s20 =	sand.u32 @!p1 $0x3F, s20  }
0x73: {  	s24 =	sadd.s32 $0x5000, s23;
	[sflag:s30] =	ssyncadd.s32 $0xFFFFF000;
	s20 =	smul.u32 @!p1 $0x6, s20  }
0x74: {  	[spmem:s1] =	stream.indirect.scatter.add.f32 [tilespmem:s24], [sflag:s25], $0x20, s18, s19, $0xb8;
	[tilespmem:$0x1FA80] =	vst v63  }
0x75: {  	s13 =	sadd.s32 $0x13, s13;
	_ =	swait.ge [sflag:s28], $0x1000;
	s20 =	ssub.s32 @!p1 s21, s20  }
0x76: {  	p2 =	por p2, p1;
	[sflag:s28] =	ssyncset.done $0x0;
	s20 =	sand.u32 @!p1 $0xFF, s20  }
0x77: {  	s30 =	sadd.s32 $0xB000, s23;
	[sflag:s28] =	ssyncadd.s32 $0xFFFFF000;
	s22 =	sadd.s32 @!p2 $0xD, s20  }
0x78: {  	[spmem:s3] =	stream.indirect.scatter.add.f32 [tilespmem:s30], [sflag:s13], $0x20, s18, s19, $0xb8;
	[tilespmem:$0x1FA80] =	vst v63  }
0x79: {  	_ =	swait.ge @!p2 [sflag:s22], $0x1000  }
0x7a: {  	[sflag:s22] =	ssyncset.done @!p2 $0x0  }
0x7b: {  	s13 =	sadd.s32 @!p2 $0x13, s20;
	[sflag:s22] =	ssyncadd.s32 @!p2 $0xFFFFF000  }
0x7c: {  	_ =	swait.ge @!p2 [sflag:s13], $0x1000  }
0x7d: {  	s21 =	simm.s32 @!p1 $0x80;
	s18 =	sshll.u32 @!p1 s20, $0xC;
	[sflag:s13] =	ssyncset.done @!p2 $0x0  }
0x7e: {  	s22 =	sadd.s32 @!p1 $0x1, s20;
	[sflag:s13] =	ssyncadd.s32 @!p2 $0xFFFFF000;
	s13 =	sadd.s32 @!p1 $0x5000, s18  }
0x7f: {  	[tilespmem:s13], [sflag:s22] =	stream.indirect.gather @!p1 [spmem:s0], $0x20, s17, s21, $0xb8;
	[tilespmem:$0x1FA80] =	vst v63  }
0x80: {  	s18 =	sadd.s32 @!p1 $0xB000, s18;
	s13 =	sadd.s32 @!p1 $0x7, s20  }
0x81: {  	[tilespmem:s18], [sflag:s13] =	stream.indirect.gather @!p1 [hbm4b:s5+s21], $0x20, s17, s21, $0xb8;
	[tilespmem:$0x1FA80] =	vst v63  }
0x82: {  	s21 =	simm.s32 $0xD  }
0x83: {  	_ =	swait.ge [sflag:s21], $0x1000  }
0x84: {  	[sflag:s21] =	ssyncset.done $0x0  }
0x85: {  	s22 =	simm.s32 $0x13;
	[sflag:s21] =	ssyncadd.s32 $0xFFFFF000  }
0x86: {  	_ =	swait.ge [sflag:s22], $0x1000  }
0x87: {  	[sflag:s22] =	ssyncset.done $0x0  }
0x88: {  	s23 =	simm.s32 $0xE;
	[sflag:s22] =	ssyncadd.s32 $0xFFFFF000  }
0x89: {  	_ =	swait.ge [sflag:s23], $0x1000  }
0x8a: {  	[sflag:s23] =	ssyncset.done $0x0  }
0x8b: {  	s24 =	simm.s32 $0x14;
	[sflag:s23] =	ssyncadd.s32 $0xFFFFF000  }
0x8c: {  	_ =	swait.ge [sflag:s24], $0x1000  }
0x8d: {  	[sflag:s24] =	ssyncset.done $0x0  }
0x8e: {  	s25 =	simm.s32 $0xF;
	[sflag:s24] =	ssyncadd.s32 $0xFFFFF000  }
0x8f: {  	_ =	swait.ge [sflag:s25], $0x1000  }
0x90: {  	[sflag:s25] =	ssyncset.done $0x0  }
0x91: {  	[sflag:s25] =	ssyncadd.s32 $0xFFFFF000  }
0x92: {  	_ =	swait.ge [sflag:s29], $0x1000  }
0x93: {  	[sflag:s29] =	ssyncset.done $0x0  }
0x94: {  	[sflag:s29] =	ssyncadd.s32 $0xFFFFF000  }
0x95: {  	_ =	swait.ge [sflag:s31], $0x1000  }
0x96: {  	[sflag:s31] =	ssyncset.done $0x0  }
0x97: {  	[sflag:s31] =	ssyncadd.s32 $0xFFFFF000  }
0x98: {  	_ =	swait.ge [sflag:s2], $0x1000  }
0x99: {  	[sflag:s2] =	ssyncset.done $0x0  }
0x9a: {  	[sflag:s2] =	ssyncadd.s32 $0xFFFFF000  }
0x9b: {  	_ =	swait.ge [sflag:s7], $0x1000  }
0x9c: {  	[sflag:s7] =	ssyncset.done $0x0  }
0x9d: {  	[sflag:s7] =	ssyncadd.s32 $0xFFFFF000  }
0x9e: {  	_ =	swait.ge [sflag:s8], $0x1000  }
0x9f: {  	[sflag:s8] =	ssyncset.done $0x0  }
0xa0: {  	[sflag:s8] =	ssyncadd.s32 $0xFFFFF000  }
0xa1: {  	_ =	swait.ge [sflag:s9], $0x1000  }
0xa2: {  	[sflag:s9] =	ssyncset.done $0x0  }
0xa3: {  	[sflag:s9] =	ssyncadd.s32 $0xFFFFF000  }
0xa4: {  	_ =	swait.ge [sflag:s10], $0x1000  }
0xa5: {  	[sflag:s10] =	ssyncset.done $0x0  }
0xa6: {  	[sflag:s10] =	ssyncadd.s32 $0xFFFFF000  }
0xa7: {  	[bflag:$0x0] =	sbarrier.arrive $0xFFFF  }
0xa8: {  	s26 =	rddreg [dreg:$0xd]  }
0xa9: {  	[hbm:s26], [sflag:s14] =	dma.local [spmem:s16], $0x9E0  }
0xaa: {  	_ =	swait.ge [sflag:s12], $0x9E0  }
0xab: {  	[sflag:s12] =	ssyncset.done $0x0  }
0xac: {  	s28 =	rddreg [dreg:$0xe];
	[sflag:s12] =	ssyncadd.s32 $0xFFFFF620  }
0xad: {  	[hbm:s28], [sflag:s14] =	dma.local [spmem:s15], $0x9E0  }
0xae: {  	_ =	swait.ge [sflag:s12], $0x9E0  }
0xaf: {  	s11 =	sadd.s32 $0x1, s11;
	s30 =	rddreg [dreg:$0x9]  }
0xb0: {  	p1 =	sne.s32 s11, s30  }
.Ltmp1:
0xb1: {  	_ = 	snop;
	(pc) =	sbr.rel @p1 .LBB2_1-.Ltmp1, $3  }
0xb2: {  	_ =	sdelay $0x1  }
0xb3: {  	[sflag:s12] =	ssyncset.done $0x0  }
0xb4: {  	[sflag:s12] =	ssyncadd.s32 $0xFFFFF620  }
0xb5: {  	_ =	sfence.sel $0x180000  }
0xb6: {  	[bflag:$0x0] =	sbarrier.arrive $0xFFFF  }
0xb7: {  	_ =	strace $0x9000004A  }
0xb8: {  	[bflag:$0x2] =	sbarrier.arrive $0xFFFF  }
0xb9: {  	s0 =	rddreg [dreg:$0x4]  }
0xba: {  	s0 =	sadd.s32 @!p0 $0x100000, s0  }
0xbb: {  	[sflag:s0] =	ssyncadd.tile.s32 @!p0 $0x1;
	_ =	shalt  }
.Lfunc_end2:
_tile_overlayer_lowered:
.L_overlay_start_2:
0xbc: {  	(tag) =	ssettag $0x2  }
0xbd: {  	s0 =	rddreg [dreg:$0x0];
	s2 =	stileid.u32  }
0xbe: {  	s1 =	rddreg [dreg:$0x1];
	p0 =	sne.s32 s2, $0x0  }
0xbf: {  	s3 =	rddreg [dreg:$0x2];
	[bflag:$0x3] =	sbarrier.arrive $0xFFFF;
	s2 =	simm.s32 @!p0 $0x1C19  }
0xc0: {  	[timem:s3], [sflag:s2] =	dma.local @!p0 [hbm:s0], s1  }
0xc1: {  	s0 =	simm.s32 @!p0 $0x19  }
0xc2: {  	_ =	swait.ge @!p0 [sflag:s0], s1  }
0xc3: {  	s1 =	ssub.s32 @!p0 $0x0, s1;
	[sflag:s0] =	ssyncset.done @!p0 $0x0  }
0xc4: {  	[sflag:s0] =	ssyncadd.s32 @!p0 s1  }
0xc5: {  	[bflag:$0x3] =	sbarrier.arrive $0xFFFF  }
0xc6: {  	_ =	shalt  }

// kernel: kernel.16.cloned.1.call-start
scs
__scs_entry_jumppad:
0x0: {  	(pc) =	sbr.rel $0x88, $3  }
0x1: {  	(tag) =	ssettag $0x0;
	lr =	simm.s32 $0x1  }
0x2: {  	[smem:$0x3F99] =	sst lr;
	_ =	strace $0xD0000000  }
0x3: {  	_ = 	snop  }
0x4: {  	_ = 	snop  }
0x5: {  	_ = 	snop  }
0x6: {  	_ = 	snop  }
0x7: {  	_ = 	snop  }
__scs_overlays_trampoline_lowered:
0x8: {  	[smem:$0x3FA8] =	sst s0  }
0x9: {  	[smem:$0x3FA9] =	sst s1  }
0xa: {  	[smem:$0x3FAA] =	sst s2  }
0xb: {  	[smem:$0x3FAB] =	sst s3  }
0xc: {  	[smem:$0x3FAC] =	sst s4  }
0xd: {  	[smem:$0x3FAD] =	sst s5  }
0xe: {  	[smem:$0x3FAE] =	sst s6  }
0xf: {  	[smem:$0x3FAF] =	sst s7  }
0x10: {  	[smem:$0x3FB0] =	sst s8  }
0x11: {  	[smem:$0x3FB1] =	sst s9;
	s0 =	simm.s32 @!p0 $0x0  }
0x12: {  	s1 =	sld [smem:$0x3F97];
	s0 =	simm.s32 @p0 $0x1  }
0x13: {  	[smem:$0x3FB2] =	sst s0;
	s0 =	simm.s32 @!p1 $0x0  }
0x14: {  	s2 =	sld [smem:$0x3F96];
	s0 =	simm.s32 @p1 $0x1  }
0x15: {  	[smem:$0x3FB3] =	sst s0;
	s0 =	simm.s32 @!p2 $0x0  }
0x16: {  	s3 =	sld [smem:$0x3FDB];
	s0 =	simm.s32 @p2 $0x1  }
0x17: {  	s4 =	simm.s32 $0x1BF5;
	[smem:$0x3FB5] =	sst s0  }
0x18: {  	s0 =	sld [smem:$0x3F98];
	_ =	swait.ge [sflag:s4], $0x0  }
0x19: {  	s7 =	sld [smem:$0x3F99]  }
0x1a: {  	s8 =	sadd.s32 $0xFFFFE003, lr  }
0x1b: {  	s9 =	sadd.s32 $0xFFFFFEF7, lr;
	s5 =	simm.s32 $0xFFFFFFFF;
	p2 =	slt.u32 s8, $0xFFFFF086  }
0x1c: {  	p1 =	slt.u32 s9, $0xF7A;
	s5 =	simm.s32 @!p2 $0x0  }
0x1d: {  	s5 =	simm.s32 @p1 $0x1;
	p0 =	seq.s32 s7, s2  }
0x1e: {  	s7 =	smul.u32 @!p0 $0xF7A, s2;
	p2 =	seq.s32 @!p0 s5, $0x0  }
0x1f: {  	s9 =	smul.u32 $0xF7A, s1;
	s8 =	simm.s32 @!p0 $0x1BF5;
	p2 =	por !p2, p0  }
0x20: {  	[sflag:s8] =	ssyncset.s32 @!p0 $0xFFFFF086;
	s6 =	sadd.s32 @!p0 s3, s7;
	s7 =	simm.s32 @!p0 $0x108  }
0x21: {  	s3 =	sadd.s32 s3, s9;
	s6 =	sadd.s32 @!p0 $0x88, s6;
	s7 =	simm.s32 @p2 $0x1082  }
0x22: {  	[simem:s7], [sflag:s8] =	dma.local @!p0 [hbm:s6], $0xF7A  }
0x23: {  	s9 =	sor.u32 $0xD0000000, s2;
	s6 =	simm.s32 $0x108;
	_ =	swait.ge @!p0 [sflag:s8], $0x0  }
0x24: {  	s3 =	sadd.s32 $0x88, s3;
	s6 =	simm.s32 @!p1 $0x1082;
	[sflag:s4] =	ssyncset.s32 $0xFFFFF086  }
0x25: {  	[simem:s6], [sflag:s4] =	dma.local [hbm:s3], $0xF7A  }
0x26: {  	[smem:$0x3F99] =	sst s1;
	(tag) =	ssettag s2;
	_ =	strace s9  }
0x27: {  	s1 =	sld [smem:$0x3FA9]  }
0x28: {  	s2 =	sld [smem:$0x3FAA]  }
0x29: {  	s4 =	sld [smem:$0x3FAC]  }
0x2a: {  	p0 =	seq.s32 s5, $0x0;
	s5 =	sld [smem:$0x3FAD]  }
0x2b: {  	s6 =	sld [smem:$0x3FAE]  }
0x2c: {  	s7 =	sld [smem:$0x3FAF]  }
0x2d: {  	s3 =	simm.s32 $0x108;
	s8 =	sld [smem:$0x3FB0]  }
0x2e: {  	s3 =	simm.s32 @!p0 $0x1082;
	s9 =	sld [smem:$0x3FB1]  }
0x2f: {  	lr =	sadd.s32 s0, s3;
	s0 =	sld [smem:$0x3FA8]  }
0x30: {  	s3 =	sld [smem:$0x3FAB]  }
0x31: {  	[smem:$0x3FB4] =	sst s10  }
0x32: {  	s10 =	sld [smem:$0x3FB2];
	_ =	sdelay $0x3  }
0x33: {  	p0 =	seq.s32 s10, $0x1;
	s10 =	sld [smem:$0x3FB4];
	_ =	sdelay $0x3  }
0x34: {  	[smem:$0x3FB4] =	sst s10  }
0x35: {  	s10 =	sld [smem:$0x3FB3];
	_ =	sdelay $0x3  }
0x36: {  	p1 =	seq.s32 s10, $0x1;
	s10 =	sld [smem:$0x3FB4];
	_ =	sdelay $0x3  }
0x37: {  	[smem:$0x3FB4] =	sst s10  }
0x38: {  	s10 =	sld [smem:$0x3FB5]  }
0x39: {  	_ = 	snop;
	(pc) =	sbr.ind lr, $3  }
0x3a: {  	_ = 	snop  }
0x3b: {  	_ = 	snop  }
0x3c: {  	p2 =	seq.s32 s10, $0x1;
	s10 =	sld [smem:$0x3FB4]  }
0x3d: {  	_ =	shalt  }
0x3e: {  	_ =	shalt  }
0x3f: {  	_ =	shalt  }
0x40: {  	_ =	shalt  }
0x41: {  	_ =	shalt  }
0x42: {  	_ =	shalt  }
0x43: {  	_ =	shalt  }
0x44: {  	_ =	shalt  }
0x45: {  	_ =	shalt  }
0x46: {  	_ =	shalt  }
0x47: {  	_ =	shalt  }
0x48: {  	_ =	shalt  }
0x49: {  	_ =	shalt  }
0x4a: {  	_ =	shalt  }
0x4b: {  	_ =	shalt  }
0x4c: {  	_ =	shalt  }
0x4d: {  	_ =	shalt  }
0x4e: {  	_ =	shalt  }
0x4f: {  	_ =	shalt  }
0x50: {  	_ =	shalt  }
0x51: {  	_ =	shalt  }
0x52: {  	_ =	shalt  }
0x53: {  	_ =	shalt  }
0x54: {  	_ =	shalt  }
0x55: {  	_ =	shalt  }
0x56: {  	_ =	shalt  }
0x57: {  	_ =	shalt  }
0x58: {  	_ =	shalt  }
0x59: {  	_ =	shalt  }
0x5a: {  	_ =	shalt  }
0x5b: {  	_ =	shalt  }
0x5c: {  	_ =	shalt  }
0x5d: {  	_ =	shalt  }
0x5e: {  	_ =	shalt  }
0x5f: {  	_ =	shalt  }
0x60: {  	_ =	shalt  }
0x61: {  	_ =	shalt  }
0x62: {  	_ =	shalt  }
0x63: {  	_ =	shalt  }
0x64: {  	_ =	shalt  }
0x65: {  	_ =	shalt  }
0x66: {  	_ =	shalt  }
0x67: {  	_ =	shalt  }
0x68: {  	_ =	shalt  }
0x69: {  	_ =	shalt  }
0x6a: {  	_ =	shalt  }
0x6b: {  	_ =	shalt  }
0x6c: {  	_ =	shalt  }
0x6d: {  	_ =	shalt  }
0x6e: {  	_ =	shalt  }
0x6f: {  	_ =	shalt  }
0x70: {  	_ =	shalt  }
0x71: {  	_ =	shalt  }
0x72: {  	_ =	shalt  }
0x73: {  	_ =	shalt  }
0x74: {  	_ =	shalt  }
0x75: {  	_ =	shalt  }
0x76: {  	_ =	shalt  }
0x77: {  	_ =	shalt  }
0x78: {  	_ =	shalt  }
0x79: {  	_ =	shalt  }
0x7a: {  	_ =	shalt  }
0x7b: {  	_ =	shalt  }
0x7c: {  	_ =	shalt  }
0x7d: {  	_ =	shalt  }
0x7e: {  	_ =	shalt  }
0x7f: {  	_ =	shalt  }
0x80: {  	_ =	shalt  }
0x81: {  	_ =	shalt  }
0x82: {  	_ =	shalt  }
0x83: {  	_ =	shalt  }
0x84: {  	_ =	shalt  }
0x85: {  	_ =	shalt  }
0x86: {  	_ =	shalt  }
0x87: {  	_ =	shalt  }
.Lfunc_end0:
.L_simem_size_0:
called_computation.2_lowered:
.L_overlay_start_0:
0x88: {  	s2 =	sld [smem:$0x3FD9]  }
0x89: {  	s3 =	sld [smem:$0x3FFE];
	_ =	sdelay $0x1  }
0x8a: {  	s1 =	srdreg.scid  }
0x8b: {  	s0 =	sand.u32 $0x1, s1  }
0x8c: {  	s17 =	sshll.u32 s0, $0xA;
	s2 =	sadd.s32 s3, s2  }
0x8d: {  	s2 =	sadd.s32 s2, s17  }
0x8e: {  	[smem:$0x3FC0] =	sst s2  }
0x8f: {  	_ = 	snop  }
0x90: {  	s2 =	sld [smem:$0x3FD0];
	(tm) =	ssettm $0x1  }
0x91: {  	s18 =	sld [smem:$0x3FFB];
	_ =	sdelay $0x3  }
0x92: {  	_ =	strace s18  }
0x93: {  	s3 =	sld [smem:$0x3FFC];
	_ =	sdelay $0x3  }
0x94: {  	_ =	strace s3  }
0x95: {  	s3 =	sld [smem:$0x3FFD];
	_ =	sdelay $0x3  }
0x96: {  	_ =	strace s3  }
0x97: {  	_ =	strace $0x8FFFFFFF  }
0x98: {  	s19 =	sld [smem:$0x3FDB];
	_ =	sdelay $0x1  }
0x99: {  	s4 =	simm.s32 $_scs_section_size  }
0x9a: {  	s5 =	simm.s32 $_size__tile_overlayer_lowered;
	s6 =	simm.s32 $_tile_overlayer_lowered  }
0x9b: {  	s22 =	simm.s32 $0x1BFF;
	s21 =	sshll.u32 s6, $0x1;
	s3 =	sadd.s32 s4, s19  }
0x9c: {  	s7 =	simm.s32 $0x0;
	s20 =	sshll.u32 s5, $0x1;
	s5 =	sadd.s32 s21, s3  }
0x9d: {  	[timem:s7], [sflag:s22] =	dma.local [hbm:s5], s20  }
0x9e: {  	_ =	swait.ge [sflag:s22], s20  }
0x9f: {  	s4 =	ssub.s32 $0x0, s20;
	[sflag:s22] =	ssyncset.done $0x0  }
0xa0: {  	[sflag:s22] =	ssyncadd.s32 s4;
	_ =	sdelay $0x1  }
0xa1: {  	s23 =	simm.s32 $0x1B8B  }
0xa2: {  	_ =	swait.ge [sflag:s23], $0x1  }
0xa3: {  	[sflag:s23] =	ssyncset.done $0x0  }
0xa4: {  	s25 =	simm.s32 $0x1B8E;
	s24 =	sld [smem:$0x3FFE];
	[sflag:s23] =	ssyncadd.s32 $0xFFFFFFFF  }
0xa5: {  	s26 =	simm.s32 $execute0_lowered;
	[smem:$0x3FD2] =	sst s25  }
0xa6: {  	s5 =	sshll.u32 s26, $0x1;
	_ =	strace $0x8000004C;
	[dreg:$0x1] =	wrdreg $0xFFFFFFFF  }
0xa7: {  	s28 =	simm.s32 $_size_execute0_lowered;
	s3 =	sadd.s32 s3, s5;
	[dreg:$0x0] =	wrdreg $0x0  }
0xa8: {  	s5 =	sshll.u32 s28, $0x1;
	[dreg:$0x2] =	wrdreg s3  }
0xa9: {  	[dreg:$0x3] =	wrdreg s5  }
0xaa: {  	[dreg:$0x4] =	wrdreg $0xC0  }
0xab: {  	_ =	task [dreg:s7], $0x5FFFF  }
0xac: {  	[dreg:$0x1] =	wrdreg $0xFFFFFFFF  }
0xad: {  	[dreg:$0x0] =	wrdreg $0x60  }
0xae: {  	[dreg:$0x2] =	wrdreg s2  }
0xaf: {  	[dreg:$0x3] =	wrdreg s24  }
0xb0: {  	[dreg:$0x4] =	wrdreg $0xE0000  }
0xb1: {  	[dreg:$0x5] =	wrdreg $0x9  }
0xb2: {  	_ =	task.clear_ibuf [dreg:s7], $0x6FFFF;
	_ =	strace $0x9000004C  }
0xb3: {  	s29 =	simm.s32 $0x9;
	_ =	strace $0x8000004E  }
0xb4: {  	_ =	swait.ge [sflag:s29], $0x1  }
0xb5: {  	[sflag:s29] =	ssyncadd.s32 $0xFFFFFFFF  }
0xb6: {  	_ =	strace $0x9000004E  }
0xb7: {  	_ =	sfence  }
0xb8: {  	s30 =	sld [smem:$0x0];
	_ =	sdelay $0x2  }
0xb9: {  	s31 =	sshll.u32 s1, $0xD;
	s1 =	sshrl.u32 s1, $0x2  }
0xba: {  	s3 =	sand.u32 $0x4000, s31;
	s1 =	sadd.s32 s1, s30  }
0xbb: {  	s0 =	sor.u32 s3, s0;
	s1 =	sshll.u32 s1, $0x11  }
0xbc: {  	s0 =	sor.u32 s1, s0  }
0xbd: {  	s0 =	sadd.s32 $0x8F2B, s0  }
0xbe: {  	[sflag:s0] =	ssyncadd.remote.s32 $0x1  }
0xbf: {  	_ =	sfence.sel $0xFFFF  }
0xc0: {  	[dreg:$0x0] =	wrdreg $0xFFFFFFFF;
	(pc) =	sbr.abs _section_cstart, $3  }
0xc1: {  	[dreg:$0x1] =	wrdreg $0xFFFFFFFF  }
0xc2: {  	_ =	task.clear_ibuf [dreg:s7], $0x2FFFF;
	_ =	strace $0x9FFFFFFF  }
0xc3: {  	(tm) =	ssettm $0x7FFFFFFF  }
tec
execute0_lowered:
.L_overlay_start_1:
0x0: {  	(tag) =	ssettag $0x1  }
0x1: {  	s1 =	srdreg.scid;
	s0 =	rddreg [dreg:$0x0]  }
0x2: {  	s5 =	rddreg [dreg:$0x1];
	s9 =	stileid.u32  }
0x3: {  	s2 =	rddreg [dreg:$0x2];
	s18 =	simm.s32 $0x180;
	s19 =	simm.s32 $0x6800  }
0x4: {  	s20 =	simm.s32 $0x7;
	s21 =	simm.s32 $0x8;
	s22 =	simm.s32 $0x9  }
0x5: {  	s23 =	simm.s32 $0xA;
	s25 =	simm.s32 $0xB;
	s26 =	simm.s32 $0xC  }
0x6: {  	s28 =	simm.s32 $0x0;
	s1 =	sand.u32 $0x1, s1;
	s7 =	smul.u32 $0x278, s9  }
0x7: {  	s13 =	sadd.s32 $0x4E200, s2;
	p0 =	sne.s32 s9, $0x0;
	s31 =	sshll.u32 s9, $0x6  }
0x8: {  	s3 =	sshll.u32 s1, $0x4;
	s6 =	smul.u32 $0x9C40, s1;
	s1 =	ssub.s32 $0x2, s1  }
0x9: {  	s4 =	sor.u32 s9, s3;
	s3 =	simm.s32 $0x0;
	s10 =	sshrl.u32 s1, $0x1  }
0xa: {  	s7 =	smin.u32 s7, $0x2498;
	s4 =	smul.u32 $0x500, s4;
	[smem:$0x7FF] =	sst s3  }
0xb: {  	s11 =	sadd.s32 s6, s5;
	s1 =	ssub.s32 s1, s10;
	s30 =	sshll.u32 s7, $0x5  }
0xc: {  	s15 =	sshll.u32 s7, $0x2;
	s10 =	sor.u32 $0x1C0D, s31;
	_ =	strace $0x8000004D  }
0xd: {  	s12 =	sadd.s32 s30, s2;
	s14 =	sadd.s32 $0x16C00, s11;
	s7 =	smax.u32 s1, $0x1  }
0xe: {  	s8 =	sadd.s32 s4, s5;
	s4 =	sadd.s32 $0x2A800, s5;
	s11 =	sshrl.u32 s12, $0x3  }
0xf: {  	s12 =	sshrl.u32 @!p0 s13, $0x3;
	s13 =	simm.s32 $0x80;
	s24 =	sadd.s32 s15, s14  }
0x10: {  	s5 =	sadd.s32 $0xCC00, s8;
	s6 =	sadd.s32 $0x2600, s8;
	s8 =	simm.s32 $0xD  }
.LBB2_1:
0x11: {  	[tilespmem:s3], [sflag:$0xD] =	stream.linear.gather [hbm4b:s5+s3], $0x2800, $0x38;
	[tilespmem:$0x12E30] =	vst v63  }
0x12: {  	_ =	swait.ge [sflag:s8], $0x2800  }
0x13: {  	[sflag:s8] =	ssyncset.done $0x0  }
0x14: {  	s1 =	simm.s32 $0x2800;
	[sflag:s8] =	ssyncadd.s32 $0xFFFFD800  }
0x15: {  	[tilespmem:s1], [sflag:$0xD] =	stream.linear.gather [hbm4b:s6+s3], $0x2800, $0x38;
	[tilespmem:$0x12E30] =	vst v63  }
0x16: {  	_ =	swait.ge [sflag:s8], $0x2800  }
0x17: {  	[sflag:s8] =	ssyncset.done $0x0  }
0x18: {  	[sflag:s8] =	ssyncadd.s32 $0xFFFFD800  }
0x19: {  	[spmem:s11], [sflag:s10] =	dma.local [hbm:s4], $0x9E0  }
0x1a: {  	_ =	swait.ge [sflag:s8], $0x9E0  }
0x1b: {  	[sflag:s8] =	ssyncset.done $0x0  }
0x1c: {  	s1 =	simm.s32 @!p0 $0xD;
	[sflag:s8] =	ssyncadd.s32 $0xFFFFF620  }
0x1d: {  	[spmem:s12], [sflag:s10] =	dma.local @!p0 [hbm:s4], $0x20  }
0x1e: {  	_ =	swait.ge @!p0 [sflag:s1], $0x20  }
0x1f: {  	[sflag:s1] =	ssyncset.done @!p0 $0x0  }
0x20: {  	[sflag:s1] =	ssyncadd.s32 @!p0 $0xFFFFFFE0  }
0x21: {  	s17 =	simm.s32 $0x5000;
	[bflag:$0x0] =	sbarrier.arrive $0xFFFF  }
0x22: {  	[tilespmem:s17], [sflag:$0x1] =	stream.indirect.gather [hbm4b:s0+s13], $0x10, s3, s13, $0xb8;
	[tilespmem:$0x12E30] =	vst v63  }
0x23: {  	s29 =	simm.s32 $0x5800  }
0x24: {  	[tilespmem:s29], [sflag:$0x2] =	stream.indirect.gather [hbm4b:s0+s13], $0x10, s13, s13, $0xb8;
	[tilespmem:$0x12E30] =	vst v63  }
0x25: {  	s30 =	simm.s32 $0x100;
	s9 =	simm.s32 $0x6000  }
0x26: {  	[tilespmem:s9], [sflag:$0x3] =	stream.indirect.gather [hbm4b:s0+s13], $0x10, s30, s13, $0xb8;
	[tilespmem:$0x12E30] =	vst v63  }
0x27: {  	s14 =	simm.s32 $0x80F0;
	s16 =	simm.s32 $0x5070;
	s31 =	simm.s32 $0x0  }
0x28: {  	[tilespmem:s19], [sflag:$0x4] =	stream.indirect.gather [hbm4b:s0+s13], $0x10, s18, s13, $0xb8;
	[tilespmem:$0x12E30] =	vst v63  }
.LBB2_2:
0x29: {  	s1 =	smul.u32 $0xAB, s31;
	_ =	sdelay $0x1  }
0x2a: {  	s1 =	sshrl.u32 s1, $0xA  }
0x2b: {  	s9 =	smulhi.u32 $0xAAAAAAAB, s31;
	s1 =	sand.u32 $0x3F, s1  }
0x2c: {  	s1 =	smul.u32 $0x6, s1;
	_ =	sdelay $0x1  }
0x2d: {  	s9 =	sshrl.u32 s9, $0x2;
	s1 =	ssub.s32 s31, s1  }
0x2e: {  	s15 =	smul.u32 $0xFFFF4000, s9;
	s1 =	sand.u32 $0xFF, s1  }
0x2f: {  	s29 =	sadd.s32 $0x1, s1  }
0x30: {  	s15 =	sshra.s32 s15, $0x2;
	_ =	swait.ge [sflag:s29], $0x800  }
0x31: {  	p1 =	slt.u32 s31, $0x6;
	v0 =	vmov s15;
	[sflag:s29] =	ssyncset.done $0x0  }
0x32: {  	s15 =	sadd.s32 @!p1 $0x7, s1;
	[sflag:s29] =	ssyncadd.s32 $0xFFFFF800  }
0x33: {  	_ =	swait.ge @!p1 [sflag:s15], $0x1000  }
0x34: {  	s9 =	smul.u32 $0xFFFE8000, s9;
	[sflag:s15] =	ssyncset.done @!p1 $0x0  }
0x35: {  	[sflag:s15] =	ssyncadd.s32 @!p1 $0xFFFFF000  }
0x36: {  	s9 =	sshra.s32 s9, $0x2;
	v2 =	vld.idx.msk [tilespmem:v0+s16+$0xFFFFFF90 ss:$0x1], $0xffff  }
0x37: {  	v1 =	vmov s9;
	_ =	sdelay $0x3  }
0x38: {  	v3 =	vunpack.i.l.bf16.f32 v2  }
0x39: {  	v2 =	vunpack.i.u.bf16.f32 v2;
	[tilespmem:v1+s14+$0xFFFFFF10 ss:$0x1] =	vst.idx.msk $0xffff, v3  }
0x3a: {  	[tilespmem:v1+s14+$0xFFFFFF20 ss:$0x1] =	vst.idx.msk $0xffff, v2  }
0x3b: {  	v2 =	vld.idx.msk [tilespmem:v0+s16+$0xFFFFFFA0 ss:$0x1], $0xffff;
	_ =	sdelay $0x4  }
0x3c: {  	v3 =	vunpack.i.l.bf16.f32 v2  }
0x3d: {  	v2 =	vunpack.i.u.bf16.f32 v2;
	[tilespmem:v1+s14+$0xFFFFFF30 ss:$0x1] =	vst.idx.msk $0xffff, v3  }
0x3e: {  	[tilespmem:v1+s14+$0xFFFFFF40 ss:$0x1] =	vst.idx.msk $0xffff, v2  }
0x3f: {  	v2 =	vld.idx.msk [tilespmem:v0+s16+$0xFFFFFFB0 ss:$0x1], $0xffff;
	_ =	sdelay $0x4  }
0x40: {  	v3 =	vunpack.i.l.bf16.f32 v2  }
0x41: {  	v2 =	vunpack.i.u.bf16.f32 v2;
	[tilespmem:v1+s14+$0xFFFFFF50 ss:$0x1] =	vst.idx.msk $0xffff, v3  }
0x42: {  	[tilespmem:v1+s14+$0xFFFFFF60 ss:$0x1] =	vst.idx.msk $0xffff, v2  }
0x43: {  	v2 =	vld.idx.msk [tilespmem:v0+s16+$0xFFFFFFC0 ss:$0x1], $0xffff;
	_ =	sdelay $0x4  }
0x44: {  	v3 =	vunpack.i.l.bf16.f32 v2  }
0x45: {  	v2 =	vunpack.i.u.bf16.f32 v2;
	[tilespmem:v1+s14+$0xFFFFFF70 ss:$0x1] =	vst.idx.msk $0xffff, v3  }
0x46: {  	[tilespmem:v1+s14+$0xFFFFFF80 ss:$0x1] =	vst.idx.msk $0xffff, v2  }
0x47: {  	v2 =	vld.idx.msk [tilespmem:v0+s16+$0xFFFFFFD0 ss:$0x1], $0xffff;
	_ =	sdelay $0x4  }
0x48: {  	v3 =	vunpack.i.l.bf16.f32 v2  }
0x49: {  	v2 =	vunpack.i.u.bf16.f32 v2;
	[tilespmem:v1+s14+$0xFFFFFF90 ss:$0x1] =	vst.idx.msk $0xffff, v3  }
0x4a: {  	[tilespmem:v1+s14+$0xFFFFFFA0 ss:$0x1] =	vst.idx.msk $0xffff, v2  }
0x4b: {  	v2 =	vld.idx.msk [tilespmem:v0+s16+$0xFFFFFFE0 ss:$0x1], $0xffff;
	_ =	sdelay $0x4  }
0x4c: {  	v3 =	vunpack.i.l.bf16.f32 v2  }
0x4d: {  	v2 =	vunpack.i.u.bf16.f32 v2;
	[tilespmem:v1+s14+$0xFFFFFFB0 ss:$0x1] =	vst.idx.msk $0xffff, v3  }
0x4e: {  	[tilespmem:v1+s14+$0xFFFFFFC0 ss:$0x1] =	vst.idx.msk $0xffff, v2  }
0x4f: {  	v2 =	vld.idx.msk [tilespmem:v0+s16+$0xFFFFFFF0 ss:$0x1], $0xffff;
	_ =	sdelay $0x4  }
0x50: {  	v3 =	vunpack.i.l.bf16.f32 v2  }
0x51: {  	v2 =	vunpack.i.u.bf16.f32 v2;
	[tilespmem:v1+s14+$0xFFFFFFD0 ss:$0x1] =	vst.idx.msk $0xffff, v3  }
0x52: {  	[tilespmem:v1+s14+$0xFFFFFFE0 ss:$0x1] =	vst.idx.msk $0xffff, v2  }
0x53: {  	v2 =	vld.idx.msk [tilespmem:v0+s16+$0x0 ss:$0x1], $0xffff;
	_ =	sdelay $0x4  }
0x54: {  	s30 =	smov.u32 s16;
	s17 =	sshll.u32 s1, $0xC;
	v3 =	vunpack.i.l.bf16.f32 v2  }
0x55: {  	s9 =	sadd.s32 $0x8000, s17;
	s29 =	smov.u32 s14;
	s15 =	simm.s32 $0x0;
	v2 =	vunpack.i.u.bf16.f32 v2;
	[tilespmem:v1+s14+$0xFFFFFFF0 ss:$0x1] =	vst.idx.msk $0xffff, v3  }
.LBB2_3:
0x56: {  	s15 =	sadd.s32 $0x8, s15;
	[tilespmem:v1+s29+$0x0 ss:$0x1] =	vst.idx.msk $0xffff, v2;
	s29 =	sadd.s32 $0x100, s29;
	s30 =	sadd.s32 $0x80, s30  }
0x57: {  	v2 =	vld.idx.msk [tilespmem:v0+s30+$0xFFFFFF90 ss:$0x1], $0xffff;
	p1 =	slt.u32 s15, $0x78;
	_ =	sdelay $0x5  }
0x58: {  	v3 =	vunpack.i.l.bf16.f32 v2  }
0x59: {  	v2 =	vunpack.i.u.bf16.f32 v2;
	[tilespmem:v1+s29+$0xFFFFFF10 ss:$0x1] =	vst.idx.msk $0xffff, v3  }
0x5a: {  	[tilespmem:v1+s29+$0xFFFFFF20 ss:$0x1] =	vst.idx.msk $0xffff, v2  }
0x5b: {  	v2 =	vld.idx.msk [tilespmem:v0+s30+$0xFFFFFFA0 ss:$0x1], $0xffff;
	_ =	sdelay $0x5  }
0x5c: {  	v3 =	vunpack.i.l.bf16.f32 v2  }
0x5d: {  	v2 =	vunpack.i.u.bf16.f32 v2;
	[tilespmem:v1+s29+$0xFFFFFF30 ss:$0x1] =	vst.idx.msk $0xffff, v3  }
0x5e: {  	[tilespmem:v1+s29+$0xFFFFFF40 ss:$0x1] =	vst.idx.msk $0xffff, v2  }
0x5f: {  	v2 =	vld.idx.msk [tilespmem:v0+s30+$0xFFFFFFB0 ss:$0x1], $0xffff;
	_ =	sdelay $0x5  }
0x60: {  	v3 =	vunpack.i.l.bf16.f32 v2  }
0x61: {  	v2 =	vunpack.i.u.bf16.f32 v2;
	[tilespmem:v1+s29+$0xFFFFFF50 ss:$0x1] =	vst.idx.msk $0xffff, v3  }
0x62: {  	[tilespmem:v1+s29+$0xFFFFFF60 ss:$0x1] =	vst.idx.msk $0xffff, v2  }
0x63: {  	v2 =	vld.idx.msk [tilespmem:v0+s30+$0xFFFFFFC0 ss:$0x1], $0xffff;
	_ =	sdelay $0x5  }
0x64: {  	v3 =	vunpack.i.l.bf16.f32 v2  }
0x65: {  	v2 =	vunpack.i.u.bf16.f32 v2;
	[tilespmem:v1+s29+$0xFFFFFF70 ss:$0x1] =	vst.idx.msk $0xffff, v3  }
0x66: {  	[tilespmem:v1+s29+$0xFFFFFF80 ss:$0x1] =	vst.idx.msk $0xffff, v2  }
0x67: {  	v2 =	vld.idx.msk [tilespmem:v0+s30+$0xFFFFFFD0 ss:$0x1], $0xffff;
	_ =	sdelay $0x5  }
0x68: {  	v3 =	vunpack.i.l.bf16.f32 v2  }
0x69: {  	v2 =	vunpack.i.u.bf16.f32 v2;
	[tilespmem:v1+s29+$0xFFFFFF90 ss:$0x1] =	vst.idx.msk $0xffff, v3  }
0x6a: {  	[tilespmem:v1+s29+$0xFFFFFFA0 ss:$0x1] =	vst.idx.msk $0xffff, v2  }
0x6b: {  	v2 =	vld.idx.msk [tilespmem:v0+s30+$0xFFFFFFE0 ss:$0x1], $0xffff;
	_ =	sdelay $0x5  }
0x6c: {  	v3 =	vunpack.i.l.bf16.f32 v2  }
0x6d: {  	v2 =	vunpack.i.u.bf16.f32 v2;
	[tilespmem:v1+s29+$0xFFFFFFB0 ss:$0x1] =	vst.idx.msk $0xffff, v3  }
0x6e: {  	[tilespmem:v1+s29+$0xFFFFFFC0 ss:$0x1] =	vst.idx.msk $0xffff, v2  }
0x6f: {  	v2 =	vld.idx.msk [tilespmem:v0+s30+$0xFFFFFFF0 ss:$0x1], $0xffff;
	_ =	sdelay $0x5  }
0x70: {  	v3 =	vunpack.i.l.bf16.f32 v2  }
0x71: {  	v2 =	vunpack.i.u.bf16.f32 v2;
	[tilespmem:v1+s29+$0xFFFFFFD0 ss:$0x1] =	vst.idx.msk $0xffff, v3  }
0x72: {  	[tilespmem:v1+s29+$0xFFFFFFE0 ss:$0x1] =	vst.idx.msk $0xffff, v2  }
0x73: {  	v2 =	vld.idx.msk [tilespmem:v0+s30+$0x0 ss:$0x1], $0xffff;
	_ =	sdelay $0x2  }
.Ltmp0:
0x74: {  	(pc) =	sbr.rel @p1 .LBB2_3-.Ltmp0, $3  }
0x75: {  	_ =	sdelay $0x1  }
0x76: {  	v3 =	vunpack.i.l.bf16.f32 v2  }
0x77: {  	v2 =	vunpack.i.u.bf16.f32 v2;
	[tilespmem:v1+s29+$0xFFFFFFF0 ss:$0x1] =	vst.idx.msk $0xffff, v3  }
0x78: {  	p1 =	sgt.u32 s31, $0x4B  }
0x79: {  	s15 =	sadd.s32 @!p1 $0x4, s31  }
0x7a: {  	s30 =	smul.u32 @!p1 $0xAB, s15;
	_ =	sdelay $0x1  }
0x7b: {  	s17 =	sshll.u32 s31, $0x7;
	s30 =	sshrl.u32 @!p1 s30, $0xA  }
0x7c: {  	s17 =	sand.u32 $0x3FFFFF80, s17;
	s30 =	sand.u32 @!p1 $0x3F, s30  }
0x7d: {  	[tilespmem:v1+s29+$0x0 ss:$0x1] =	vst.idx.msk $0xffff, v2;
	s1 =	sadd.s32 $0x7, s1;
	s17 =	sadd.s32 $0x2800, s17;
	s29 =	smul.u32 @!p1 $0x6, s30  }
0x7e: {  	[spmem:s2] =	stream.indirect.scatter.add.f32 [tilespmem:s9], [sflag:s1], $0x20, s17, s13, $0xb8;
	[tilespmem:$0x12E30] =	vst v63  }
0x7f: {  	s1 =	ssub.s32 @!p1 s15, s29  }
0x80: {  	s31 =	sadd.s32 $0x1, s31;
	s1 =	sand.u32 @!p1 $0xFF, s1  }
0x81: {  	s17 =	simm.s32 @!p1 $0x80;
	s15 =	sshll.u32 @!p1 s15, $0x7;
	s9 =	sshll.u32 @!p1 s1, $0xB  }
0x82: {  	s15 =	sand.u32 @!p1 $0x3FFFFF80, s15;
	s1 =	sadd.s32 @!p1 $0x1, s1;
	s9 =	sadd.s32 @!p1 $0x5000, s9  }
0x83: {  	[tilespmem:s9], [sflag:s1] =	stream.indirect.gather @!p1 [hbm4b:s0+s17], $0x10, s15, s17, $0xb8;
	[tilespmem:$0x12E30] =	vst v63  }
0x84: {  	p1 =	sne.s32 s31, $0x50  }
.Ltmp1:
0x85: {  	_ = 	snop;
	(pc) =	sbr.rel @p1 .LBB2_2-.Ltmp1, $2  }
0x86: {  	_ =	sdelay $0x2  }
0x87: {  	s14 =	sadd.s32 $0x1000, s14;
	s16 =	sadd.s32 $0x800, s16  }
0x88: {  	_ =	swait.ge [sflag:s20], $0x1000  }
0x89: {  	[sflag:s20] =	ssyncset.done $0x0  }
0x8a: {  	[sflag:s20] =	ssyncadd.s32 $0xFFFFF000  }
0x8b: {  	_ =	swait.ge [sflag:s21], $0x1000  }
0x8c: {  	[sflag:s21] =	ssyncset.done $0x0  }
0x8d: {  	[sflag:s21] =	ssyncadd.s32 $0xFFFFF000  }
0x8e: {  	_ =	swait.ge [sflag:s22], $0x1000  }
0x8f: {  	[sflag:s22] =	ssyncset.done $0x0  }
0x90: {  	[sflag:s22] =	ssyncadd.s32 $0xFFFFF000  }
0x91: {  	_ =	swait.ge [sflag:s23], $0x1000  }
0x92: {  	[sflag:s23] =	ssyncset.done $0x0  }
0x93: {  	[sflag:s23] =	ssyncadd.s32 $0xFFFFF000  }
0x94: {  	_ =	swait.ge [sflag:s25], $0x1000  }
0x95: {  	[sflag:s25] =	ssyncset.done $0x0  }
0x96: {  	[sflag:s25] =	ssyncadd.s32 $0xFFFFF000  }
0x97: {  	_ =	swait.ge [sflag:s26], $0x1000  }
0x98: {  	s28 =	sadd.s32 $0x1, s28;
	[sflag:s26] =	ssyncset.done $0x0  }
0x99: {  	p1 =	sne.s32 s28, s7;
	[sflag:s26] =	ssyncadd.s32 $0xFFFFF000  }
.Ltmp2:
0x9a: {  	[bflag:$0x0] =	sbarrier.arrive $0xFFFF;
	(pc) =	sbr.rel @p1 .LBB2_1-.Ltmp2, $4  }
0x9b: {  	[hbm:s24], [sflag:s10] =	dma.local [spmem:s11], $0x9E0  }
0x9c: {  	_ =	swait.ge [sflag:s8], $0x9E0  }
0x9d: {  	[sflag:s8] =	ssyncset.done $0x0  }
0x9e: {  	[sflag:s8] =	ssyncadd.s32 $0xFFFFF620  }
0x9f: {  	_ =	sfence.sel $0x180000  }
0xa0: {  	[bflag:$0x0] =	sbarrier.arrive $0xFFFF  }
0xa1: {  	_ =	strace $0x9000004D  }
0xa2: {  	[bflag:$0x2] =	sbarrier.arrive $0xFFFF  }
0xa3: {  	s0 =	rddreg [dreg:$0x3]  }
0xa4: {  	s0 =	sadd.s32 @!p0 $0x100000, s0  }
0xa5: {  	[sflag:s0] =	ssyncadd.tile.s32 @!p0 $0x1;
	_ =	shalt  }
.Lfunc_end2:
_tile_overlayer_lowered:
.L_overlay_start_2:
0xa6: {  	(tag) =	ssettag $0x2  }
0xa7: {  	s0 =	rddreg [dreg:$0x0];
	s2 =	stileid.u32  }
0xa8: {  	s1 =	rddreg [dreg:$0x1];
	p0 =	sne.s32 s2, $0x0  }
0xa9: {  	s3 =	rddreg [dreg:$0x2];
	[bflag:$0x3] =	sbarrier.arrive $0xFFFF;
	s2 =	simm.s32 @!p0 $0x1C0D  }
0xaa: {  	[timem:s3], [sflag:s2] =	dma.local @!p0 [hbm:s0], s1  }
0xab: {  	s0 =	simm.s32 @!p0 $0xD  }
0xac: {  	_ =	swait.ge @!p0 [sflag:s0], s1  }
0xad: {  	s1 =	ssub.s32 @!p0 $0x0, s1;
	[sflag:s0] =	ssyncset.done @!p0 $0x0  }
0xae: {  	[sflag:s0] =	ssyncadd.s32 @!p0 s1  }
0xaf: {  	[bflag:$0x3] =	sbarrier.arrive $0xFFFF  }
0xb0: {  	_ =	shalt  }

// kernel: kernel.19.cloned.1.call-start
scs
__scs_entry_jumppad:
0x0: {  	(pc) =	sbr.rel $0x88, $3  }
0x1: {  	(tag) =	ssettag $0x0;
	lr =	simm.s32 $0x1  }
0x2: {  	[smem:$0x3F99] =	sst lr;
	_ =	strace $0xD0000000  }
0x3: {  	_ = 	snop  }
0x4: {  	_ = 	snop  }
0x5: {  	_ = 	snop  }
0x6: {  	_ = 	snop  }
0x7: {  	_ = 	snop  }
__scs_overlays_trampoline_lowered:
0x8: {  	[smem:$0x3FA8] =	sst s0  }
0x9: {  	[smem:$0x3FA9] =	sst s1  }
0xa: {  	[smem:$0x3FAA] =	sst s2  }
0xb: {  	[smem:$0x3FAB] =	sst s3  }
0xc: {  	[smem:$0x3FAC] =	sst s4  }
0xd: {  	[smem:$0x3FAD] =	sst s5  }
0xe: {  	[smem:$0x3FAE] =	sst s6  }
0xf: {  	[smem:$0x3FAF] =	sst s7  }
0x10: {  	[smem:$0x3FB0] =	sst s8  }
0x11: {  	[smem:$0x3FB1] =	sst s9;
	s0 =	simm.s32 @!p0 $0x0  }
0x12: {  	s1 =	sld [smem:$0x3F97];
	s0 =	simm.s32 @p0 $0x1  }
0x13: {  	[smem:$0x3FB2] =	sst s0;
	s0 =	simm.s32 @!p1 $0x0  }
0x14: {  	s2 =	sld [smem:$0x3F96];
	s0 =	simm.s32 @p1 $0x1  }
0x15: {  	[smem:$0x3FB3] =	sst s0;
	s0 =	simm.s32 @!p2 $0x0  }
0x16: {  	s3 =	sld [smem:$0x3FDB];
	s0 =	simm.s32 @p2 $0x1  }
0x17: {  	s4 =	simm.s32 $0x1BF5;
	[smem:$0x3FB5] =	sst s0  }
0x18: {  	s0 =	sld [smem:$0x3F98];
	_ =	swait.ge [sflag:s4], $0x0  }
0x19: {  	s7 =	sld [smem:$0x3F99]  }
0x1a: {  	s8 =	sadd.s32 $0xFFFFE003, lr  }
0x1b: {  	s9 =	sadd.s32 $0xFFFFFEF7, lr;
	s5 =	simm.s32 $0xFFFFFFFF;
	p2 =	slt.u32 s8, $0xFFFFF086  }
0x1c: {  	p1 =	slt.u32 s9, $0xF7A;
	s5 =	simm.s32 @!p2 $0x0  }
0x1d: {  	s5 =	simm.s32 @p1 $0x1;
	p0 =	seq.s32 s7, s2  }
0x1e: {  	s7 =	smul.u32 @!p0 $0xF7A, s2;
	p2 =	seq.s32 @!p0 s5, $0x0  }
0x1f: {  	s9 =	smul.u32 $0xF7A, s1;
	s8 =	simm.s32 @!p0 $0x1BF5;
	p2 =	por !p2, p0  }
0x20: {  	[sflag:s8] =	ssyncset.s32 @!p0 $0xFFFFF086;
	s6 =	sadd.s32 @!p0 s3, s7;
	s7 =	simm.s32 @!p0 $0x108  }
0x21: {  	s3 =	sadd.s32 s3, s9;
	s6 =	sadd.s32 @!p0 $0x88, s6;
	s7 =	simm.s32 @p2 $0x1082  }
0x22: {  	[simem:s7], [sflag:s8] =	dma.local @!p0 [hbm:s6], $0xF7A  }
0x23: {  	s9 =	sor.u32 $0xD0000000, s2;
	s6 =	simm.s32 $0x108;
	_ =	swait.ge @!p0 [sflag:s8], $0x0  }
0x24: {  	s3 =	sadd.s32 $0x88, s3;
	s6 =	simm.s32 @!p1 $0x1082;
	[sflag:s4] =	ssyncset.s32 $0xFFFFF086  }
0x25: {  	[simem:s6], [sflag:s4] =	dma.local [hbm:s3], $0xF7A  }
0x26: {  	[smem:$0x3F99] =	sst s1;
	(tag) =	ssettag s2;
	_ =	strace s9  }
0x27: {  	s1 =	sld [smem:$0x3FA9]  }
0x28: {  	s2 =	sld [smem:$0x3FAA]  }
0x29: {  	s4 =	sld [smem:$0x3FAC]  }
0x2a: {  	p0 =	seq.s32 s5, $0x0;
	s5 =	sld [smem:$0x3FAD]  }
0x2b: {  	s6 =	sld [smem:$0x3FAE]  }
0x2c: {  	s7 =	sld [smem:$0x3FAF]  }
0x2d: {  	s3 =	simm.s32 $0x108;
	s8 =	sld [smem:$0x3FB0]  }
0x2e: {  	s3 =	simm.s32 @!p0 $0x1082;
	s9 =	sld [smem:$0x3FB1]  }
0x2f: {  	lr =	sadd.s32 s0, s3;
	s0 =	sld [smem:$0x3FA8]  }
0x30: {  	s3 =	sld [smem:$0x3FAB]  }
0x31: {  	[smem:$0x3FB4] =	sst s10  }
0x32: {  	s10 =	sld [smem:$0x3FB2];
	_ =	sdelay $0x3  }
0x33: {  	p0 =	seq.s32 s10, $0x1;
	s10 =	sld [smem:$0x3FB4];
	_ =	sdelay $0x3  }
0x34: {  	[smem:$0x3FB4] =	sst s10  }
0x35: {  	s10 =	sld [smem:$0x3FB3];
	_ =	sdelay $0x3  }
0x36: {  	p1 =	seq.s32 s10, $0x1;
	s10 =	sld [smem:$0x3FB4];
	_ =	sdelay $0x3  }
0x37: {  	[smem:$0x3FB4] =	sst s10  }
0x38: {  	s10 =	sld [smem:$0x3FB5]  }
0x39: {  	_ = 	snop;
	(pc) =	sbr.ind lr, $3  }
0x3a: {  	_ = 	snop  }
0x3b: {  	_ = 	snop  }
0x3c: {  	p2 =	seq.s32 s10, $0x1;
	s10 =	sld [smem:$0x3FB4]  }
0x3d: {  	_ =	shalt  }
0x3e: {  	_ =	shalt  }
0x3f: {  	_ =	shalt  }
0x40: {  	_ =	shalt  }
0x41: {  	_ =	shalt  }
0x42: {  	_ =	shalt  }
0x43: {  	_ =	shalt  }
0x44: {  	_ =	shalt  }
0x45: {  	_ =	shalt  }
0x46: {  	_ =	shalt  }
0x47: {  	_ =	shalt  }
0x48: {  	_ =	shalt  }
0x49: {  	_ =	shalt  }
0x4a: {  	_ =	shalt  }
0x4b: {  	_ =	shalt  }
0x4c: {  	_ =	shalt  }
0x4d: {  	_ =	shalt  }
0x4e: {  	_ =	shalt  }
0x4f: {  	_ =	shalt  }
0x50: {  	_ =	shalt  }
0x51: {  	_ =	shalt  }
0x52: {  	_ =	shalt  }
0x53: {  	_ =	shalt  }
0x54: {  	_ =	shalt  }
0x55: {  	_ =	shalt  }
0x56: {  	_ =	shalt  }
0x57: {  	_ =	shalt  }
0x58: {  	_ =	shalt  }
0x59: {  	_ =	shalt  }
0x5a: {  	_ =	shalt  }
0x5b: {  	_ =	shalt  }
0x5c: {  	_ =	shalt  }
0x5d: {  	_ =	shalt  }
0x5e: {  	_ =	shalt  }
0x5f: {  	_ =	shalt  }
0x60: {  	_ =	shalt  }
0x61: {  	_ =	shalt  }
0x62: {  	_ =	shalt  }
0x63: {  	_ =	shalt  }
0x64: {  	_ =	shalt  }
0x65: {  	_ =	shalt  }
0x66: {  	_ =	shalt  }
0x67: {  	_ =	shalt  }
0x68: {  	_ =	shalt  }
0x69: {  	_ =	shalt  }
0x6a: {  	_ =	shalt  }
0x6b: {  	_ =	shalt  }
0x6c: {  	_ =	shalt  }
0x6d: {  	_ =	shalt  }
0x6e: {  	_ =	shalt  }
0x6f: {  	_ =	shalt  }
0x70: {  	_ =	shalt  }
0x71: {  	_ =	shalt  }
0x72: {  	_ =	shalt  }
0x73: {  	_ =	shalt  }
0x74: {  	_ =	shalt  }
0x75: {  	_ =	shalt  }
0x76: {  	_ =	shalt  }
0x77: {  	_ =	shalt  }
0x78: {  	_ =	shalt  }
0x79: {  	_ =	shalt  }
0x7a: {  	_ =	shalt  }
0x7b: {  	_ =	shalt  }
0x7c: {  	_ =	shalt  }
0x7d: {  	_ =	shalt  }
0x7e: {  	_ =	shalt  }
0x7f: {  	_ =	shalt  }
0x80: {  	_ =	shalt  }
0x81: {  	_ =	shalt  }
0x82: {  	_ =	shalt  }
0x83: {  	_ =	shalt  }
0x84: {  	_ =	shalt  }
0x85: {  	_ =	shalt  }
0x86: {  	_ =	shalt  }
0x87: {  	_ =	shalt  }
.Lfunc_end0:
.L_simem_size_0:
called_computation.3_lowered:
.L_overlay_start_0:
0x88: {  	s2 =	sld [smem:$0x3FD9]  }
0x89: {  	s3 =	sld [smem:$0x3FFE];
	_ =	sdelay $0x1  }
0x8a: {  	s1 =	srdreg.scid  }
0x8b: {  	s0 =	sand.u32 $0x1, s1  }
0x8c: {  	s17 =	sshll.u32 s0, $0xA;
	s2 =	sadd.s32 s3, s2  }
0x8d: {  	s2 =	sadd.s32 s2, s17  }
0x8e: {  	[smem:$0x3FC0] =	sst s2  }
0x8f: {  	_ = 	snop  }
0x90: {  	s2 =	sld [smem:$0x3FD0];
	(tm) =	ssettm $0x1  }
0x91: {  	s18 =	sld [smem:$0x3FFB];
	_ =	sdelay $0x3  }
0x92: {  	_ =	strace s18  }
0x93: {  	s3 =	sld [smem:$0x3FFC];
	_ =	sdelay $0x3  }
0x94: {  	_ =	strace s3  }
0x95: {  	s3 =	sld [smem:$0x3FFD];
	_ =	sdelay $0x3  }
0x96: {  	_ =	strace s3  }
0x97: {  	_ =	strace $0x8FFFFFFF  }
0x98: {  	s19 =	sld [smem:$0x3FDB];
	_ =	sdelay $0x1  }
0x99: {  	s4 =	simm.s32 $_scs_section_size  }
0x9a: {  	s5 =	simm.s32 $_size__tile_overlayer_lowered;
	s6 =	simm.s32 $_tile_overlayer_lowered  }
0x9b: {  	s22 =	simm.s32 $0x1BFF;
	s21 =	sshll.u32 s6, $0x1;
	s3 =	sadd.s32 s4, s19  }
0x9c: {  	s7 =	simm.s32 $0x0;
	s20 =	sshll.u32 s5, $0x1;
	s5 =	sadd.s32 s21, s3  }
0x9d: {  	[timem:s7], [sflag:s22] =	dma.local [hbm:s5], s20  }
0x9e: {  	_ =	swait.ge [sflag:s22], s20  }
0x9f: {  	s4 =	ssub.s32 $0x0, s20;
	[sflag:s22] =	ssyncset.done $0x0  }
0xa0: {  	[sflag:s22] =	ssyncadd.s32 s4;
	_ =	sdelay $0x1  }
0xa1: {  	s23 =	simm.s32 $0x1B8B  }
0xa2: {  	_ =	swait.ge [sflag:s23], $0x1  }
0xa3: {  	[sflag:s23] =	ssyncset.done $0x0  }
0xa4: {  	s25 =	simm.s32 $0x1B8E;
	s24 =	sld [smem:$0x3FFE];
	[sflag:s23] =	ssyncadd.s32 $0xFFFFFFFF  }
0xa5: {  	s26 =	simm.s32 $execute0_lowered;
	[smem:$0x3FD2] =	sst s25  }
0xa6: {  	s5 =	sshll.u32 s26, $0x1;
	_ =	strace $0x8000004F;
	[dreg:$0x1] =	wrdreg $0xFFFFFFFF  }
0xa7: {  	s28 =	simm.s32 $_size_execute0_lowered;
	s3 =	sadd.s32 s3, s5;
	[dreg:$0x0] =	wrdreg $0x0  }
0xa8: {  	s5 =	sshll.u32 s28, $0x1;
	[dreg:$0x2] =	wrdreg s3  }
0xa9: {  	[dreg:$0x3] =	wrdreg s5  }
0xaa: {  	[dreg:$0x4] =	wrdreg $0xC0  }
0xab: {  	_ =	task [dreg:s7], $0x5FFFF  }
0xac: {  	[dreg:$0x1] =	wrdreg $0xFFFFFFFF  }
0xad: {  	[dreg:$0x0] =	wrdreg $0x60  }
0xae: {  	[dreg:$0x2] =	wrdreg s2  }
0xaf: {  	[dreg:$0x3] =	wrdreg s24  }
0xb0: {  	[dreg:$0x4] =	wrdreg $0x80000  }
0xb1: {  	[dreg:$0x5] =	wrdreg $0x9  }
0xb2: {  	_ =	task.clear_ibuf [dreg:s7], $0x6FFFF;
	_ =	strace $0x9000004F  }
0xb3: {  	s29 =	simm.s32 $0x9;
	_ =	strace $0x80000051  }
0xb4: {  	_ =	swait.ge [sflag:s29], $0x1  }
0xb5: {  	[sflag:s29] =	ssyncadd.s32 $0xFFFFFFFF  }
0xb6: {  	_ =	strace $0x90000051  }
0xb7: {  	_ =	sfence  }
0xb8: {  	s30 =	sld [smem:$0x0];
	_ =	sdelay $0x2  }
0xb9: {  	s31 =	sshll.u32 s1, $0xD;
	s1 =	sshrl.u32 s1, $0x2  }
0xba: {  	s3 =	sand.u32 $0x4000, s31;
	s1 =	sadd.s32 s1, s30  }
0xbb: {  	s0 =	sor.u32 s3, s0;
	s1 =	sshll.u32 s1, $0x11  }
0xbc: {  	s0 =	sor.u32 s1, s0  }
0xbd: {  	s0 =	sadd.s32 $0x8F2B, s0  }
0xbe: {  	[sflag:s0] =	ssyncadd.remote.s32 $0x1  }
0xbf: {  	_ =	sfence.sel $0xFFFF  }
0xc0: {  	[dreg:$0x0] =	wrdreg $0xFFFFFFFF;
	(pc) =	sbr.abs _section_cstart, $3  }
0xc1: {  	[dreg:$0x1] =	wrdreg $0xFFFFFFFF  }
0xc2: {  	_ =	task.clear_ibuf [dreg:s7], $0x2FFFF;
	_ =	strace $0x9FFFFFFF  }
0xc3: {  	(tm) =	ssettm $0x7FFFFFFF  }
tec
execute0_lowered:
.L_overlay_start_1:
0x0: {  	(tag) =	ssettag $0x1  }
0x1: {  	s1 =	srdreg.scid;
	s0 =	rddreg [dreg:$0x0]  }
0x2: {  	s5 =	rddreg [dreg:$0x1];
	s10 =	stileid.u32  }
0x3: {  	s2 =	rddreg [dreg:$0x2];
	s20 =	simm.s32 $0x7;
	s21 =	simm.s32 $0x8  }
0x4: {  	s22 =	simm.s32 $0x9;
	s23 =	simm.s32 $0xA;
	s25 =	simm.s32 $0xB  }
0x5: {  	s28 =	simm.s32 $0x0;
	s1 =	sand.u32 $0x1, s1;
	s7 =	smul.u32 $0x278, s10  }
0x6: {  	s13 =	sadd.s32 $0x27100, s2;
	p0 =	sne.s32 s10, $0x0;
	s31 =	sshll.u32 s10, $0x6  }
0x7: {  	s3 =	sshll.u32 s1, $0x4;
	s6 =	smul.u32 $0x4E20, s1;
	s1 =	ssub.s32 $0x2, s1  }
0x8: {  	s4 =	sor.u32 s10, s3;
	s3 =	simm.s32 $0x0;
	s9 =	sshrl.u32 s1, $0x1  }
0x9: {  	s7 =	smin.u32 s7, $0x2498;
	s10 =	sor.u32 $0x1C0D, s31;
	s4 =	smul.u32 $0x500, s4  }
0xa: {  	[smem:$0x7FF] =	sst s3;
	s11 =	sadd.s32 s6, s5;
	s1 =	ssub.s32 s1, s9  }
0xb: {  	s30 =	sshll.u32 s7, $0x4;
	s15 =	sshll.u32 s7, $0x1;
	_ =	strace $0x80000050  }
0xc: {  	s12 =	sadd.s32 s30, s2;
	s14 =	sadd.s32 $0x17200, s11;
	s7 =	smax.u32 s1, $0x1  }
0xd: {  	s8 =	sadd.s32 s4, s5;
	s4 =	sadd.s32 $0x16C00, s5;
	s11 =	sshrl.u32 s12, $0x3  }
0xe: {  	s12 =	sshrl.u32 @!p0 s13, $0x3;
	s13 =	simm.s32 $0x80;
	s26 =	sadd.s32 $0xCC00, s8  }
0xf: {  	s24 =	sadd.s32 s15, s14;
	s29 =	sadd.s32 $0x2600, s8;
	[dreg:$0x4] =	wrdreg s26  }
0x10: {  	s8 =	simm.s32 $0xD;
	[dreg:$0x5] =	wrdreg s29;
	s26 =	simm.s32 $0xC  }
.LBB2_1:
0x11: {  	s1 =	rddreg [dreg:$0x4]  }
0x12: {  	[tilespmem:s3], [sflag:$0xD] =	stream.linear.gather [hbm4b:s1+s3], $0x2800, $0x38;
	[tilespmem:$0xA718] =	vst v63  }
0x13: {  	_ =	swait.ge [sflag:s8], $0x2800  }
0x14: {  	[sflag:s8] =	ssyncset.done $0x0  }
0x15: {  	s5 =	simm.s32 $0x2800;
	s9 =	rddreg [dreg:$0x5];
	[sflag:s8] =	ssyncadd.s32 $0xFFFFD800  }
0x16: {  	[tilespmem:s5], [sflag:$0xD] =	stream.linear.gather [hbm4b:s9+s3], $0x2800, $0x38;
	[tilespmem:$0xA718] =	vst v63  }
0x17: {  	_ =	swait.ge [sflag:s8], $0x2800  }
0x18: {  	[sflag:s8] =	ssyncset.done $0x0  }
0x19: {  	[sflag:s8] =	ssyncadd.s32 $0xFFFFD800  }
0x1a: {  	[spmem:s11], [sflag:s10] =	dma.local [hbm:s4], $0x4F0  }
0x1b: {  	_ =	swait.ge [sflag:s8], $0x4F0  }
0x1c: {  	[sflag:s8] =	ssyncset.done $0x0  }
0x1d: {  	s14 =	simm.s32 $0x5000;
	s1 =	simm.s32 @!p0 $0xD;
	[sflag:s8] =	ssyncadd.s32 $0xFFFFFB10  }
0x1e: {  	[spmem:s12], [sflag:s10] =	dma.local @!p0 [hbm:s4], $0x10  }
0x1f: {  	s15 =	simm.s32 $0x5800;
	s16 =	simm.s32 $0x100;
	_ =	swait.ge @!p0 [sflag:s1], $0x10  }
0x20: {  	s6 =	simm.s32 $0x6000;
	s17 =	smul.u32 $0xAB, s3;
	[sflag:s1] =	ssyncset.done @!p0 $0x0  }
0x21: {  	s18 =	simm.s32 $0x180;
	p2 =	por $0x0, $0x0;
	[sflag:s1] =	ssyncadd.s32 @!p0 $0xFFFFFFF0  }
0x22: {  	s31 =	simm.s32 $0x1;
	s30 =	simm.s32 $0x2880;
	[bflag:$0x0] =	sbarrier.arrive $0xFFFF  }
0x23: {  	[tilespmem:s14], [sflag:$0x1] =	stream.indirect.gather [hbm4b:s0+s13], $0x10, s3, s13, $0xb8;
	[tilespmem:$0xA718] =	vst v63  }
0x24: {  	s29 =	simm.s32 $0x280;
	s1 =	sshrl.u32 s17, $0xA;
	s14 =	simm.s32 $0x4  }
0x25: {  	p1 =	por p2, p2;
	s1 =	sand.u32 $0x3F, s1;
	s14 =	smul.u32 @!p2 $0xAB, s14  }
0x26: {  	[tilespmem:s15], [sflag:$0x2] =	stream.indirect.gather [hbm4b:s0+s13], $0x10, s13, s13, $0xb8;
	[tilespmem:$0xA718] =	vst v63  }
0x27: {  	s9 =	simm.s32 $0x6800;
	p2 =	por @!p2 $0x1, $0x1;
	s15 =	smul.u32 $0x6, s1  }
0x28: {  	[tilespmem:s6], [sflag:$0x3] =	stream.indirect.gather [hbm4b:s0+s13], $0x10, s16, s13, $0xb8;
	[tilespmem:$0xA718] =	vst v63  }
0x29: {  	s1 =	simm.s32 $0x200;
	s15 =	ssub.s32 $0x0, s15;
	s16 =	sshrl.u32 @!p1 s14, $0xA  }
0x2a: {  	p2 =	por p2, p1;
	s15 =	sand.u32 $0xFF, s15;
	s16 =	sand.u32 @!p1 $0x3F, s16  }
0x2b: {  	[tilespmem:s9], [sflag:$0x4] =	stream.indirect.gather [hbm4b:s0+s13], $0x10, s18, s13, $0xb8;
	[tilespmem:$0xA718] =	vst v63  }
0x2c: {  	s14 =	simm.s32 $0x2;
	s17 =	sadd.s32 $0x1, s15;
	s16 =	smul.u32 @!p1 $0x6, s16  }
0x2d: {  	s18 =	sshll.u32 s15, $0xB;
	s15 =	sadd.s32 $0x7, s15;
	_ =	swait.ge [sflag:s17], $0x800  }
0x2e: {  	s19 =	sadd.s32 $0x5000, s18;
	[sflag:s17] =	ssyncset.done $0x0;
	s16 =	ssub.s32 @!p1 $0x4, s16  }
0x2f: {  	[sflag:s17] =	ssyncadd.s32 $0xFFFFF800;
	s16 =	sand.u32 @!p1 $0xFF, s16;
	s17 =	smul.u32 $0xAB, s31  }
0x30: {  	[spmem:s2] =	stream.indirect.scatter.add.f32 [tilespmem:s19], [sflag:s15], $0x10, s5, s13, $0xb8;
	[tilespmem:$0xA718] =	vst v63  }
0x31: {  	s15 =	simm.s32 @!p1 $0x80;
	s18 =	sadd.s32 @!p2 $0x7, s16;
	s19 =	sshll.u32 @!p1 s16, $0xB  }
.LBB2_2:
0x32: {  	s5 =	sadd.s32 $0x4, s31;
	p4 =	sgt.u32 s31, $0x4B  }
0x33: {  	_ =	swait.ge @!p2 [sflag:s18], $0x800;
	s6 =	smov.u32 s14;
	s9 =	smov.u32 s30  }
0x34: {  	s17 =	sshrl.u32 s17, $0xA;
	s19 =	sadd.s32 @!p1 $0x5000, s19;
	[sflag:s18] =	ssyncset.done @!p2 $0x0  }
0x35: {  	s16 =	sadd.s32 @!p1 $0x1, s16;
	s17 =	sand.u32 $0x3F, s17;
	[sflag:s18] =	ssyncadd.s32 @!p2 $0xFFFFF800  }
0x36: {  	[tilespmem:s19], [sflag:s16] =	stream.indirect.gather @!p1 [hbm4b:s0+s15], $0x10, s1, s15, $0xb8;
	[tilespmem:$0xA718] =	vst v63  }
0x37: {  	s14 =	sadd.s32 $0x1, s14;
	p2 =	slt.u32 @!p4 s31, $0x2;
	s15 =	smul.u32 $0x6, s17  }
0x38: {  	p3 =	sne.s32 s14, $0x50;
	s16 =	smul.u32 @!p4 $0xAB, s5;
	s1 =	smov.u32 s29  }
0x39: {  	p1 =	por p4, p4;
	s15 =	ssub.s32 s31, s15;
	s31 =	smov.u32 s6  }
0x3a: {  	s30 =	sadd.s32 $0x80, s30;
	s6 =	sand.u32 $0xFF, s15;
	s15 =	sshrl.u32 @!p1 s16, $0xA  }
0x3b: {  	s29 =	sadd.s32 $0x80, s29;
	s18 =	sshll.u32 s6, $0xB;
	s15 =	sand.u32 @!p1 $0x3F, s15  }
0x3c: {  	p2 =	por p2, p1;
	s16 =	sadd.s32 $0x1, s6;
	s19 =	smul.u32 @!p1 $0x6, s15  }
.Ltmp0:
0x3d: {  	s15 =	simm.s32 @!p1 $0x80;
	_ =	swait.ge [sflag:s16], $0x800;
	(pc) =	sbr.rel @p3 .LBB2_2-.Ltmp0, $4  }
0x3e: {  	s17 =	smul.u32 $0xAB, s31;
	s5 =	ssub.s32 @!p1 s5, s19;
	[sflag:s16] =	ssyncset.done $0x0  }
0x3f: {  	s6 =	sadd.s32 $0x7, s6;
	[sflag:s16] =	ssyncadd.s32 $0xFFFFF800;
	s16 =	sand.u32 @!p1 $0xFF, s5  }
0x40: {  	s5 =	sadd.s32 $0x5000, s18;
	s18 =	sadd.s32 @!p2 $0x7, s16;
	s19 =	sshll.u32 @!p1 s16, $0xB  }
0x41: {  	[spmem:s2] =	stream.indirect.scatter.add.f32 [tilespmem:s5], [sflag:s6], $0x10, s9, s13, $0xb8;
	[tilespmem:$0xA718] =	vst v63  }
0x42: {  	_ =	swait.ge @!p2 [sflag:s18], $0x800  }
0x43: {  	s5 =	sshrl.u32 s17, $0xA;
	s6 =	sadd.s32 @!p1 $0x5000, s19;
	[sflag:s18] =	ssyncset.done @!p2 $0x0  }
0x44: {  	s9 =	sadd.s32 @!p1 $0x1, s16;
	s5 =	sand.u32 $0x3F, s5;
	[sflag:s18] =	ssyncadd.s32 @!p2 $0xFFFFF800  }
0x45: {  	[tilespmem:s6], [sflag:s9] =	stream.indirect.gather @!p1 [hbm4b:s0+s15], $0x10, s1, s15, $0xb8;
	[tilespmem:$0xA718] =	vst v63  }
0x46: {  	p2 =	sgt.u32 s31, $0x4B;
	s5 =	smul.u32 $0x6, s5;
	s1 =	sadd.s32 $0x4, s31  }
0x47: {  	s6 =	smul.u32 @!p2 $0xAB, s1  }
0x48: {  	p1 =	por p2, p2;
	s5 =	ssub.s32 s31, s5  }
0x49: {  	s5 =	sand.u32 $0xFF, s5;
	s6 =	sshrl.u32 @!p1 s6, $0xA  }
0x4a: {  	s19 =	sadd.s32 $0x1, s5;
	s6 =	sand.u32 @!p1 $0x3F, s6  }
0x4b: {  	p2 =	slt.u32 @!p2 s31, $0x2;
	_ =	swait.ge [sflag:s19], $0x800;
	s6 =	smul.u32 @!p1 $0x6, s6  }
0x4c: {  	s14 =	sshll.u32 s5, $0xB;
	s5 =	sadd.s32 $0x7, s5;
	[sflag:s19] =	ssyncset.done $0x0  }
0x4d: {  	s31 =	sadd.s32 $0x5000, s14;
	[sflag:s19] =	ssyncadd.s32 $0xFFFFF800;
	s1 =	ssub.s32 @!p1 s1, s6  }
0x4e: {  	[spmem:s2] =	stream.indirect.scatter.add.f32 [tilespmem:s31], [sflag:s5], $0x10, s30, s13, $0xb8;
	[tilespmem:$0xA718] =	vst v63  }
0x4f: {  	p2 =	por p2, p1;
	s1 =	sand.u32 @!p1 $0xFF, s1  }
0x50: {  	s9 =	sadd.s32 @!p2 $0x7, s1  }
0x51: {  	_ =	swait.ge @!p2 [sflag:s9], $0x800  }
0x52: {  	s5 =	simm.s32 @!p1 $0x80;
	s6 =	sshll.u32 @!p1 s1, $0xB;
	[sflag:s9] =	ssyncset.done @!p2 $0x0  }
0x53: {  	s1 =	sadd.s32 @!p1 $0x1, s1;
	s6 =	sadd.s32 @!p1 $0x5000, s6;
	[sflag:s9] =	ssyncadd.s32 @!p2 $0xFFFFF800  }
0x54: {  	[tilespmem:s6], [sflag:s1] =	stream.indirect.gather @!p1 [hbm4b:s0+s5], $0x10, s29, s5, $0xb8;
	[tilespmem:$0xA718] =	vst v63  }
0x55: {  	_ =	swait.ge [sflag:s20], $0x800  }
0x56: {  	[sflag:s20] =	ssyncset.done $0x0  }
0x57: {  	[sflag:s20] =	ssyncadd.s32 $0xFFFFF800  }
0x58: {  	_ =	swait.ge [sflag:s21], $0x800  }
0x59: {  	[sflag:s21] =	ssyncset.done $0x0  }
0x5a: {  	[sflag:s21] =	ssyncadd.s32 $0xFFFFF800  }
0x5b: {  	_ =	swait.ge [sflag:s22], $0x800  }
0x5c: {  	[sflag:s22] =	ssyncset.done $0x0  }
0x5d: {  	[sflag:s22] =	ssyncadd.s32 $0xFFFFF800  }
0x5e: {  	_ =	swait.ge [sflag:s23], $0x800  }
0x5f: {  	[sflag:s23] =	ssyncset.done $0x0  }
0x60: {  	[sflag:s23] =	ssyncadd.s32 $0xFFFFF800  }
0x61: {  	_ =	swait.ge [sflag:s25], $0x800  }
0x62: {  	[sflag:s25] =	ssyncset.done $0x0  }
0x63: {  	[sflag:s25] =	ssyncadd.s32 $0xFFFFF800  }
0x64: {  	_ =	swait.ge [sflag:s26], $0x800  }
0x65: {  	s28 =	sadd.s32 $0x1, s28;
	[sflag:s26] =	ssyncset.done $0x0  }
0x66: {  	p1 =	sne.s32 s28, s7;
	[sflag:s26] =	ssyncadd.s32 $0xFFFFF800  }
.Ltmp1:
0x67: {  	[bflag:$0x0] =	sbarrier.arrive $0xFFFF;
	(pc) =	sbr.rel @p1 .LBB2_1-.Ltmp1, $4  }
0x68: {  	[hbm:s24], [sflag:s10] =	dma.local [spmem:s11], $0x4F0  }
0x69: {  	_ =	swait.ge [sflag:s8], $0x4F0  }
0x6a: {  	[sflag:s8] =	ssyncset.done $0x0  }
0x6b: {  	[sflag:s8] =	ssyncadd.s32 $0xFFFFFB10  }
0x6c: {  	_ =	sfence.sel $0x180000  }
0x6d: {  	[bflag:$0x0] =	sbarrier.arrive $0xFFFF  }
0x6e: {  	_ =	strace $0x90000050  }
0x6f: {  	[bflag:$0x2] =	sbarrier.arrive $0xFFFF  }
0x70: {  	s0 =	rddreg [dreg:$0x3]  }
0x71: {  	s0 =	sadd.s32 @!p0 $0x100000, s0  }
0x72: {  	[sflag:s0] =	ssyncadd.tile.s32 @!p0 $0x1;
	_ =	shalt  }
.Lfunc_end2:
_tile_overlayer_lowered:
.L_overlay_start_2:
0x73: {  	(tag) =	ssettag $0x2  }
0x74: {  	s0 =	rddreg [dreg:$0x0];
	s2 =	stileid.u32  }
0x75: {  	s1 =	rddreg [dreg:$0x1];
	p0 =	sne.s32 s2, $0x0  }
0x76: {  	s3 =	rddreg [dreg:$0x2];
	[bflag:$0x3] =	sbarrier.arrive $0xFFFF;
	s2 =	simm.s32 @!p0 $0x1C0D  }
0x77: {  	[timem:s3], [sflag:s2] =	dma.local @!p0 [hbm:s0], s1  }
0x78: {  	s0 =	simm.s32 @!p0 $0xD  }
0x79: {  	_ =	swait.ge @!p0 [sflag:s0], s1  }
0x7a: {  	s1 =	ssub.s32 @!p0 $0x0, s1;
	[sflag:s0] =	ssyncset.done @!p0 $0x0  }
0x7b: {  	[sflag:s0] =	ssyncadd.s32 @!p0 s1  }
0x7c: {  	[bflag:$0x3] =	sbarrier.arrive $0xFFFF  }
0x7d: {  	_ =	shalt  }

</sc_bundles>
